<compile_context>
chip_gen: v7x
topology: tpu7x:2x2x1
jax: 0.10.2.dev20260603
libtpu: 0.0.44.dev20260713+nightly
codegen_flags: <defaults>
</compile_context>

<pallas_src>
import functools

import jax
import jax.numpy as jnp
from jax import lax
from jax.experimental import pallas as pl
from jax.experimental.pallas import tpu as pltpu, tpu_sc as plsc

B = 8
N = 50000
E = 1600000
N_PAD = 50048
QP = N_PAD // 4
HQ = QP // 2
EPT = E // 4
C = 3200
CR = C // 128
NCHUNK = EPT // C
NS = 16

_mesh = plsc.VectorSubcoreMesh(core_axis_name="c", subcore_axis_name="s")


@functools.partial(
    pl.kernel,
    out_type=(
        jax.ShapeDtypeStruct((B * N_PAD,), jnp.float32),
        jax.ShapeDtypeStruct((2 * NS * N_PAD,), jnp.float32),
    ),
    mesh=_mesh,
    compiler_params=pltpu.CompilerParams(
        needs_layout_passes=False, use_tc_tiling_on_sc=False
    ),
    scratch_types=[
        pltpu.VMEM((N_PAD,), jnp.float32),
        pltpu.VMEM((N_PAD,), jnp.float32),
        pltpu.VMEM((2, C), jnp.int32),
        pltpu.VMEM((2, C), jnp.int32),
        pltpu.VMEM((2, CR, 128), jnp.float32),
        pltpu.VMEM((HQ,), jnp.float32),
        pltpu.VMEM((16,), jnp.float32),
        pltpu.SemaphoreType.DMA,
        pltpu.SemaphoreType.DMA,
    ],
)
def _advect(rho_hbm, u_hbm, src_hbm, dst_hbm, params_hbm, out_hbm, part_hbm,
            rho_v, acc_v, src_d, dst_d, u_d, tmp_v, params_v, sem0, sem1):
    c = lax.axis_index("c")
    s = lax.axis_index("s")
    b_local = s % 4
    part = s // 4
    b = 4 * c + b_local
    sems = (sem0, sem1)

    pltpu.sync_copy(rho_hbm.at[pl.ds(b * N_PAD, N_PAD)], rho_v)
    pltpu.sync_copy(params_hbm, params_v)
    kappa_vec = plsc.load_gather(params_v, [jnp.full((16,), 8, jnp.int32)])
    dt_vec = plsc.load_gather(params_v, [jnp.full((16,), b, jnp.int32)])

    ebase = part * EPT
    rbase = part * (EPT // 128)

    def start_chunk(t, j):
        off = t * C
        pltpu.async_copy(src_hbm.at[pl.ds(ebase + off, C)], src_d.at[j], sems[j])
        pltpu.async_copy(dst_hbm.at[pl.ds(ebase + off, C)], dst_d.at[j], sems[j])
        pltpu.async_copy(u_hbm.at[pl.ds(rbase + t * CR, CR), b, :], u_d.at[j],
                         sems[j])

    def wait_chunk(j):
        pltpu.make_async_copy(src_hbm.at[pl.ds(0, C)], src_d.at[j], sems[j]).wait()
        pltpu.make_async_copy(dst_hbm.at[pl.ds(0, C)], dst_d.at[j], sems[j]).wait()
        pltpu.make_async_copy(u_hbm.at[pl.ds(0, CR), 0, :], u_d.at[j],
                              sems[j]).wait()

    start_chunk(0, 0)

    zeros16 = jnp.zeros((16,), jnp.float32)

    @plsc.parallel_loop(0, N_PAD // 128)
    def _zero(jj):
        base = pl.multiple_of(jj * 128, 128)
        for q in range(8):
            acc_v[pl.ds(base + q * 16, 16)] = zeros16

    def compute_chunk(j):
        @plsc.parallel_loop(0, CR)
        def _rows(r):
            ro = pl.multiple_of(r * 128, 128)
            for q in range(8):
                oq = ro + q * 16
                si = src_d[j, pl.ds(oq, 16)]
                di = dst_d[j, pl.ds(oq, 16)]
                uu = u_d[j, r, pl.ds(q * 16, 16)]
                rs = plsc.load_gather(rho_v, [si])
                rd = plsc.load_gather(rho_v, [di])
                up = jnp.where(uu >= 0.0, rs, rd)
                w = uu * up + kappa_vec * (rs - rd)
                plsc.addupdate_scatter(acc_v, [si], w)
                plsc.addupdate_scatter(acc_v, [di], -w)

    def outer(t0, carry):
        for j in range(2):
            t = t0 * 2 + j
            start_chunk(t + 1, 1 - j)
            wait_chunk(j)
            compute_chunk(j)
        return carry

    lax.fori_loop(0, (NCHUNK - 1) // 2, outer, 0)
    wait_chunk(0)
    compute_chunk(0)

    tid = c * NS + s
    pltpu.sync_copy(acc_v, part_hbm.at[pl.ds(pl.multiple_of(tid * N_PAD, 8), N_PAD)])
    plsc.subcore_barrier()

    nbase = part * QP
    for p in range(4):
        jj = c * NS + b_local + 4 * p

        @pl.when(jj != tid)
        def _():
            for blk in range(2):
                boff = nbase + blk * HQ
                pltpu.sync_copy(
                    part_hbm.at[pl.ds(pl.multiple_of(jj * N_PAD + boff, 8), HQ)],
                    tmp_v,
                )

                @plsc.parallel_loop(0, HQ // 16)
                def _add(i):
                    o = pl.multiple_of(i * 16, 16)
                    acc_v[pl.ds(boff + o, 16)] = (
                        acc_v[pl.ds(boff + o, 16)] + tmp_v[pl.ds(o, 16)]
                    )

    for blk in range(2):
        boff = nbase + blk * HQ

        @plsc.parallel_loop(0, HQ // 16)
        def _out(i):
            o = pl.multiple_of(i * 16, 16)
            tmp_v[pl.ds(o, 16)] = (
                rho_v[pl.ds(boff + o, 16)] - dt_vec * acc_v[pl.ds(boff + o, 16)]
            )

        pltpu.sync_copy(tmp_v, out_hbm.at[pl.ds(b * N_PAD + boff, HQ)])


def kernel(rho, u, dt, edge_src, edge_dst, kappa):
    rho_p = jnp.pad(rho, ((0, 0), (0, N_PAD - N))).reshape(-1)
    params = (
        jnp.zeros((16,), jnp.float32)
        .at[:8].set(dt.astype(jnp.float32))
        .at[8].set(kappa.astype(jnp.float32))
    )
    u3 = u.reshape(B, E // 128, 128).transpose(1, 0, 2)
    out, _ = _advect(
        rho_p,
        u3,
        edge_src.astype(jnp.int32),
        edge_dst.astype(jnp.int32),
        params,
    )
    return out.reshape(B, N_PAD)[:, :N]

# --- scband reference (transcript-rebuilt; emitter-appended) ---
"""Pipeline reference for scband-conservative-advection-88441966559592 (READ-ONLY COPY).

The authoritative reference and input builder live on the scoring server;
editing this copy changes nothing except your own understanding.
"""

import jax, jax.numpy as jnp
import numpy as np

B = 8
N = 50000
E = 1600000


def setup_inputs(seed: int = 0) -> dict:
    key = jax.random.key(seed)
    k1, k2, k3, k4, k5 = jax.random.split(key, 5)
    rho = jax.random.normal(k1, (B, N), dtype=jnp.float32)
    u = jax.random.normal(k2, (B, E), dtype=jnp.float32)
    dt = jax.random.uniform(k3, (B,), dtype=jnp.float32)
    edge_src = jax.random.randint(k4, (E,), 0, N, dtype=jnp.int64 if jax.config.jax_enable_x64 else jnp.int32)
    edge_dst = jax.random.randint(k5, (E,), 0, N, dtype=jnp.int64 if jax.config.jax_enable_x64 else jnp.int32)
    kappa = jnp.asarray(0.01, dtype=jnp.float32)
    return {"rho": rho, "u": u, "dt": dt, "edge_src": edge_src, "edge_dst": edge_dst, "kappa": kappa}


def reference(rho, u, dt, edge_src, edge_dst, kappa):
    # Gather endpoint densities for every edge: (B, E)
    rho_src = jnp.take(rho, edge_src, axis=-1)
    rho_dst = jnp.take(rho, edge_dst, axis=-1)
    # Upwind flux: advect the density on the upstream side of the edge
    upwind_rho = jnp.where(u >= 0, rho_src, rho_dst)
    phi = u * upwind_rho
    # Conservative divergence: +phi at src, -phi at dst (scatter-add)
    zeros = jnp.zeros((rho.shape[0], rho.shape[-1]), dtype=rho.dtype)
    div_phi = zeros.at[:, edge_src].add(phi).at[:, edge_dst].add(-phi)
    # Graph Laplacian applied to rho via edge differences
    diff = rho_src - rho_dst
    lap = zeros.at[:, edge_src].add(diff).at[:, edge_dst].add(-diff)
    # dt is (B,) -> broadcast to (B, 1)
    dt_b = dt[:, None]
    return rho - dt_b * div_phi - dt_b * kappa * lap

if __name__ == "__main__":
    import jax
    _d = setup_inputs()
    print(jax.jit(kernel)(*tuple(_d.values())))

</pallas_src>

<mosaic_0001>
#map = affine_map<(d0, d1) -> (0)>
#map1 = affine_map<(d0, d1) -> (0, 0, 0)>
module attributes {stable_mosaic.version = 14 : i64} {
  func.func @_advect(%arg0: i32, %arg1: i32, %arg2: memref<400384xf32, #tpu.memory_space<hbm>>, %arg3: memref<12500x8x128xf32, #tpu.memory_space<hbm>>, %arg4: memref<1600000xi32, #tpu.memory_space<hbm>>, %arg5: memref<1600000xi32, #tpu.memory_space<hbm>>, %arg6: memref<16xf32, #tpu.memory_space<hbm>>, %arg7: memref<400384xf32, #tpu.memory_space<hbm>>, %arg8: memref<1601536xf32, #tpu.memory_space<hbm>>, %arg9: memref<50048xf32, #tpu.memory_space<vmem>>, %arg10: memref<50048xf32, #tpu.memory_space<vmem>>, %arg11: memref<2x3200xi32, #tpu.memory_space<vmem>>, %arg12: memref<2x3200xi32, #tpu.memory_space<vmem>>, %arg13: memref<2x25x128xf32, #tpu.memory_space<vmem>>, %arg14: memref<6256xf32, #tpu.memory_space<vmem>>, %arg15: memref<16xf32, #tpu.memory_space<vmem>>, %arg16: memref<!tpu.dma_semaphore, #tpu.memory_space<semaphore_mem>>, %arg17: memref<!tpu.dma_semaphore, #tpu.memory_space<semaphore_mem>>) attributes {dimension_semantics = [#tpu.dimension_semantics<core_parallel>, #tpu.dimension_semantics<subcore_parallel>], iteration_bounds = array<i64: 2, 16>, scalar_prefetch = 0 : i64, scratch_operands = 9 : i64, tpu.core_type = #tpu.core_type<sc_vector_subcore>, window_params = [{transform_indices = #map}, {transform_indices = #map1}, {transform_indices = #map}, {transform_indices = #map}, {transform_indices = #map}, {transform_indices = #map}, {transform_indices = #map}]} {
    %jit3A = arith.constant 4 : i32
    %eq3A = arith.constant 0 : i32
    %eq3A_0 = arith.cmpi eq, %jit3A, %eq3A : i32
    %jit3A_1 = arith.constant 1 : i32
    %select_n3A = arith.select %eq3A_0, %jit3A_1, %jit3A : i32
    %rem3A = arith.remsi %arg1, %select_n3A : i32
    %ne3A = arith.constant 0 : i32
    %ne3A_2 = arith.cmpi ne, %rem3A, %ne3A : i32
    %lt3A = arith.constant 0 : i32
    %lt3A_3 = arith.cmpi slt, %rem3A, %lt3A : i32
    %lt3A_4 = arith.constant 0 : i32
    %lt3A_5 = arith.cmpi slt, %select_n3A, %lt3A_4 : i32
    %ne3A_6 = arith.xori %lt3A_3, %lt3A_5 : i1
    %and3A = arith.andi %ne3A_6, %ne3A_2 : i1
    %add3A = arith.addi %rem3A, %select_n3A : i32
    %select_n3A_7 = arith.select %and3A, %add3A, %rem3A : i32
    %jit3A_8 = arith.constant 4 : i32
    %div3A = arith.divsi %arg1, %jit3A_8 : i32
    %sign3A = arith.constant 0 : i32
    %sign3A_9 = arith.cmpi sgt, %arg1, %sign3A : i32
    %sign3A_10 = arith.extui %sign3A_9 : i1 to i32
    %sign3A_11 = arith.constant 0 : i32
    %sign3A_12 = arith.cmpi slt, %arg1, %sign3A_11 : i32
    %sign3A_13 = arith.extui %sign3A_12 : i1 to i32
    %sign3A_14 = arith.subi %sign3A_10, %sign3A_13 : i32
    %sign3A_15 = arith.constant 0 : i32
    %sign3A_16 = arith.cmpi sgt, %jit3A_8, %sign3A_15 : i32
    %sign3A_17 = arith.extui %sign3A_16 : i1 to i32
    %sign3A_18 = arith.constant 0 : i32
    %sign3A_19 = arith.cmpi slt, %jit3A_8, %sign3A_18 : i32
    %sign3A_20 = arith.extui %sign3A_19 : i1 to i32
    %sign3A_21 = arith.subi %sign3A_17, %sign3A_20 : i32
    %ne3A_22 = arith.cmpi ne, %sign3A_14, %sign3A_21 : i32
    %rem3A_23 = arith.remsi %arg1, %jit3A_8 : i32
    %ne3A_24 = arith.constant 0 : i32
    %ne3A_25 = arith.cmpi ne, %rem3A_23, %ne3A_24 : i32
    %and3A_26 = arith.andi %ne3A_22, %ne3A_25 : i1
    %sub3A = arith.constant 1 : i32
    %sub3A_27 = arith.subi %div3A, %sub3A : i32
    %select_n3A_28 = arith.select %and3A_26, %sub3A_27, %div3A : i32
    %mul3A = arith.constant 4 : i32
    %mul3A_29 = arith.muli %mul3A, %arg0 : i32
    %add3A_30 = arith.addi %mul3A_29, %select_n3A_7 : i32
    %mul3A_31 = arith.constant 50048 : i32
    %mul3A_32 = arith.muli %add3A_30, %mul3A_31 : i32
    "tpu.region"() ({
      %run_scoped3A = tpu.sem_alloc : memref<!tpu.dma_semaphore, #tpu.memory_space<semaphore_mem>>
      %dma_start3A_186 = tpu.memref_slice %arg2[%mul3A_32] : memref<400384xf32, #tpu.memory_space<hbm>> -> memref<50048xf32, #tpu.memory_space<hbm>>
      %dma_start3A_187 = tpu.memref_slice %arg2[%mul3A_32] : memref<400384xf32, #tpu.memory_space<hbm>> -> memref<50048xf32, #tpu.memory_space<hbm>>
      tpu.enqueue_dma source(%dma_start3A_187 : memref<50048xf32, #tpu.memory_space<hbm>>) target(%arg9 : memref<50048xf32, #tpu.memory_space<vmem>>) target_semaphore(%run_scoped3A : memref<!tpu.dma_semaphore, #tpu.memory_space<semaphore_mem>>)
      %dma_wait3A_188 = tpu.memref_slice %arg2[%mul3A_32] : memref<400384xf32, #tpu.memory_space<hbm>> -> memref<50048xf32, #tpu.memory_space<hbm>>
      %dma_wait3A_189 = tpu.memref_slice %arg2[%mul3A_32] : memref<400384xf32, #tpu.memory_space<hbm>> -> memref<50048xf32, #tpu.memory_space<hbm>>
      tpu.wait_dma2 semaphore(%run_scoped3A : memref<!tpu.dma_semaphore, #tpu.memory_space<semaphore_mem>>) src(%dma_wait3A_189 : memref<50048xf32, #tpu.memory_space<hbm>>) dst(%arg9 : memref<50048xf32, #tpu.memory_space<vmem>>)
      tpu.yield
    }) : () -> ()
    "tpu.region"() ({
      %run_scoped3A = tpu.sem_alloc : memref<!tpu.dma_semaphore, #tpu.memory_space<semaphore_mem>>
      tpu.enqueue_dma source(%arg6 : memref<16xf32, #tpu.memory_space<hbm>>) target(%arg15 : memref<16xf32, #tpu.memory_space<vmem>>) target_semaphore(%run_scoped3A : memref<!tpu.dma_semaphore, #tpu.memory_space<semaphore_mem>>)
      tpu.wait_dma2 semaphore(%run_scoped3A : memref<!tpu.dma_semaphore, #tpu.memory_space<semaphore_mem>>) src(%arg6 : memref<16xf32, #tpu.memory_space<hbm>>) dst(%arg15 : memref<16xf32, #tpu.memory_space<vmem>>)
      tpu.yield
    }) : () -> ()
    %broadcast_in_dim3A = arith.constant 8 : i32
    %broadcast_in_dim3A_33 = vector.broadcast %broadcast_in_dim3A : i32 to vector<16xi32>
    %gather3A = tpu.vector_load_idx %arg15[%broadcast_in_dim3A_33] : memref<16xf32, #tpu.memory_space<vmem>>[vector<16xi32>], vector<16xf32>,
    %broadcast_in_dim3A_34 = vector.broadcast %add3A_30 : i32 to vector<16xi32>
    %gather3A_35 = tpu.vector_load_idx %arg15[%broadcast_in_dim3A_34] : memref<16xf32, #tpu.memory_space<vmem>>[vector<16xi32>], vector<16xf32>,
    %mul3A_36 = arith.constant 400000 : i32
    %mul3A_37 = arith.muli %select_n3A_28, %mul3A_36 : i32
    %mul3A_38 = arith.constant 3125 : i32
    %mul3A_39 = arith.muli %select_n3A_28, %mul3A_38 : i32
    %add3A_40 = arith.constant 0 : i32
    %add3A_41 = arith.addi %mul3A_37, %add3A_40 : i32
    %dma_start3A = arith.constant 0 : i32
    %dma_start3A_42 = arith.constant 0 : i32
    %dma_start3A_43 = tpu.memref_slice %arg11[%dma_start3A, %dma_start3A_42] : memref<2x3200xi32, #tpu.memory_space<vmem>> -> memref<1x3200xi32, #tpu.memory_space<vmem>>
    %dma_start3A_44 = tpu.memref_squeeze %dma_start3A_43 : memref<1x3200xi32, #tpu.memory_space<vmem>> -> memref<3200xi32, #tpu.memory_space<vmem>>
    %dma_start3A_45 = tpu.memref_slice %arg4[%add3A_41] : memref<1600000xi32, #tpu.memory_space<hbm>> -> memref<3200xi32, #tpu.memory_space<hbm>>
    %dma_start3A_46 = arith.constant 0 : i32
    %dma_start3A_47 = tpu.memref_slice %arg11[%dma_start3A, %dma_start3A_46] : memref<2x3200xi32, #tpu.memory_space<vmem>> -> memref<1x3200xi32, #tpu.memory_space<vmem>>
    %dma_start3A_48 = tpu.memref_squeeze %dma_start3A_47 : memref<1x3200xi32, #tpu.memory_space<vmem>> -> memref<3200xi32, #tpu.memory_space<vmem>>
    %dma_start3A_49 = tpu.memref_slice %arg4[%add3A_41] : memref<1600000xi32, #tpu.memory_space<hbm>> -> memref<3200xi32, #tpu.memory_space<hbm>>
    tpu.enqueue_dma source(%dma_start3A_49 : memref<3200xi32, #tpu.memory_space<hbm>>) target(%dma_start3A_48 : memref<3200xi32, #tpu.memory_space<vmem>>) target_semaphore(%arg16 : memref<!tpu.dma_semaphore, #tpu.memory_space<semaphore_mem>>)
    %add3A_50 = arith.constant 0 : i32
    %add3A_51 = arith.addi %mul3A_37, %add3A_50 : i32
    %dma_start3A_52 = arith.constant 0 : i32
    %dma_start3A_53 = arith.constant 0 : i32
    %dma_start3A_54 = tpu.memref_slice %arg12[%dma_start3A_52, %dma_start3A_53] : memref<2x3200xi32, #tpu.memory_space<vmem>> -> memref<1x3200xi32, #tpu.memory_space<vmem>>
    %dma_start3A_55 = tpu.memref_squeeze %dma_start3A_54 : memref<1x3200xi32, #tpu.memory_space<vmem>> -> memref<3200xi32, #tpu.memory_space<vmem>>
    %dma_start3A_56 = tpu.memref_slice %arg5[%add3A_51] : memref<1600000xi32, #tpu.memory_space<hbm>> -> memref<3200xi32, #tpu.memory_space<hbm>>
    %dma_start3A_57 = arith.constant 0 : i32
    %dma_start3A_58 = tpu.memref_slice %arg12[%dma_start3A_52, %dma_start3A_57] : memref<2x3200xi32, #tpu.memory_space<vmem>> -> memref<1x3200xi32, #tpu.memory_space<vmem>>
    %dma_start3A_59 = tpu.memref_squeeze %dma_start3A_58 : memref<1x3200xi32, #tpu.memory_space<vmem>> -> memref<3200xi32, #tpu.memory_space<vmem>>
    %dma_start3A_60 = tpu.memref_slice %arg5[%add3A_51] : memref<1600000xi32, #tpu.memory_space<hbm>> -> memref<3200xi32, #tpu.memory_space<hbm>>
    tpu.enqueue_dma source(%dma_start3A_60 : memref<3200xi32, #tpu.memory_space<hbm>>) target(%dma_start3A_59 : memref<3200xi32, #tpu.memory_space<vmem>>) target_semaphore(%arg16 : memref<!tpu.dma_semaphore, #tpu.memory_space<semaphore_mem>>)
    %add3A_61 = arith.constant 0 : i32
    %add3A_62 = arith.addi %mul3A_39, %add3A_61 : i32
    %dma_start3A_63 = arith.constant 0 : i32
    %dma_start3A_64 = arith.constant 0 : i32
    %dma_start3A_65 = arith.constant 0 : i32
    %dma_start3A_66 = tpu.memref_slice %arg13[%dma_start3A_63, %dma_start3A_64, %dma_start3A_65] : memref<2x25x128xf32, #tpu.memory_space<vmem>> -> memref<1x25x128xf32, #tpu.memory_space<vmem>>
    %dma_start3A_67 = tpu.memref_squeeze %dma_start3A_66 : memref<1x25x128xf32, #tpu.memory_space<vmem>> -> memref<25x128xf32, #tpu.memory_space<vmem>>
    %dma_start3A_68 = arith.constant 0 : i32
    %dma_start3A_69 = tpu.memref_slice %arg3[%add3A_62, %add3A_30, %dma_start3A_68] : memref<12500x8x128xf32, #tpu.memory_space<hbm>> -> memref<25x1x128xf32, #tpu.memory_space<hbm>>
    %dma_start3A_70 = tpu.memref_squeeze %dma_start3A_69 : memref<25x1x128xf32, #tpu.memory_space<hbm>> -> memref<25x128xf32, #tpu.memory_space<hbm>>
    %dma_start3A_71 = arith.constant 0 : i32
    %dma_start3A_72 = arith.constant 0 : i32
    %dma_start3A_73 = tpu.memref_slice %arg13[%dma_start3A_63, %dma_start3A_71, %dma_start3A_72] : memref<2x25x128xf32, #tpu.memory_space<vmem>> -> memref<1x25x128xf32, #tpu.memory_space<vmem>>
    %dma_start3A_74 = tpu.memref_squeeze %dma_start3A_73 : memref<1x25x128xf32, #tpu.memory_space<vmem>> -> memref<25x128xf32, #tpu.memory_space<vmem>>
    %dma_start3A_75 = arith.constant 0 : i32
    %dma_start3A_76 = tpu.memref_slice %arg3[%add3A_62, %add3A_30, %dma_start3A_75] : memref<12500x8x128xf32, #tpu.memory_space<hbm>> -> memref<25x1x128xf32, #tpu.memory_space<hbm>>
    %dma_start3A_77 = tpu.memref_squeeze %dma_start3A_76 : memref<25x1x128xf32, #tpu.memory_space<hbm>> -> memref<25x128xf32, #tpu.memory_space<hbm>>
    tpu.enqueue_dma source(%dma_start3A_77 : memref<25x128xf32, #tpu.memory_space<hbm>>) target(%dma_start3A_74 : memref<25x128xf32, #tpu.memory_space<vmem>>) target_semaphore(%arg16 : memref<!tpu.dma_semaphore, #tpu.memory_space<semaphore_mem>>)
    %broadcast_in_dim3A_78 = arith.constant 0.000000e+00 : f32
    %broadcast_in_dim3A_79 = vector.broadcast %broadcast_in_dim3A_78 : f32 to vector<16xf32>
    %parallel_loop3A = arith.constant 0 : i32
    %parallel_loop3A_80 = arith.constant 391 : i32
    %parallel_loop3A_81 = arith.constant 1 : i32
    scf.for %parallel_loop3A_186 = %parallel_loop3A to %parallel_loop3A_80 step %parallel_loop3A_81  : i32 {
      %parallel_loop3A_187 = arith.constant 128 : i32
      %parallel_loop3A_188 = arith.muli %parallel_loop3A_186, %parallel_loop3A_187 : i32
      %parallel_loop3A_189 = tpu.assume_multiple %parallel_loop3A_188, 128 : i32
      %parallel_loop3A_190 = arith.constant 0 : i32
      %parallel_loop3A_191 = arith.addi %parallel_loop3A_189, %parallel_loop3A_190 : i32
      %parallel_loop3A_192 = arith.index_cast %parallel_loop3A_191 : i32 to index
      %parallel_loop3A_193 = tpu.vector_load %arg10[%parallel_loop3A_192] {strides = array<i32>} : memref<50048xf32, #tpu.memory_space<vmem>>, vector<16xf32>,
      tpu.vector_store %arg10[%parallel_loop3A_192], %broadcast_in_dim3A_79 {strides = array<i32>} : memref<50048xf32, #tpu.memory_space<vmem>>, vector<16xf32>,
      %parallel_loop3A_194 = arith.constant 16 : i32
      %parallel_loop3A_195 = arith.addi %parallel_loop3A_189, %parallel_loop3A_194 : i32
      %parallel_loop3A_196 = arith.index_cast %parallel_loop3A_195 : i32 to index
      %parallel_loop3A_197 = tpu.vector_load %arg10[%parallel_loop3A_196] {strides = array<i32>} : memref<50048xf32, #tpu.memory_space<vmem>>, vector<16xf32>,
      tpu.vector_store %arg10[%parallel_loop3A_196], %broadcast_in_dim3A_79 {strides = array<i32>} : memref<50048xf32, #tpu.memory_space<vmem>>, vector<16xf32>,
      %parallel_loop3A_198 = arith.constant 32 : i32
      %parallel_loop3A_199 = arith.addi %parallel_loop3A_189, %parallel_loop3A_198 : i32
      %parallel_loop3A_200 = arith.index_cast %parallel_loop3A_199 : i32 to index
      %parallel_loop3A_201 = tpu.vector_load %arg10[%parallel_loop3A_200] {strides = array<i32>} : memref<50048xf32, #tpu.memory_space<vmem>>, vector<16xf32>,
      tpu.vector_store %arg10[%parallel_loop3A_200], %broadcast_in_dim3A_79 {strides = array<i32>} : memref<50048xf32, #tpu.memory_space<vmem>>, vector<16xf32>,
      %parallel_loop3A_202 = arith.constant 48 : i32
      %parallel_loop3A_203 = arith.addi %parallel_loop3A_189, %parallel_loop3A_202 : i32
      %parallel_loop3A_204 = arith.index_cast %parallel_loop3A_203 : i32 to index
      %parallel_loop3A_205 = tpu.vector_load %arg10[%parallel_loop3A_204] {strides = array<i32>} : memref<50048xf32, #tpu.memory_space<vmem>>, vector<16xf32>,
      tpu.vector_store %arg10[%parallel_loop3A_204], %broadcast_in_dim3A_79 {strides = array<i32>} : memref<50048xf32, #tpu.memory_space<vmem>>, vector<16xf32>,
      %parallel_loop3A_206 = arith.constant 64 : i32
      %parallel_loop3A_207 = arith.addi %parallel_loop3A_189, %parallel_loop3A_206 : i32
      %parallel_loop3A_208 = arith.index_cast %parallel_loop3A_207 : i32 to index
      %parallel_loop3A_209 = tpu.vector_load %arg10[%parallel_loop3A_208] {strides = array<i32>} : memref<50048xf32, #tpu.memory_space<vmem>>, vector<16xf32>,
      tpu.vector_store %arg10[%parallel_loop3A_208], %broadcast_in_dim3A_79 {strides = array<i32>} : memref<50048xf32, #tpu.memory_space<vmem>>, vector<16xf32>,
      %parallel_loop3A_210 = arith.constant 80 : i32
      %parallel_loop3A_211 = arith.addi %parallel_loop3A_189, %parallel_loop3A_210 : i32
      %parallel_loop3A_212 = arith.index_cast %parallel_loop3A_211 : i32 to index
      %parallel_loop3A_213 = tpu.vector_load %arg10[%parallel_loop3A_212] {strides = array<i32>} : memref<50048xf32, #tpu.memory_space<vmem>>, vector<16xf32>,
      tpu.vector_store %arg10[%parallel_loop3A_212], %broadcast_in_dim3A_79 {strides = array<i32>} : memref<50048xf32, #tpu.memory_space<vmem>>, vector<16xf32>,
      %parallel_loop3A_214 = arith.constant 96 : i32
      %parallel_loop3A_215 = arith.addi %parallel_loop3A_189, %parallel_loop3A_214 : i32
      %parallel_loop3A_216 = arith.index_cast %parallel_loop3A_215 : i32 to index
      %parallel_loop3A_217 = tpu.vector_load %arg10[%parallel_loop3A_216] {strides = array<i32>} : memref<50048xf32, #tpu.memory_space<vmem>>, vector<16xf32>,
      tpu.vector_store %arg10[%parallel_loop3A_216], %broadcast_in_dim3A_79 {strides = array<i32>} : memref<50048xf32, #tpu.memory_space<vmem>>, vector<16xf32>,
      %parallel_loop3A_218 = arith.constant 112 : i32
      %parallel_loop3A_219 = arith.addi %parallel_loop3A_189, %parallel_loop3A_218 : i32
      %parallel_loop3A_220 = arith.index_cast %parallel_loop3A_219 : i32 to index
      %parallel_loop3A_221 = tpu.vector_load %arg10[%parallel_loop3A_220] {strides = array<i32>} : memref<50048xf32, #tpu.memory_space<vmem>>, vector<16xf32>,
      tpu.vector_store %arg10[%parallel_loop3A_220], %broadcast_in_dim3A_79 {strides = array<i32>} : memref<50048xf32, #tpu.memory_space<vmem>>, vector<16xf32>,
    } {sc.loop_unroll_factor = 1 : i64, sc.parallel_access}
    %scan3A = arith.constant 0 : i32
    %scan3A_82 = arith.constant 0 : i32
    %scan3A_83 = arith.constant 62 : i32
    %scan3A_84 = arith.addi %scan3A_82, %scan3A_83 : i32
    %scan3A_85 = arith.constant 1 : i32
    scf.for %scan3A_186 = %scan3A_82 to %scan3A_84 step %scan3A_85  : i32 {
      %mul3A_187 = arith.constant 2 : i32
      %mul3A_188 = arith.muli %scan3A_186, %mul3A_187 : i32
      %add3A_189 = arith.constant 0 : i32
      %add3A_190 = arith.addi %mul3A_188, %add3A_189 : i32
      %add3A_191 = arith.constant 1 : i32
      %add3A_192 = arith.addi %add3A_190, %add3A_191 : i32
      %mul3A_193 = arith.constant 3200 : i32
      %mul3A_194 = arith.muli %add3A_192, %mul3A_193 : i32
      %add3A_195 = arith.addi %mul3A_37, %mul3A_194 : i32
      %dma_start3A_196 = arith.constant 1 : i32
      %dma_start3A_197 = arith.constant 0 : i32
      %dma_start3A_198 = tpu.memref_slice %arg11[%dma_start3A_196, %dma_start3A_197] : memref<2x3200xi32, #tpu.memory_space<vmem>> -> memref<1x3200xi32, #tpu.memory_space<vmem>>
      %dma_start3A_199 = tpu.memref_squeeze %dma_start3A_198 : memref<1x3200xi32, #tpu.memory_space<vmem>> -> memref<3200xi32, #tpu.memory_space<vmem>>
      %dma_start3A_200 = tpu.memref_slice %arg4[%add3A_195] : memref<1600000xi32, #tpu.memory_space<hbm>> -> memref<3200xi32, #tpu.memory_space<hbm>>
      %dma_start3A_201 = arith.constant 0 : i32
      %dma_start3A_202 = tpu.memref_slice %arg11[%dma_start3A_196, %dma_start3A_201] : memref<2x3200xi32, #tpu.memory_space<vmem>> -> memref<1x3200xi32, #tpu.memory_space<vmem>>
      %dma_start3A_203 = tpu.memref_squeeze %dma_start3A_202 : memref<1x3200xi32, #tpu.memory_space<vmem>> -> memref<3200xi32, #tpu.memory_space<vmem>>
      %dma_start3A_204 = tpu.memref_slice %arg4[%add3A_195] : memref<1600000xi32, #tpu.memory_space<hbm>> -> memref<3200xi32, #tpu.memory_space<hbm>>
      tpu.enqueue_dma source(%dma_start3A_204 : memref<3200xi32, #tpu.memory_space<hbm>>) target(%dma_start3A_203 : memref<3200xi32, #tpu.memory_space<vmem>>) target_semaphore(%arg17 : memref<!tpu.dma_semaphore, #tpu.memory_space<semaphore_mem>>)
      %add3A_205 = arith.addi %mul3A_37, %mul3A_194 : i32
      %dma_start3A_206 = arith.constant 1 : i32
      %dma_start3A_207 = arith.constant 0 : i32
      %dma_start3A_208 = tpu.memref_slice %arg12[%dma_start3A_206, %dma_start3A_207] : memref<2x3200xi32, #tpu.memory_space<vmem>> -> memref<1x3200xi32, #tpu.memory_space<vmem>>
      %dma_start3A_209 = tpu.memref_squeeze %dma_start3A_208 : memref<1x3200xi32, #tpu.memory_space<vmem>> -> memref<3200xi32, #tpu.memory_space<vmem>>
      %dma_start3A_210 = tpu.memref_slice %arg5[%add3A_205] : memref<1600000xi32, #tpu.memory_space<hbm>> -> memref<3200xi32, #tpu.memory_space<hbm>>
      %dma_start3A_211 = arith.constant 0 : i32
      %dma_start3A_212 = tpu.memref_slice %arg12[%dma_start3A_206, %dma_start3A_211] : memref<2x3200xi32, #tpu.memory_space<vmem>> -> memref<1x3200xi32, #tpu.memory_space<vmem>>
      %dma_start3A_213 = tpu.memref_squeeze %dma_start3A_212 : memref<1x3200xi32, #tpu.memory_space<vmem>> -> memref<3200xi32, #tpu.memory_space<vmem>>
      %dma_start3A_214 = tpu.memref_slice %arg5[%add3A_205] : memref<1600000xi32, #tpu.memory_space<hbm>> -> memref<3200xi32, #tpu.memory_space<hbm>>
      tpu.enqueue_dma source(%dma_start3A_214 : memref<3200xi32, #tpu.memory_space<hbm>>) target(%dma_start3A_213 : memref<3200xi32, #tpu.memory_space<vmem>>) target_semaphore(%arg17 : memref<!tpu.dma_semaphore, #tpu.memory_space<semaphore_mem>>)
      %mul3A_215 = arith.constant 25 : i32
      %mul3A_216 = arith.muli %add3A_192, %mul3A_215 : i32
      %add3A_217 = arith.addi %mul3A_39, %mul3A_216 : i32
      %dma_start3A_218 = arith.constant 1 : i32
      %dma_start3A_219 = arith.constant 0 : i32
      %dma_start3A_220 = arith.constant 0 : i32
      %dma_start3A_221 = tpu.memref_slice %arg13[%dma_start3A_218, %dma_start3A_219, %dma_start3A_220] : memref<2x25x128xf32, #tpu.memory_space<vmem>> -> memref<1x25x128xf32, #tpu.memory_space<vmem>>
      %dma_start3A_222 = tpu.memref_squeeze %dma_start3A_221 : memref<1x25x128xf32, #tpu.memory_space<vmem>> -> memref<25x128xf32, #tpu.memory_space<vmem>>
      %dma_start3A_223 = arith.constant 0 : i32
      %dma_start3A_224 = tpu.memref_slice %arg3[%add3A_217, %add3A_30, %dma_start3A_223] : memref<12500x8x128xf32, #tpu.memory_space<hbm>> -> memref<25x1x128xf32, #tpu.memory_space<hbm>>
      %dma_start3A_225 = tpu.memref_squeeze %dma_start3A_224 : memref<25x1x128xf32, #tpu.memory_space<hbm>> -> memref<25x128xf32, #tpu.memory_space<hbm>>
      %dma_start3A_226 = arith.constant 0 : i32
      %dma_start3A_227 = arith.constant 0 : i32
      %dma_start3A_228 = tpu.memref_slice %arg13[%dma_start3A_218, %dma_start3A_226, %dma_start3A_227] : memref<2x25x128xf32, #tpu.memory_space<vmem>> -> memref<1x25x128xf32, #tpu.memory_space<vmem>>
      %dma_start3A_229 = tpu.memref_squeeze %dma_start3A_228 : memref<1x25x128xf32, #tpu.memory_space<vmem>> -> memref<25x128xf32, #tpu.memory_space<vmem>>
      %dma_start3A_230 = arith.constant 0 : i32
      %dma_start3A_231 = tpu.memref_slice %arg3[%add3A_217, %add3A_30, %dma_start3A_230] : memref<12500x8x128xf32, #tpu.memory_space<hbm>> -> memref<25x1x128xf32, #tpu.memory_space<hbm>>
      %dma_start3A_232 = tpu.memref_squeeze %dma_start3A_231 : memref<25x1x128xf32, #tpu.memory_space<hbm>> -> memref<25x128xf32, #tpu.memory_space<hbm>>
      tpu.enqueue_dma source(%dma_start3A_232 : memref<25x128xf32, #tpu.memory_space<hbm>>) target(%dma_start3A_229 : memref<25x128xf32, #tpu.memory_space<vmem>>) target_semaphore(%arg17 : memref<!tpu.dma_semaphore, #tpu.memory_space<semaphore_mem>>)
      %dma_wait3A_233 = arith.constant 0 : i32
      %dma_wait3A_234 = arith.constant 0 : i32
      %dma_wait3A_235 = tpu.memref_slice %arg11[%dma_wait3A_233, %dma_wait3A_234] : memref<2x3200xi32, #tpu.memory_space<vmem>> -> memref<1x3200xi32, #tpu.memory_space<vmem>>
      %dma_wait3A_236 = tpu.memref_squeeze %dma_wait3A_235 : memref<1x3200xi32, #tpu.memory_space<vmem>> -> memref<3200xi32, #tpu.memory_space<vmem>>
      %dma_wait3A_237 = arith.constant 0 : i32
      %dma_wait3A_238 = tpu.memref_slice %arg4[%dma_wait3A_237] : memref<1600000xi32, #tpu.memory_space<hbm>> -> memref<3200xi32, #tpu.memory_space<hbm>>
      %dma_wait3A_239 = arith.constant 0 : i32
      %dma_wait3A_240 = tpu.memref_slice %arg11[%dma_wait3A_233, %dma_wait3A_239] : memref<2x3200xi32, #tpu.memory_space<vmem>> -> memref<1x3200xi32, #tpu.memory_space<vmem>>
      %dma_wait3A_241 = tpu.memref_squeeze %dma_wait3A_240 : memref<1x3200xi32, #tpu.memory_space<vmem>> -> memref<3200xi32, #tpu.memory_space<vmem>>
      %dma_wait3A_242 = arith.constant 0 : i32
      %dma_wait3A_243 = tpu.memref_slice %arg4[%dma_wait3A_242] : memref<1600000xi32, #tpu.memory_space<hbm>> -> memref<3200xi32, #tpu.memory_space<hbm>>
      tpu.wait_dma2 semaphore(%arg16 : memref<!tpu.dma_semaphore, #tpu.memory_space<semaphore_mem>>) src(%dma_wait3A_243 : memref<3200xi32, #tpu.memory_space<hbm>>) dst(%dma_wait3A_241 : memref<3200xi32, #tpu.memory_space<vmem>>)
      %dma_wait3A_244 = arith.constant 0 : i32
      %dma_wait3A_245 = arith.constant 0 : i32
      %dma_wait3A_246 = tpu.memref_slice %arg12[%dma_wait3A_244, %dma_wait3A_245] : memref<2x3200xi32, #tpu.memory_space<vmem>> -> memref<1x3200xi32, #tpu.memory_space<vmem>>
      %dma_wait3A_247 = tpu.memref_squeeze %dma_wait3A_246 : memref<1x3200xi32, #tpu.memory_space<vmem>> -> memref<3200xi32, #tpu.memory_space<vmem>>
      %dma_wait3A_248 = arith.constant 0 : i32
      %dma_wait3A_249 = tpu.memref_slice %arg5[%dma_wait3A_248] : memref<1600000xi32, #tpu.memory_space<hbm>> -> memref<3200xi32, #tpu.memory_space<hbm>>
      %dma_wait3A_250 = arith.constant 0 : i32
      %dma_wait3A_251 = tpu.memref_slice %arg12[%dma_wait3A_244, %dma_wait3A_250] : memref<2x3200xi32, #tpu.memory_space<vmem>> -> memref<1x3200xi32, #tpu.memory_space<vmem>>
      %dma_wait3A_252 = tpu.memref_squeeze %dma_wait3A_251 : memref<1x3200xi32, #tpu.memory_space<vmem>> -> memref<3200xi32, #tpu.memory_space<vmem>>
      %dma_wait3A_253 = arith.constant 0 : i32
      %dma_wait3A_254 = tpu.memref_slice %arg5[%dma_wait3A_253] : memref<1600000xi32, #tpu.memory_space<hbm>> -> memref<3200xi32, #tpu.memory_space<hbm>>
      tpu.wait_dma2 semaphore(%arg16 : memref<!tpu.dma_semaphore, #tpu.memory_space<semaphore_mem>>) src(%dma_wait3A_254 : memref<3200xi32, #tpu.memory_space<hbm>>) dst(%dma_wait3A_252 : memref<3200xi32, #tpu.memory_space<vmem>>)
      %dma_wait3A_255 = arith.constant 0 : i32
      %dma_wait3A_256 = arith.constant 0 : i32
      %dma_wait3A_257 = arith.constant 0 : i32
      %dma_wait3A_258 = arith.constant 0 : i32
      %dma_wait3A_259 = tpu.memref_slice %arg13[%dma_wait3A_256, %dma_wait3A_257, %dma_wait3A_258] : memref<2x25x128xf32, #tpu.memory_space<vmem>> -> memref<1x25x128xf32, #tpu.memory_space<vmem>>
      %dma_wait3A_260 = tpu.memref_squeeze %dma_wait3A_259 : memref<1x25x128xf32, #tpu.memory_space<vmem>> -> memref<25x128xf32, #tpu.memory_space<vmem>>
      %dma_wait3A_261 = arith.constant 0 : i32
      %dma_wait3A_262 = arith.constant 0 : i32
      %dma_wait3A_263 = tpu.memref_slice %arg3[%dma_wait3A_261, %dma_wait3A_255, %dma_wait3A_262] : memref<12500x8x128xf32, #tpu.memory_space<hbm>> -> memref<25x1x128xf32, #tpu.memory_space<hbm>>
      %dma_wait3A_264 = tpu.memref_squeeze %dma_wait3A_263 : memref<25x1x128xf32, #tpu.memory_space<hbm>> -> memref<25x128xf32, #tpu.memory_space<hbm>>
      %dma_wait3A_265 = arith.constant 0 : i32
      %dma_wait3A_266 = arith.constant 0 : i32
      %dma_wait3A_267 = tpu.memref_slice %arg13[%dma_wait3A_256, %dma_wait3A_265, %dma_wait3A_266] : memref<2x25x128xf32, #tpu.memory_space<vmem>> -> memref<1x25x128xf32, #tpu.memory_space<vmem>>
      %dma_wait3A_268 = tpu.memref_squeeze %dma_wait3A_267 : memref<1x25x128xf32, #tpu.memory_space<vmem>> -> memref<25x128xf32, #tpu.memory_space<vmem>>
      %dma_wait3A_269 = arith.constant 0 : i32
      %dma_wait3A_270 = arith.constant 0 : i32
      %dma_wait3A_271 = tpu.memref_slice %arg3[%dma_wait3A_269, %dma_wait3A_255, %dma_wait3A_270] : memref<12500x8x128xf32, #tpu.memory_space<hbm>> -> memref<25x1x128xf32, #tpu.memory_space<hbm>>
      %dma_wait3A_272 = tpu.memref_squeeze %dma_wait3A_271 : memref<25x1x128xf32, #tpu.memory_space<hbm>> -> memref<25x128xf32, #tpu.memory_space<hbm>>
      tpu.wait_dma2 semaphore(%arg16 : memref<!tpu.dma_semaphore, #tpu.memory_space<semaphore_mem>>) src(%dma_wait3A_272 : memref<25x128xf32, #tpu.memory_space<hbm>>) dst(%dma_wait3A_268 : memref<25x128xf32, #tpu.memory_space<vmem>>)
      %parallel_loop3A_273 = arith.constant 0 : i32
      %parallel_loop3A_274 = arith.constant 25 : i32
      %parallel_loop3A_275 = arith.constant 1 : i32
      scf.for %parallel_loop3A_365 = %parallel_loop3A_273 to %parallel_loop3A_274 step %parallel_loop3A_275  : i32 {
        %parallel_loop3A_366 = arith.constant 128 : i32
        %parallel_loop3A_367 = arith.muli %parallel_loop3A_365, %parallel_loop3A_366 : i32
        %parallel_loop3A_368 = tpu.assume_multiple %parallel_loop3A_367, 128 : i32
        %parallel_loop3A_369 = arith.constant 0 : i32
        %parallel_loop3A_370 = arith.addi %parallel_loop3A_368, %parallel_loop3A_369 : i32
        %parallel_loop3A_371 = arith.constant 0 : i32
        %parallel_loop3A_372 = arith.index_cast %parallel_loop3A_371 : i32 to index
        %parallel_loop3A_373 = arith.index_cast %parallel_loop3A_370 : i32 to index
        %parallel_loop3A_374 = tpu.vector_load %arg11[%parallel_loop3A_372, %parallel_loop3A_373] {strides = array<i32>} : memref<2x3200xi32, #tpu.memory_space<vmem>>, vector<16xi32>,
        %parallel_loop3A_375 = arith.constant 0 : i32
        %parallel_loop3A_376 = arith.index_cast %parallel_loop3A_375 : i32 to index
        %parallel_loop3A_377 = arith.index_cast %parallel_loop3A_370 : i32 to index
        %parallel_loop3A_378 = tpu.vector_load %arg12[%parallel_loop3A_376, %parallel_loop3A_377] {strides = array<i32>} : memref<2x3200xi32, #tpu.memory_space<vmem>>, vector<16xi32>,
        %parallel_loop3A_379 = arith.constant 0 : i32
        %parallel_loop3A_380 = arith.index_cast %parallel_loop3A_379 : i32 to index
        %parallel_loop3A_381 = arith.index_cast %parallel_loop3A_365 : i32 to index
        %parallel_loop3A_382 = arith.constant 0 : index
        %parallel_loop3A_383 = tpu.vector_load %arg13[%parallel_loop3A_380, %parallel_loop3A_381, %parallel_loop3A_382] {strides = array<i32>} : memref<2x25x128xf32, #tpu.memory_space<vmem>>, vector<16xf32>,
        %parallel_loop3A_384 = tpu.vector_load_idx %arg9[%parallel_loop3A_374] : memref<50048xf32, #tpu.memory_space<vmem>>[vector<16xi32>], vector<16xf32>,
        %parallel_loop3A_385 = tpu.vector_load_idx %arg9[%parallel_loop3A_378] : memref<50048xf32, #tpu.memory_space<vmem>>[vector<16xi32>], vector<16xf32>,
        %parallel_loop3A_386 = arith.constant 0.000000e+00 : f32
        %parallel_loop3A_387 = vector.broadcast %parallel_loop3A_386 : f32 to vector<16xf32>
        %parallel_loop3A_388 = arith.cmpf oge, %parallel_loop3A_383, %parallel_loop3A_387 : vector<16xf32>
        %parallel_loop3A_389 = arith.select %parallel_loop3A_388, %parallel_loop3A_384, %parallel_loop3A_385 : vector<16xi1>, vector<16xf32>
        %parallel_loop3A_390 = arith.mulf %parallel_loop3A_383, %parallel_loop3A_389 : vector<16xf32>
        %parallel_loop3A_391 = arith.subf %parallel_loop3A_384, %parallel_loop3A_385 : vector<16xf32>
        %parallel_loop3A_392 = arith.mulf %gather3A, %parallel_loop3A_391 : vector<16xf32>
        %parallel_loop3A_393 = arith.addf %parallel_loop3A_390, %parallel_loop3A_392 : vector<16xf32>
        tpu.vector_store_idx %arg10[%parallel_loop3A_374], %parallel_loop3A_393 {add = true} : memref<50048xf32, #tpu.memory_space<vmem>>[vector<16xi32>], vector<16xf32>,
        %parallel_loop3A_394 = arith.constant 0.000000e+00 : f32
        %parallel_loop3A_395 = vector.broadcast %parallel_loop3A_394 : f32 to vector<16xf32>
        %parallel_loop3A_396 = arith.subf %parallel_loop3A_395, %parallel_loop3A_393 : vector<16xf32>
        tpu.vector_store_idx %arg10[%parallel_loop3A_378], %parallel_loop3A_396 {add = true} : memref<50048xf32, #tpu.memory_space<vmem>>[vector<16xi32>], vector<16xf32>,
        %parallel_loop3A_397 = arith.constant 16 : i32
        %parallel_loop3A_398 = arith.addi %parallel_loop3A_368, %parallel_loop3A_397 : i32
        %parallel_loop3A_399 = arith.constant 0 : i32
        %parallel_loop3A_400 = arith.index_cast %parallel_loop3A_399 : i32 to index
        %parallel_loop3A_401 = arith.index_cast %parallel_loop3A_398 : i32 to index
        %parallel_loop3A_402 = tpu.vector_load %arg11[%parallel_loop3A_400, %parallel_loop3A_401] {strides = array<i32>} : memref<2x3200xi32, #tpu.memory_space<vmem>>, vector<16xi32>,
        %parallel_loop3A_403 = arith.constant 0 : i32
        %parallel_loop3A_404 = arith.index_cast %parallel_loop3A_403 : i32 to index
        %parallel_loop3A_405 = arith.index_cast %parallel_loop3A_398 : i32 to index
        %parallel_loop3A_406 = tpu.vector_load %arg12[%parallel_loop3A_404, %parallel_loop3A_405] {strides = array<i32>} : memref<2x3200xi32, #tpu.memory_space<vmem>>, vector<16xi32>,
        %parallel_loop3A_407 = arith.constant 0 : i32
        %parallel_loop3A_408 = arith.index_cast %parallel_loop3A_407 : i32 to index
        %parallel_loop3A_409 = arith.index_cast %parallel_loop3A_365 : i32 to index
        %parallel_loop3A_410 = arith.constant 16 : index
        %parallel_loop3A_411 = tpu.vector_load %arg13[%parallel_loop3A_408, %parallel_loop3A_409, %parallel_loop3A_410] {strides = array<i32>} : memref<2x25x128xf32, #tpu.memory_space<vmem>>, vector<16xf32>,
        %parallel_loop3A_412 = tpu.vector_load_idx %arg9[%parallel_loop3A_402] : memref<50048xf32, #tpu.memory_space<vmem>>[vector<16xi32>], vector<16xf32>,
        %parallel_loop3A_413 = tpu.vector_load_idx %arg9[%parallel_loop3A_406] : memref<50048xf32, #tpu.memory_space<vmem>>[vector<16xi32>], vector<16xf32>,
        %parallel_loop3A_414 = arith.constant 0.000000e+00 : f32
        %parallel_loop3A_415 = vector.broadcast %parallel_loop3A_414 : f32 to vector<16xf32>
        %parallel_loop3A_416 = arith.cmpf oge, %parallel_loop3A_411, %parallel_loop3A_415 : vector<16xf32>
        %parallel_loop3A_417 = arith.select %parallel_loop3A_416, %parallel_loop3A_412, %parallel_loop3A_413 : vector<16xi1>, vector<16xf32>
        %parallel_loop3A_418 = arith.mulf %parallel_loop3A_411, %parallel_loop3A_417 : vector<16xf32>
        %parallel_loop3A_419 = arith.subf %parallel_loop3A_412, %parallel_loop3A_413 : vector<16xf32>
        %parallel_loop3A_420 = arith.mulf %gather3A, %parallel_loop3A_419 : vector<16xf32>
        %parallel_loop3A_421 = arith.addf %parallel_loop3A_418, %parallel_loop3A_420 : vector<16xf32>
        tpu.vector_store_idx %arg10[%parallel_loop3A_402], %parallel_loop3A_421 {add = true} : memref<50048xf32, #tpu.memory_space<vmem>>[vector<16xi32>], vector<16xf32>,
        %parallel_loop3A_422 = arith.constant 0.000000e+00 : f32
        %parallel_loop3A_423 = vector.broadcast %parallel_loop3A_422 : f32 to vector<16xf32>
        %parallel_loop3A_424 = arith.subf %parallel_loop3A_423, %parallel_loop3A_421 : vector<16xf32>
        tpu.vector_store_idx %arg10[%parallel_loop3A_406], %parallel_loop3A_424 {add = true} : memref<50048xf32, #tpu.memory_space<vmem>>[vector<16xi32>], vector<16xf32>,
        %parallel_loop3A_425 = arith.constant 32 : i32
        %parallel_loop3A_426 = arith.addi %parallel_loop3A_368, %parallel_loop3A_425 : i32
        %parallel_loop3A_427 = arith.constant 0 : i32
        %parallel_loop3A_428 = arith.index_cast %parallel_loop3A_427 : i32 to index
        %parallel_loop3A_429 = arith.index_cast %parallel_loop3A_426 : i32 to index
        %parallel_loop3A_430 = tpu.vector_load %arg11[%parallel_loop3A_428, %parallel_loop3A_429] {strides = array<i32>} : memref<2x3200xi32, #tpu.memory_space<vmem>>, vector<16xi32>,
        %parallel_loop3A_431 = arith.constant 0 : i32
        %parallel_loop3A_432 = arith.index_cast %parallel_loop3A_431 : i32 to index
        %parallel_loop3A_433 = arith.index_cast %parallel_loop3A_426 : i32 to index
        %parallel_loop3A_434 = tpu.vector_load %arg12[%parallel_loop3A_432, %parallel_loop3A_433] {strides = array<i32>} : memref<2x3200xi32, #tpu.memory_space<vmem>>, vector<16xi32>,
        %parallel_loop3A_435 = arith.constant 0 : i32
        %parallel_loop3A_436 = arith.index_cast %parallel_loop3A_435 : i32 to index
        %parallel_loop3A_437 = arith.index_cast %parallel_loop3A_365 : i32 to index
        %parallel_loop3A_438 = arith.constant 32 : index
        %parallel_loop3A_439 = tpu.vector_load %arg13[%parallel_loop3A_436, %parallel_loop3A_437, %parallel_loop3A_438] {strides = array<i32>} : memref<2x25x128xf32, #tpu.memory_space<vmem>>, vector<16xf32>,
        %parallel_loop3A_440 = tpu.vector_load_idx %arg9[%parallel_loop3A_430] : memref<50048xf32, #tpu.memory_space<vmem>>[vector<16xi32>], vector<16xf32>,
        %parallel_loop3A_441 = tpu.vector_load_idx %arg9[%parallel_loop3A_434] : memref<50048xf32, #tpu.memory_space<vmem>>[vector<16xi32>], vector<16xf32>,
        %parallel_loop3A_442 = arith.constant 0.000000e+00 : f32
        %parallel_loop3A_443 = vector.broadcast %parallel_loop3A_442 : f32 to vector<16xf32>
        %parallel_loop3A_444 = arith.cmpf oge, %parallel_loop3A_439, %parallel_loop3A_443 : vector<16xf32>
        %parallel_loop3A_445 = arith.select %parallel_loop3A_444, %parallel_loop3A_440, %parallel_loop3A_441 : vector<16xi1>, vector<16xf32>
        %parallel_loop3A_446 = arith.mulf %parallel_loop3A_439, %parallel_loop3A_445 : vector<16xf32>
        %parallel_loop3A_447 = arith.subf %parallel_loop3A_440, %parallel_loop3A_441 : vector<16xf32>
        %parallel_loop3A_448 = arith.mulf %gather3A, %parallel_loop3A_447 : vector<16xf32>
        %parallel_loop3A_449 = arith.addf %parallel_loop3A_446, %parallel_loop3A_448 : vector<16xf32>
        tpu.vector_store_idx %arg10[%parallel_loop3A_430], %parallel_loop3A_449 {add = true} : memref<50048xf32, #tpu.memory_space<vmem>>[vector<16xi32>], vector<16xf32>,
        %parallel_loop3A_450 = arith.constant 0.000000e+00 : f32
        %parallel_loop3A_451 = vector.broadcast %parallel_loop3A_450 : f32 to vector<16xf32>
        %parallel_loop3A_452 = arith.subf %parallel_loop3A_451, %parallel_loop3A_449 : vector<16xf32>
        tpu.vector_store_idx %arg10[%parallel_loop3A_434], %parallel_loop3A_452 {add = true} : memref<50048xf32, #tpu.memory_space<vmem>>[vector<16xi32>], vector<16xf32>,
        %parallel_loop3A_453 = arith.constant 48 : i32
        %parallel_loop3A_454 = arith.addi %parallel_loop3A_368, %parallel_loop3A_453 : i32
        %parallel_loop3A_455 = arith.constant 0 : i32
        %parallel_loop3A_456 = arith.index_cast %parallel_loop3A_455 : i32 to index
        %parallel_loop3A_457 = arith.index_cast %parallel_loop3A_454 : i32 to index
        %parallel_loop3A_458 = tpu.vector_load %arg11[%parallel_loop3A_456, %parallel_loop3A_457] {strides = array<i32>} : memref<2x3200xi32, #tpu.memory_space<vmem>>, vector<16xi32>,
        %parallel_loop3A_459 = arith.constant 0 : i32
        %parallel_loop3A_460 = arith.index_cast %parallel_loop3A_459 : i32 to index
        %parallel_loop3A_461 = arith.index_cast %parallel_loop3A_454 : i32 to index
        %parallel_loop3A_462 = tpu.vector_load %arg12[%parallel_loop3A_460, %parallel_loop3A_461] {strides = array<i32>} : memref<2x3200xi32, #tpu.memory_space<vmem>>, vector<16xi32>,
        %parallel_loop3A_463 = arith.constant 0 : i32
        %parallel_loop3A_464 = arith.index_cast %parallel_loop3A_463 : i32 to index
        %parallel_loop3A_465 = arith.index_cast %parallel_loop3A_365 : i32 to index
        %parallel_loop3A_466 = arith.constant 48 : index
        %parallel_loop3A_467 = tpu.vector_load %arg13[%parallel_loop3A_464, %parallel_loop3A_465, %parallel_loop3A_466] {strides = array<i32>} : memref<2x25x128xf32, #tpu.memory_space<vmem>>, vector<16xf32>,
        %parallel_loop3A_468 = tpu.vector_load_idx %arg9[%parallel_loop3A_458] : memref<50048xf32, #tpu.memory_space<vmem>>[vector<16xi32>], vector<16xf32>,
        %parallel_loop3A_469 = tpu.vector_load_idx %arg9[%parallel_loop3A_462] : memref<50048xf32, #tpu.memory_space<vmem>>[vector<16xi32>], vector<16xf32>,
        %parallel_loop3A_470 = arith.constant 0.000000e+00 : f32
        %parallel_loop3A_471 = vector.broadcast %parallel_loop3A_470 : f32 to vector<16xf32>
        %parallel_loop3A_472 = arith.cmpf oge, %parallel_loop3A_467, %parallel_loop3A_471 : vector<16xf32>
        %parallel_loop3A_473 = arith.select %parallel_loop3A_472, %parallel_loop3A_468, %parallel_loop3A_469 : vector<16xi1>, vector<16xf32>
        %parallel_loop3A_474 = arith.mulf %parallel_loop3A_467, %parallel_loop3A_473 : vector<16xf32>
        %parallel_loop3A_475 = arith.subf %parallel_loop3A_468, %parallel_loop3A_469 : vector<16xf32>
        %parallel_loop3A_476 = arith.mulf %gather3A, %parallel_loop3A_475 : vector<16xf32>
        %parallel_loop3A_477 = arith.addf %parallel_loop3A_474, %parallel_loop3A_476 : vector<16xf32>
        tpu.vector_store_idx %arg10[%parallel_loop3A_458], %parallel_loop3A_477 {add = true} : memref<50048xf32, #tpu.memory_space<vmem>>[vector<16xi32>], vector<16xf32>,
        %parallel_loop3A_478 = arith.constant 0.000000e+00 : f32
        %parallel_loop3A_479 = vector.broadcast %parallel_loop3A_478 : f32 to vector<16xf32>
        %parallel_loop3A_480 = arith.subf %parallel_loop3A_479, %parallel_loop3A_477 : vector<16xf32>
        tpu.vector_store_idx %arg10[%parallel_loop3A_462], %parallel_loop3A_480 {add = true} : memref<50048xf32, #tpu.memory_space<vmem>>[vector<16xi32>], vector<16xf32>,
        %parallel_loop3A_481 = arith.constant 64 : i32
        %parallel_loop3A_482 = arith.addi %parallel_loop3A_368, %parallel_loop3A_481 : i32
        %parallel_loop3A_483 = arith.constant 0 : i32
        %parallel_loop3A_484 = arith.index_cast %parallel_loop3A_483 : i32 to index
        %parallel_loop3A_485 = arith.index_cast %parallel_loop3A_482 : i32 to index
        %parallel_loop3A_486 = tpu.vector_load %arg11[%parallel_loop3A_484, %parallel_loop3A_485] {strides = array<i32>} : memref<2x3200xi32, #tpu.memory_space<vmem>>, vector<16xi32>,
        %parallel_loop3A_487 = arith.constant 0 : i32
        %parallel_loop3A_488 = arith.index_cast %parallel_loop3A_487 : i32 to index
        %parallel_loop3A_489 = arith.index_cast %parallel_loop3A_482 : i32 to index
        %parallel_loop3A_490 = tpu.vector_load %arg12[%parallel_loop3A_488, %parallel_loop3A_489] {strides = array<i32>} : memref<2x3200xi32, #tpu.memory_space<vmem>>, vector<16xi32>,
        %parallel_loop3A_491 = arith.constant 0 : i32
        %parallel_loop3A_492 = arith.index_cast %parallel_loop3A_491 : i32 to index
        %parallel_loop3A_493 = arith.index_cast %parallel_loop3A_365 : i32 to index
        %parallel_loop3A_494 = arith.constant 64 : index
        %parallel_loop3A_495 = tpu.vector_load %arg13[%parallel_loop3A_492, %parallel_loop3A_493, %parallel_loop3A_494] {strides = array<i32>} : memref<2x25x128xf32, #tpu.memory_space<vmem>>, vector<16xf32>,
        %parallel_loop3A_496 = tpu.vector_load_idx %arg9[%parallel_loop3A_486] : memref<50048xf32, #tpu.memory_space<vmem>>[vector<16xi32>], vector<16xf32>,
        %parallel_loop3A_497 = tpu.vector_load_idx %arg9[%parallel_loop3A_490] : memref<50048xf32, #tpu.memory_space<vmem>>[vector<16xi32>], vector<16xf32>,
        %parallel_loop3A_498 = arith.constant 0.000000e+00 : f32
        %parallel_loop3A_499 = vector.broadcast %parallel_loop3A_498 : f32 to vector<16xf32>
        %parallel_loop3A_500 = arith.cmpf oge, %parallel_loop3A_495, %parallel_loop3A_499 : vector<16xf32>
        %parallel_loop3A_501 = arith.select %parallel_loop3A_500, %parallel_loop3A_496, %parallel_loop3A_497 : vector<16xi1>, vector<16xf32>
        %parallel_loop3A_502 = arith.mulf %parallel_loop3A_495, %parallel_loop3A_501 : vector<16xf32>
        %parallel_loop3A_503 = arith.subf %parallel_loop3A_496, %parallel_loop3A_497 : vector<16xf32>
        %parallel_loop3A_504 = arith.mulf %gather3A, %parallel_loop3A_503 : vector<16xf32>
        %parallel_loop3A_505 = arith.addf %parallel_loop3A_502, %parallel_loop3A_504 : vector<16xf32>
        tpu.vector_store_idx %arg10[%parallel_loop3A_486], %parallel_loop3A_505 {add = true} : memref<50048xf32, #tpu.memory_space<vmem>>[vector<16xi32>], vector<16xf32>,
        %parallel_loop3A_506 = arith.constant 0.000000e+00 : f32
        %parallel_loop3A_507 = vector.broadcast %parallel_loop3A_506 : f32 to vector<16xf32>
        %parallel_loop3A_508 = arith.subf %parallel_loop3A_507, %parallel_loop3A_505 : vector<16xf32>
        tpu.vector_store_idx %arg10[%parallel_loop3A_490], %parallel_loop3A_508 {add = true} : memref<50048xf32, #tpu.memory_space<vmem>>[vector<16xi32>], vector<16xf32>,
        %parallel_loop3A_509 = arith.constant 80 : i32
        %parallel_loop3A_510 = arith.addi %parallel_loop3A_368, %parallel_loop3A_509 : i32
        %parallel_loop3A_511 = arith.constant 0 : i32
        %parallel_loop3A_512 = arith.index_cast %parallel_loop3A_511 : i32 to index
        %parallel_loop3A_513 = arith.index_cast %parallel_loop3A_510 : i32 to index
        %parallel_loop3A_514 = tpu.vector_load %arg11[%parallel_loop3A_512, %parallel_loop3A_513] {strides = array<i32>} : memref<2x3200xi32, #tpu.memory_space<vmem>>, vector<16xi32>,
        %parallel_loop3A_515 = arith.constant 0 : i32
        %parallel_loop3A_516 = arith.index_cast %parallel_loop3A_515 : i32 to index
        %parallel_loop3A_517 = arith.index_cast %parallel_loop3A_510 : i32 to index
        %parallel_loop3A_518 = tpu.vector_load %arg12[%parallel_loop3A_516, %parallel_loop3A_517] {strides = array<i32>} : memref<2x3200xi32, #tpu.memory_space<vmem>>, vector<16xi32>,
        %parallel_loop3A_519 = arith.constant 0 : i32
        %parallel_loop3A_520 = arith.index_cast %parallel_loop3A_519 : i32 to index
        %parallel_loop3A_521 = arith.index_cast %parallel_loop3A_365 : i32 to index
        %parallel_loop3A_522 = arith.constant 80 : index
        %parallel_loop3A_523 = tpu.vector_load %arg13[%parallel_loop3A_520, %parallel_loop3A_521, %parallel_loop3A_522] {strides = array<i32>} : memref<2x25x128xf32, #tpu.memory_space<vmem>>, vector<16xf32>,
        %parallel_loop3A_524 = tpu.vector_load_idx %arg9[%parallel_loop3A_514] : memref<50048xf32, #tpu.memory_space<vmem>>[vector<16xi32>], vector<16xf32>,
        %parallel_loop3A_525 = tpu.vector_load_idx %arg9[%parallel_loop3A_518] : memref<50048xf32, #tpu.memory_space<vmem>>[vector<16xi32>], vector<16xf32>,
        %parallel_loop3A_526 = arith.constant 0.000000e+00 : f32
        %parallel_loop3A_527 = vector.broadcast %parallel_loop3A_526 : f32 to vector<16xf32>
        %parallel_loop3A_528 = arith.cmpf oge, %parallel_loop3A_523, %parallel_loop3A_527 : vector<16xf32>
        %parallel_loop3A_529 = arith.select %parallel_loop3A_528, %parallel_loop3A_524, %parallel_loop3A_525 : vector<16xi1>, vector<16xf32>
        %parallel_loop3A_530 = arith.mulf %parallel_loop3A_523, %parallel_loop3A_529 : vector<16xf32>
        %parallel_loop3A_531 = arith.subf %parallel_loop3A_524, %parallel_loop3A_525 : vector<16xf32>
        %parallel_loop3A_532 = arith.mulf %gather3A, %parallel_loop3A_531 : vector<16xf32>
        %parallel_loop3A_533 = arith.addf %parallel_loop3A_530, %parallel_loop3A_532 : vector<16xf32>
        tpu.vector_store_idx %arg10[%parallel_loop3A_514], %parallel_loop3A_533 {add = true} : memref<50048xf32, #tpu.memory_space<vmem>>[vector<16xi32>], vector<16xf32>,
        %parallel_loop3A_534 = arith.constant 0.000000e+00 : f32
        %parallel_loop3A_535 = vector.broadcast %parallel_loop3A_534 : f32 to vector<16xf32>
        %parallel_loop3A_536 = arith.subf %parallel_loop3A_535, %parallel_loop3A_533 : vector<16xf32>
        tpu.vector_store_idx %arg10[%parallel_loop3A_518], %parallel_loop3A_536 {add = true} : memref<50048xf32, #tpu.memory_space<vmem>>[vector<16xi32>], vector<16xf32>,
        %parallel_loop3A_537 = arith.constant 96 : i32
        %parallel_loop3A_538 = arith.addi %parallel_loop3A_368, %parallel_loop3A_537 : i32
        %parallel_loop3A_539 = arith.constant 0 : i32
        %parallel_loop3A_540 = arith.index_cast %parallel_loop3A_539 : i32 to index
        %parallel_loop3A_541 = arith.index_cast %parallel_loop3A_538 : i32 to index
        %parallel_loop3A_542 = tpu.vector_load %arg11[%parallel_loop3A_540, %parallel_loop3A_541] {strides = array<i32>} : memref<2x3200xi32, #tpu.memory_space<vmem>>, vector<16xi32>,
        %parallel_loop3A_543 = arith.constant 0 : i32
        %parallel_loop3A_544 = arith.index_cast %parallel_loop3A_543 : i32 to index
        %parallel_loop3A_545 = arith.index_cast %parallel_loop3A_538 : i32 to index
        %parallel_loop3A_546 = tpu.vector_load %arg12[%parallel_loop3A_544, %parallel_loop3A_545] {strides = array<i32>} : memref<2x3200xi32, #tpu.memory_space<vmem>>, vector<16xi32>,
        %parallel_loop3A_547 = arith.constant 0 : i32
        %parallel_loop3A_548 = arith.index_cast %parallel_loop3A_547 : i32 to index
        %parallel_loop3A_549 = arith.index_cast %parallel_loop3A_365 : i32 to index
        %parallel_loop3A_550 = arith.constant 96 : index
        %parallel_loop3A_551 = tpu.vector_load %arg13[%parallel_loop3A_548, %parallel_loop3A_549, %parallel_loop3A_550] {strides = array<i32>} : memref<2x25x128xf32, #tpu.memory_space<vmem>>, vector<16xf32>,
        %parallel_loop3A_552 = tpu.vector_load_idx %arg9[%parallel_loop3A_542] : memref<50048xf32, #tpu.memory_space<vmem>>[vector<16xi32>], vector<16xf32>,
        %parallel_loop3A_553 = tpu.vector_load_idx %arg9[%parallel_loop3A_546] : memref<50048xf32, #tpu.memory_space<vmem>>[vector<16xi32>], vector<16xf32>,
        %parallel_loop3A_554 = arith.constant 0.000000e+00 : f32
        %parallel_loop3A_555 = vector.broadcast %parallel_loop3A_554 : f32 to vector<16xf32>
        %parallel_loop3A_556 = arith.cmpf oge, %parallel_loop3A_551, %parallel_loop3A_555 : vector<16xf32>
        %parallel_loop3A_557 = arith.select %parallel_loop3A_556, %parallel_loop3A_552, %parallel_loop3A_553 : vector<16xi1>, vector<16xf32>
        %parallel_loop3A_558 = arith.mulf %parallel_loop3A_551, %parallel_loop3A_557 : vector<16xf32>
        %parallel_loop3A_559 = arith.subf %parallel_loop3A_552, %parallel_loop3A_553 : vector<16xf32>
        %parallel_loop3A_560 = arith.mulf %gather3A, %parallel_loop3A_559 : vector<16xf32>
        %parallel_loop3A_561 = arith.addf %parallel_loop3A_558, %parallel_loop3A_560 : vector<16xf32>
        tpu.vector_store_idx %arg10[%parallel_loop3A_542], %parallel_loop3A_561 {add = true} : memref<50048xf32, #tpu.memory_space<vmem>>[vector<16xi32>], vector<16xf32>,
        %parallel_loop3A_562 = arith.constant 0.000000e+00 : f32
        %parallel_loop3A_563 = vector.broadcast %parallel_loop3A_562 : f32 to vector<16xf32>
        %parallel_loop3A_564 = arith.subf %parallel_loop3A_563, %parallel_loop3A_561 : vector<16xf32>
        tpu.vector_store_idx %arg10[%parallel_loop3A_546], %parallel_loop3A_564 {add = true} : memref<50048xf32, #tpu.memory_space<vmem>>[vector<16xi32>], vector<16xf32>,
        %parallel_loop3A_565 = arith.constant 112 : i32
        %parallel_loop3A_566 = arith.addi %parallel_loop3A_368, %parallel_loop3A_565 : i32
        %parallel_loop3A_567 = arith.constant 0 : i32
        %parallel_loop3A_568 = arith.index_cast %parallel_loop3A_567 : i32 to index
        %parallel_loop3A_569 = arith.index_cast %parallel_loop3A_566 : i32 to index
        %parallel_loop3A_570 = tpu.vector_load %arg11[%parallel_loop3A_568, %parallel_loop3A_569] {strides = array<i32>} : memref<2x3200xi32, #tpu.memory_space<vmem>>, vector<16xi32>,
        %parallel_loop3A_571 = arith.constant 0 : i32
        %parallel_loop3A_572 = arith.index_cast %parallel_loop3A_571 : i32 to index
        %parallel_loop3A_573 = arith.index_cast %parallel_loop3A_566 : i32 to index
        %parallel_loop3A_574 = tpu.vector_load %arg12[%parallel_loop3A_572, %parallel_loop3A_573] {strides = array<i32>} : memref<2x3200xi32, #tpu.memory_space<vmem>>, vector<16xi32>,
        %parallel_loop3A_575 = arith.constant 0 : i32
        %parallel_loop3A_576 = arith.index_cast %parallel_loop3A_575 : i32 to index
        %parallel_loop3A_577 = arith.index_cast %parallel_loop3A_365 : i32 to index
        %parallel_loop3A_578 = arith.constant 112 : index
        %parallel_loop3A_579 = tpu.vector_load %arg13[%parallel_loop3A_576, %parallel_loop3A_577, %parallel_loop3A_578] {strides = array<i32>} : memref<2x25x128xf32, #tpu.memory_space<vmem>>, vector<16xf32>,
        %parallel_loop3A_580 = tpu.vector_load_idx %arg9[%parallel_loop3A_570] : memref<50048xf32, #tpu.memory_space<vmem>>[vector<16xi32>], vector<16xf32>,
        %parallel_loop3A_581 = tpu.vector_load_idx %arg9[%parallel_loop3A_574] : memref<50048xf32, #tpu.memory_space<vmem>>[vector<16xi32>], vector<16xf32>,
        %parallel_loop3A_582 = arith.constant 0.000000e+00 : f32
        %parallel_loop3A_583 = vector.broadcast %parallel_loop3A_582 : f32 to vector<16xf32>
        %parallel_loop3A_584 = arith.cmpf oge, %parallel_loop3A_579, %parallel_loop3A_583 : vector<16xf32>
        %parallel_loop3A_585 = arith.select %parallel_loop3A_584, %parallel_loop3A_580, %parallel_loop3A_581 : vector<16xi1>, vector<16xf32>
        %parallel_loop3A_586 = arith.mulf %parallel_loop3A_579, %parallel_loop3A_585 : vector<16xf32>
        %parallel_loop3A_587 = arith.subf %parallel_loop3A_580, %parallel_loop3A_581 : vector<16xf32>
        %parallel_loop3A_588 = arith.mulf %gather3A, %parallel_loop3A_587 : vector<16xf32>
        %parallel_loop3A_589 = arith.addf %parallel_loop3A_586, %parallel_loop3A_588 : vector<16xf32>
        tpu.vector_store_idx %arg10[%parallel_loop3A_570], %parallel_loop3A_589 {add = true} : memref<50048xf32, #tpu.memory_space<vmem>>[vector<16xi32>], vector<16xf32>,
        %parallel_loop3A_590 = arith.constant 0.000000e+00 : f32
        %parallel_loop3A_591 = vector.broadcast %parallel_loop3A_590 : f32 to vector<16xf32>
        %parallel_loop3A_592 = arith.subf %parallel_loop3A_591, %parallel_loop3A_589 : vector<16xf32>
        tpu.vector_store_idx %arg10[%parallel_loop3A_574], %parallel_loop3A_592 {add = true} : memref<50048xf32, #tpu.memory_space<vmem>>[vector<16xi32>], vector<16xf32>,
      } {sc.loop_unroll_factor = 1 : i64, sc.parallel_access}
      %mul3A_276 = arith.constant 2 : i32
      %mul3A_277 = arith.muli %scan3A_186, %mul3A_276 : i32
      %add3A_278 = arith.constant 1 : i32
      %add3A_279 = arith.addi %mul3A_277, %add3A_278 : i32
      %add3A_280 = arith.constant 1 : i32
      %add3A_281 = arith.addi %add3A_279, %add3A_280 : i32
      %mul3A_282 = arith.constant 3200 : i32
      %mul3A_283 = arith.muli %add3A_281, %mul3A_282 : i32
      %add3A_284 = arith.addi %mul3A_37, %mul3A_283 : i32
      %dma_start3A_285 = arith.constant 0 : i32
      %dma_start3A_286 = arith.constant 0 : i32
      %dma_start3A_287 = tpu.memref_slice %arg11[%dma_start3A_285, %dma_start3A_286] : memref<2x3200xi32, #tpu.memory_space<vmem>> -> memref<1x3200xi32, #tpu.memory_space<vmem>>
      %dma_start3A_288 = tpu.memref_squeeze %dma_start3A_287 : memref<1x3200xi32, #tpu.memory_space<vmem>> -> memref<3200xi32, #tpu.memory_space<vmem>>
      %dma_start3A_289 = tpu.memref_slice %arg4[%add3A_284] : memref<1600000xi32, #tpu.memory_space<hbm>> -> memref<3200xi32, #tpu.memory_space<hbm>>
      %dma_start3A_290 = arith.constant 0 : i32
      %dma_start3A_291 = tpu.memref_slice %arg11[%dma_start3A_285, %dma_start3A_290] : memref<2x3200xi32, #tpu.memory_space<vmem>> -> memref<1x3200xi32, #tpu.memory_space<vmem>>
      %dma_start3A_292 = tpu.memref_squeeze %dma_start3A_291 : memref<1x3200xi32, #tpu.memory_space<vmem>> -> memref<3200xi32, #tpu.memory_space<vmem>>
      %dma_start3A_293 = tpu.memref_slice %arg4[%add3A_284] : memref<1600000xi32, #tpu.memory_space<hbm>> -> memref<3200xi32, #tpu.memory_space<hbm>>
      tpu.enqueue_dma source(%dma_start3A_293 : memref<3200xi32, #tpu.memory_space<hbm>>) target(%dma_start3A_292 : memref<3200xi32, #tpu.memory_space<vmem>>) target_semaphore(%arg16 : memref<!tpu.dma_semaphore, #tpu.memory_space<semaphore_mem>>)
      %add3A_294 = arith.addi %mul3A_37, %mul3A_283 : i32
      %dma_start3A_295 = arith.constant 0 : i32
      %dma_start3A_296 = arith.constant 0 : i32
      %dma_start3A_297 = tpu.memref_slice %arg12[%dma_start3A_295, %dma_start3A_296] : memref<2x3200xi32, #tpu.memory_space<vmem>> -> memref<1x3200xi32, #tpu.memory_space<vmem>>
      %dma_start3A_298 = tpu.memref_squeeze %dma_start3A_297 : memref<1x3200xi32, #tpu.memory_space<vmem>> -> memref<3200xi32, #tpu.memory_space<vmem>>
      %dma_start3A_299 = tpu.memref_slice %arg5[%add3A_294] : memref<1600000xi32, #tpu.memory_space<hbm>> -> memref<3200xi32, #tpu.memory_space<hbm>>
      %dma_start3A_300 = arith.constant 0 : i32
      %dma_start3A_301 = tpu.memref_slice %arg12[%dma_start3A_295, %dma_start3A_300] : memref<2x3200xi32, #tpu.memory_space<vmem>> -> memref<1x3200xi32, #tpu.memory_space<vmem>>
      %dma_start3A_302 = tpu.memref_squeeze %dma_start3A_301 : memref<1x3200xi32, #tpu.memory_space<vmem>> -> memref<3200xi32, #tpu.memory_space<vmem>>
      %dma_start3A_303 = tpu.memref_slice %arg5[%add3A_294] : memref<1600000xi32, #tpu.memory_space<hbm>> -> memref<3200xi32, #tpu.memory_space<hbm>>
      tpu.enqueue_dma source(%dma_start3A_303 : memref<3200xi32, #tpu.memory_space<hbm>>) target(%dma_start3A_302 : memref<3200xi32, #tpu.memory_space<vmem>>) target_semaphore(%arg16 : memref<!tpu.dma_semaphore, #tpu.memory_space<semaphore_mem>>)
      %mul3A_304 = arith.constant 25 : i32
      %mul3A_305 = arith.muli %add3A_281, %mul3A_304 : i32
      %add3A_306 = arith.addi %mul3A_39, %mul3A_305 : i32
      %dma_start3A_307 = arith.constant 0 : i32
      %dma_start3A_308 = arith.constant 0 : i32
      %dma_start3A_309 = arith.constant 0 : i32
      %dma_start3A_310 = tpu.memref_slice %arg13[%dma_start3A_307, %dma_start3A_308, %dma_start3A_309] : memref<2x25x128xf32, #tpu.memory_space<vmem>> -> memref<1x25x128xf32, #tpu.memory_space<vmem>>
      %dma_start3A_311 = tpu.memref_squeeze %dma_start3A_310 : memref<1x25x128xf32, #tpu.memory_space<vmem>> -> memref<25x128xf32, #tpu.memory_space<vmem>>
      %dma_start3A_312 = arith.constant 0 : i32
      %dma_start3A_313 = tpu.memref_slice %arg3[%add3A_306, %add3A_30, %dma_start3A_312] : memref<12500x8x128xf32, #tpu.memory_space<hbm>> -> memref<25x1x128xf32, #tpu.memory_space<hbm>>
      %dma_start3A_314 = tpu.memref_squeeze %dma_start3A_313 : memref<25x1x128xf32, #tpu.memory_space<hbm>> -> memref<25x128xf32, #tpu.memory_space<hbm>>
      %dma_start3A_315 = arith.constant 0 : i32
      %dma_start3A_316 = arith.constant 0 : i32
      %dma_start3A_317 = tpu.memref_slice %arg13[%dma_start3A_307, %dma_start3A_315, %dma_start3A_316] : memref<2x25x128xf32, #tpu.memory_space<vmem>> -> memref<1x25x128xf32, #tpu.memory_space<vmem>>
      %dma_start3A_318 = tpu.memref_squeeze %dma_start3A_317 : memref<1x25x128xf32, #tpu.memory_space<vmem>> -> memref<25x128xf32, #tpu.memory_space<vmem>>
      %dma_start3A_319 = arith.constant 0 : i32
      %dma_start3A_320 = tpu.memref_slice %arg3[%add3A_306, %add3A_30, %dma_start3A_319] : memref<12500x8x128xf32, #tpu.memory_space<hbm>> -> memref<25x1x128xf32, #tpu.memory_space<hbm>>
      %dma_start3A_321 = tpu.memref_squeeze %dma_start3A_320 : memref<25x1x128xf32, #tpu.memory_space<hbm>> -> memref<25x128xf32, #tpu.memory_space<hbm>>
      tpu.enqueue_dma source(%dma_start3A_321 : memref<25x128xf32, #tpu.memory_space<hbm>>) target(%dma_start3A_318 : memref<25x128xf32, #tpu.memory_space<vmem>>) target_semaphore(%arg16 : memref<!tpu.dma_semaphore, #tpu.memory_space<semaphore_mem>>)
      %dma_wait3A_322 = arith.constant 1 : i32
      %dma_wait3A_323 = arith.constant 0 : i32
      %dma_wait3A_324 = tpu.memref_slice %arg11[%dma_wait3A_322, %dma_wait3A_323] : memref<2x3200xi32, #tpu.memory_space<vmem>> -> memref<1x3200xi32, #tpu.memory_space<vmem>>
      %dma_wait3A_325 = tpu.memref_squeeze %dma_wait3A_324 : memref<1x3200xi32, #tpu.memory_space<vmem>> -> memref<3200xi32, #tpu.memory_space<vmem>>
      %dma_wait3A_326 = arith.constant 0 : i32
      %dma_wait3A_327 = tpu.memref_slice %arg4[%dma_wait3A_326] : memref<1600000xi32, #tpu.memory_space<hbm>> -> memref<3200xi32, #tpu.memory_space<hbm>>
      %dma_wait3A_328 = arith.constant 0 : i32
      %dma_wait3A_329 = tpu.memref_slice %arg11[%dma_wait3A_322, %dma_wait3A_328] : memref<2x3200xi32, #tpu.memory_space<vmem>> -> memref<1x3200xi32, #tpu.memory_space<vmem>>
      %dma_wait3A_330 = tpu.memref_squeeze %dma_wait3A_329 : memref<1x3200xi32, #tpu.memory_space<vmem>> -> memref<3200xi32, #tpu.memory_space<vmem>>
      %dma_wait3A_331 = arith.constant 0 : i32
      %dma_wait3A_332 = tpu.memref_slice %arg4[%dma_wait3A_331] : memref<1600000xi32, #tpu.memory_space<hbm>> -> memref<3200xi32, #tpu.memory_space<hbm>>
      tpu.wait_dma2 semaphore(%arg17 : memref<!tpu.dma_semaphore, #tpu.memory_space<semaphore_mem>>) src(%dma_wait3A_332 : memref<3200xi32, #tpu.memory_space<hbm>>) dst(%dma_wait3A_330 : memref<3200xi32, #tpu.memory_space<vmem>>)
      %dma_wait3A_333 = arith.constant 1 : i32
      %dma_wait3A_334 = arith.constant 0 : i32
      %dma_wait3A_335 = tpu.memref_slice %arg12[%dma_wait3A_333, %dma_wait3A_334] : memref<2x3200xi32, #tpu.memory_space<vmem>> -> memref<1x3200xi32, #tpu.memory_space<vmem>>
      %dma_wait3A_336 = tpu.memref_squeeze %dma_wait3A_335 : memref<1x3200xi32, #tpu.memory_space<vmem>> -> memref<3200xi32, #tpu.memory_space<vmem>>
      %dma_wait3A_337 = arith.constant 0 : i32
      %dma_wait3A_338 = tpu.memref_slice %arg5[%dma_wait3A_337] : memref<1600000xi32, #tpu.memory_space<hbm>> -> memref<3200xi32, #tpu.memory_space<hbm>>
      %dma_wait3A_339 = arith.constant 0 : i32
      %dma_wait3A_340 = tpu.memref_slice %arg12[%dma_wait3A_333, %dma_wait3A_339] : memref<2x3200xi32, #tpu.memory_space<vmem>> -> memref<1x3200xi32, #tpu.memory_space<vmem>>
      %dma_wait3A_341 = tpu.memref_squeeze %dma_wait3A_340 : memref<1x3200xi32, #tpu.memory_space<vmem>> -> memref<3200xi32, #tpu.memory_space<vmem>>
      %dma_wait3A_342 = arith.constant 0 : i32
      %dma_wait3A_343 = tpu.memref_slice %arg5[%dma_wait3A_342] : memref<1600000xi32, #tpu.memory_space<hbm>> -> memref<3200xi32, #tpu.memory_space<hbm>>
      tpu.wait_dma2 semaphore(%arg17 : memref<!tpu.dma_semaphore, #tpu.memory_space<semaphore_mem>>) src(%dma_wait3A_343 : memref<3200xi32, #tpu.memory_space<hbm>>) dst(%dma_wait3A_341 : memref<3200xi32, #tpu.memory_space<vmem>>)
      %dma_wait3A_344 = arith.constant 0 : i32
      %dma_wait3A_345 = arith.constant 1 : i32
      %dma_wait3A_346 = arith.constant 0 : i32
      %dma_wait3A_347 = arith.constant 0 : i32
      %dma_wait3A_348 = tpu.memref_slice %arg13[%dma_wait3A_345, %dma_wait3A_346, %dma_wait3A_347] : memref<2x25x128xf32, #tpu.memory_space<vmem>> -> memref<1x25x128xf32, #tpu.memory_space<vmem>>
      %dma_wait3A_349 = tpu.memref_squeeze %dma_wait3A_348 : memref<1x25x128xf32, #tpu.memory_space<vmem>> -> memref<25x128xf32, #tpu.memory_space<vmem>>
      %dma_wait3A_350 = arith.constant 0 : i32
      %dma_wait3A_351 = arith.constant 0 : i32
      %dma_wait3A_352 = tpu.memref_slice %arg3[%dma_wait3A_350, %dma_wait3A_344, %dma_wait3A_351] : memref<12500x8x128xf32, #tpu.memory_space<hbm>> -> memref<25x1x128xf32, #tpu.memory_space<hbm>>
      %dma_wait3A_353 = tpu.memref_squeeze %dma_wait3A_352 : memref<25x1x128xf32, #tpu.memory_space<hbm>> -> memref<25x128xf32, #tpu.memory_space<hbm>>
      %dma_wait3A_354 = arith.constant 0 : i32
      %dma_wait3A_355 = arith.constant 0 : i32
      %dma_wait3A_356 = tpu.memref_slice %arg13[%dma_wait3A_345, %dma_wait3A_354, %dma_wait3A_355] : memref<2x25x128xf32, #tpu.memory_space<vmem>> -> memref<1x25x128xf32, #tpu.memory_space<vmem>>
      %dma_wait3A_357 = tpu.memref_squeeze %dma_wait3A_356 : memref<1x25x128xf32, #tpu.memory_space<vmem>> -> memref<25x128xf32, #tpu.memory_space<vmem>>
      %dma_wait3A_358 = arith.constant 0 : i32
      %dma_wait3A_359 = arith.constant 0 : i32
      %dma_wait3A_360 = tpu.memref_slice %arg3[%dma_wait3A_358, %dma_wait3A_344, %dma_wait3A_359] : memref<12500x8x128xf32, #tpu.memory_space<hbm>> -> memref<25x1x128xf32, #tpu.memory_space<hbm>>
      %dma_wait3A_361 = tpu.memref_squeeze %dma_wait3A_360 : memref<25x1x128xf32, #tpu.memory_space<hbm>> -> memref<25x128xf32, #tpu.memory_space<hbm>>
      tpu.wait_dma2 semaphore(%arg17 : memref<!tpu.dma_semaphore, #tpu.memory_space<semaphore_mem>>) src(%dma_wait3A_361 : memref<25x128xf32, #tpu.memory_space<hbm>>) dst(%dma_wait3A_357 : memref<25x128xf32, #tpu.memory_space<vmem>>)
      %parallel_loop3A_362 = arith.constant 0 : i32
      %parallel_loop3A_363 = arith.constant 25 : i32
      %parallel_loop3A_364 = arith.constant 1 : i32
      scf.for %parallel_loop3A_365 = %parallel_loop3A_362 to %parallel_loop3A_363 step %parallel_loop3A_364  : i32 {
        %parallel_loop3A_366 = arith.constant 128 : i32
        %parallel_loop3A_367 = arith.muli %parallel_loop3A_365, %parallel_loop3A_366 : i32
        %parallel_loop3A_368 = tpu.assume_multiple %parallel_loop3A_367, 128 : i32
        %parallel_loop3A_369 = arith.constant 0 : i32
        %parallel_loop3A_370 = arith.addi %parallel_loop3A_368, %parallel_loop3A_369 : i32
        %parallel_loop3A_371 = arith.constant 1 : i32
        %parallel_loop3A_372 = arith.index_cast %parallel_loop3A_371 : i32 to index
        %parallel_loop3A_373 = arith.index_cast %parallel_loop3A_370 : i32 to index
        %parallel_loop3A_374 = tpu.vector_load %arg11[%parallel_loop3A_372, %parallel_loop3A_373] {strides = array<i32>} : memref<2x3200xi32, #tpu.memory_space<vmem>>, vector<16xi32>,
        %parallel_loop3A_375 = arith.constant 1 : i32
        %parallel_loop3A_376 = arith.index_cast %parallel_loop3A_375 : i32 to index
        %parallel_loop3A_377 = arith.index_cast %parallel_loop3A_370 : i32 to index
        %parallel_loop3A_378 = tpu.vector_load %arg12[%parallel_loop3A_376, %parallel_loop3A_377] {strides = array<i32>} : memref<2x3200xi32, #tpu.memory_space<vmem>>, vector<16xi32>,
        %parallel_loop3A_379 = arith.constant 1 : i32
        %parallel_loop3A_380 = arith.index_cast %parallel_loop3A_379 : i32 to index
        %parallel_loop3A_381 = arith.index_cast %parallel_loop3A_365 : i32 to index
        %parallel_loop3A_382 = arith.constant 0 : index
        %parallel_loop3A_383 = tpu.vector_load %arg13[%parallel_loop3A_380, %parallel_loop3A_381, %parallel_loop3A_382] {strides = array<i32>} : memref<2x25x128xf32, #tpu.memory_space<vmem>>, vector<16xf32>,
        %parallel_loop3A_384 = tpu.vector_load_idx %arg9[%parallel_loop3A_374] : memref<50048xf32, #tpu.memory_space<vmem>>[vector<16xi32>], vector<16xf32>,
        %parallel_loop3A_385 = tpu.vector_load_idx %arg9[%parallel_loop3A_378] : memref<50048xf32, #tpu.memory_space<vmem>>[vector<16xi32>], vector<16xf32>,
        %parallel_loop3A_386 = arith.constant 0.000000e+00 : f32
        %parallel_loop3A_387 = vector.broadcast %parallel_loop3A_386 : f32 to vector<16xf32>
        %parallel_loop3A_388 = arith.cmpf oge, %parallel_loop3A_383, %parallel_loop3A_387 : vector<16xf32>
        %parallel_loop3A_389 = arith.select %parallel_loop3A_388, %parallel_loop3A_384, %parallel_loop3A_385 : vector<16xi1>, vector<16xf32>
        %parallel_loop3A_390 = arith.mulf %parallel_loop3A_383, %parallel_loop3A_389 : vector<16xf32>
        %parallel_loop3A_391 = arith.subf %parallel_loop3A_384, %parallel_loop3A_385 : vector<16xf32>
        %parallel_loop3A_392 = arith.mulf %gather3A, %parallel_loop3A_391 : vector<16xf32>
        %parallel_loop3A_393 = arith.addf %parallel_loop3A_390, %parallel_loop3A_392 : vector<16xf32>
        tpu.vector_store_idx %arg10[%parallel_loop3A_374], %parallel_loop3A_393 {add = true} : memref<50048xf32, #tpu.memory_space<vmem>>[vector<16xi32>], vector<16xf32>,
        %parallel_loop3A_394 = arith.constant 0.000000e+00 : f32
        %parallel_loop3A_395 = vector.broadcast %parallel_loop3A_394 : f32 to vector<16xf32>
        %parallel_loop3A_396 = arith.subf %parallel_loop3A_395, %parallel_loop3A_393 : vector<16xf32>
        tpu.vector_store_idx %arg10[%parallel_loop3A_378], %parallel_loop3A_396 {add = true} : memref<50048xf32, #tpu.memory_space<vmem>>[vector<16xi32>], vector<16xf32>,
        %parallel_loop3A_397 = arith.constant 16 : i32
        %parallel_loop3A_398 = arith.addi %parallel_loop3A_368, %parallel_loop3A_397 : i32
        %parallel_loop3A_399 = arith.constant 1 : i32
        %parallel_loop3A_400 = arith.index_cast %parallel_loop3A_399 : i32 to index
        %parallel_loop3A_401 = arith.index_cast %parallel_loop3A_398 : i32 to index
        %parallel_loop3A_402 = tpu.vector_load %arg11[%parallel_loop3A_400, %parallel_loop3A_401] {strides = array<i32>} : memref<2x3200xi32, #tpu.memory_space<vmem>>, vector<16xi32>,
        %parallel_loop3A_403 = arith.constant 1 : i32
        %parallel_loop3A_404 = arith.index_cast %parallel_loop3A_403 : i32 to index
        %parallel_loop3A_405 = arith.index_cast %parallel_loop3A_398 : i32 to index
        %parallel_loop3A_406 = tpu.vector_load %arg12[%parallel_loop3A_404, %parallel_loop3A_405] {strides = array<i32>} : memref<2x3200xi32, #tpu.memory_space<vmem>>, vector<16xi32>,
        %parallel_loop3A_407 = arith.constant 1 : i32
        %parallel_loop3A_408 = arith.index_cast %parallel_loop3A_407 : i32 to index
        %parallel_loop3A_409 = arith.index_cast %parallel_loop3A_365 : i32 to index
        %parallel_loop3A_410 = arith.constant 16 : index
        %parallel_loop3A_411 = tpu.vector_load %arg13[%parallel_loop3A_408, %parallel_loop3A_409, %parallel_loop3A_410] {strides = array<i32>} : memref<2x25x128xf32, #tpu.memory_space<vmem>>, vector<16xf32>,
        %parallel_loop3A_412 = tpu.vector_load_idx %arg9[%parallel_loop3A_402] : memref<50048xf32, #tpu.memory_space<vmem>>[vector<16xi32>], vector<16xf32>,
        %parallel_loop3A_413 = tpu.vector_load_idx %arg9[%parallel_loop3A_406] : memref<50048xf32, #tpu.memory_space<vmem>>[vector<16xi32>], vector<16xf32>,
        %parallel_loop3A_414 = arith.constant 0.000000e+00 : f32
        %parallel_loop3A_415 = vector.broadcast %parallel_loop3A_414 : f32 to vector<16xf32>
        %parallel_loop3A_416 = arith.cmpf oge, %parallel_loop3A_411, %parallel_loop3A_415 : vector<16xf32>
        %parallel_loop3A_417 = arith.select %parallel_loop3A_416, %parallel_loop3A_412, %parallel_loop3A_413 : vector<16xi1>, vector<16xf32>
        %parallel_loop3A_418 = arith.mulf %parallel_loop3A_411, %parallel_loop3A_417 : vector<16xf32>
        %parallel_loop3A_419 = arith.subf %parallel_loop3A_412, %parallel_loop3A_413 : vector<16xf32>
        %parallel_loop3A_420 = arith.mulf %gather3A, %parallel_loop3A_419 : vector<16xf32>
        %parallel_loop3A_421 = arith.addf %parallel_loop3A_418, %parallel_loop3A_420 : vector<16xf32>
        tpu.vector_store_idx %arg10[%parallel_loop3A_402], %parallel_loop3A_421 {add = true} : memref<50048xf32, #tpu.memory_space<vmem>>[vector<16xi32>], vector<16xf32>,
        %parallel_loop3A_422 = arith.constant 0.000000e+00 : f32
        %parallel_loop3A_423 = vector.broadcast %parallel_loop3A_422 : f32 to vector<16xf32>
        %parallel_loop3A_424 = arith.subf %parallel_loop3A_423, %parallel_loop3A_421 : vector<16xf32>
        tpu.vector_store_idx %arg10[%parallel_loop3A_406], %parallel_loop3A_424 {add = true} : memref<50048xf32, #tpu.memory_space<vmem>>[vector<16xi32>], vector<16xf32>,
        %parallel_loop3A_425 = arith.constant 32 : i32
        %parallel_loop3A_426 = arith.addi %parallel_loop3A_368, %parallel_loop3A_425 : i32
        %parallel_loop3A_427 = arith.constant 1 : i32
        %parallel_loop3A_428 = arith.index_cast %parallel_loop3A_427 : i32 to index
        %parallel_loop3A_429 = arith.index_cast %parallel_loop3A_426 : i32 to index
        %parallel_loop3A_430 = tpu.vector_load %arg11[%parallel_loop3A_428, %parallel_loop3A_429] {strides = array<i32>} : memref<2x3200xi32, #tpu.memory_space<vmem>>, vector<16xi32>,
        %parallel_loop3A_431 = arith.constant 1 : i32
        %parallel_loop3A_432 = arith.index_cast %parallel_loop3A_431 : i32 to index
        %parallel_loop3A_433 = arith.index_cast %parallel_loop3A_426 : i32 to index
        %parallel_loop3A_434 = tpu.vector_load %arg12[%parallel_loop3A_432, %parallel_loop3A_433] {strides = array<i32>} : memref<2x3200xi32, #tpu.memory_space<vmem>>, vector<16xi32>,
        %parallel_loop3A_435 = arith.constant 1 : i32
        %parallel_loop3A_436 = arith.index_cast %parallel_loop3A_435 : i32 to index
        %parallel_loop3A_437 = arith.index_cast %parallel_loop3A_365 : i32 to index
        %parallel_loop3A_438 = arith.constant 32 : index
        %parallel_loop3A_439 = tpu.vector_load %arg13[%parallel_loop3A_436, %parallel_loop3A_437, %parallel_loop3A_438] {strides = array<i32>} : memref<2x25x128xf32, #tpu.memory_space<vmem>>, vector<16xf32>,
        %parallel_loop3A_440 = tpu.vector_load_idx %arg9[%parallel_loop3A_430] : memref<50048xf32, #tpu.memory_space<vmem>>[vector<16xi32>], vector<16xf32>,
        %parallel_loop3A_441 = tpu.vector_load_idx %arg9[%parallel_loop3A_434] : memref<50048xf32, #tpu.memory_space<vmem>>[vector<16xi32>], vector<16xf32>,
        %parallel_loop3A_442 = arith.constant 0.000000e+00 : f32
        %parallel_loop3A_443 = vector.broadcast %parallel_loop3A_442 : f32 to vector<16xf32>
        %parallel_loop3A_444 = arith.cmpf oge, %parallel_loop3A_439, %parallel_loop3A_443 : vector<16xf32>
        %parallel_loop3A_445 = arith.select %parallel_loop3A_444, %parallel_loop3A_440, %parallel_loop3A_441 : vector<16xi1>, vector<16xf32>
        %parallel_loop3A_446 = arith.mulf %parallel_loop3A_439, %parallel_loop3A_445 : vector<16xf32>
        %parallel_loop3A_447 = arith.subf %parallel_loop3A_440, %parallel_loop3A_441 : vector<16xf32>
        %parallel_loop3A_448 = arith.mulf %gather3A, %parallel_loop3A_447 : vector<16xf32>
        %parallel_loop3A_449 = arith.addf %parallel_loop3A_446, %parallel_loop3A_448 : vector<16xf32>
        tpu.vector_store_idx %arg10[%parallel_loop3A_430], %parallel_loop3A_449 {add = true} : memref<50048xf32, #tpu.memory_space<vmem>>[vector<16xi32>], vector<16xf32>,
        %parallel_loop3A_450 = arith.constant 0.000000e+00 : f32
        %parallel_loop3A_451 = vector.broadcast %parallel_loop3A_450 : f32 to vector<16xf32>
        %parallel_loop3A_452 = arith.subf %parallel_loop3A_451, %parallel_loop3A_449 : vector<16xf32>
        tpu.vector_store_idx %arg10[%parallel_loop3A_434], %parallel_loop3A_452 {add = true} : memref<50048xf32, #tpu.memory_space<vmem>>[vector<16xi32>], vector<16xf32>,
        %parallel_loop3A_453 = arith.constant 48 : i32
        %parallel_loop3A_454 = arith.addi %parallel_loop3A_368, %parallel_loop3A_453 : i32
        %parallel_loop3A_455 = arith.constant 1 : i32
        %parallel_loop3A_456 = arith.index_cast %parallel_loop3A_455 : i32 to index
        %parallel_loop3A_457 = arith.index_cast %parallel_loop3A_454 : i32 to index
        %parallel_loop3A_458 = tpu.vector_load %arg11[%parallel_loop3A_456, %parallel_loop3A_457] {strides = array<i32>} : memref<2x3200xi32, #tpu.memory_space<vmem>>, vector<16xi32>,
        %parallel_loop3A_459 = arith.constant 1 : i32
        %parallel_loop3A_460 = arith.index_cast %parallel_loop3A_459 : i32 to index
        %parallel_loop3A_461 = arith.index_cast %parallel_loop3A_454 : i32 to index
        %parallel_loop3A_462 = tpu.vector_load %arg12[%parallel_loop3A_460, %parallel_loop3A_461] {strides = array<i32>} : memref<2x3200xi32, #tpu.memory_space<vmem>>, vector<16xi32>,
        %parallel_loop3A_463 = arith.constant 1 : i32
        %parallel_loop3A_464 = arith.index_cast %parallel_loop3A_463 : i32 to index
        %parallel_loop3A_465 = arith.index_cast %parallel_loop3A_365 : i32 to index
        %parallel_loop3A_466 = arith.constant 48 : index
        %parallel_loop3A_467 = tpu.vector_load %arg13[%parallel_loop3A_464, %parallel_loop3A_465, %parallel_loop3A_466] {strides = array<i32>} : memref<2x25x128xf32, #tpu.memory_space<vmem>>, vector<16xf32>,
        %parallel_loop3A_468 = tpu.vector_load_idx %arg9[%parallel_loop3A_458] : memref<50048xf32, #tpu.memory_space<vmem>>[vector<16xi32>], vector<16xf32>,
        %parallel_loop3A_469 = tpu.vector_load_idx %arg9[%parallel_loop3A_462] : memref<50048xf32, #tpu.memory_space<vmem>>[vector<16xi32>], vector<16xf32>,
        %parallel_loop3A_470 = arith.constant 0.000000e+00 : f32
        %parallel_loop3A_471 = vector.broadcast %parallel_loop3A_470 : f32 to vector<16xf32>
        %parallel_loop3A_472 = arith.cmpf oge, %parallel_loop3A_467, %parallel_loop3A_471 : vector<16xf32>
        %parallel_loop3A_473 = arith.select %parallel_loop3A_472, %parallel_loop3A_468, %parallel_loop3A_469 : vector<16xi1>, vector<16xf32>
        %parallel_loop3A_474 = arith.mulf %parallel_loop3A_467, %parallel_loop3A_473 : vector<16xf32>
        %parallel_loop3A_475 = arith.subf %parallel_loop3A_468, %parallel_loop3A_469 : vector<16xf32>
        %parallel_loop3A_476 = arith.mulf %gather3A, %parallel_loop3A_475 : vector<16xf32>
        %parallel_loop3A_477 = arith.addf %parallel_loop3A_474, %parallel_loop3A_476 : vector<16xf32>
        tpu.vector_store_idx %arg10[%parallel_loop3A_458], %parallel_loop3A_477 {add = true} : memref<50048xf32, #tpu.memory_space<vmem>>[vector<16xi32>], vector<16xf32>,
        %parallel_loop3A_478 = arith.constant 0.000000e+00 : f32
        %parallel_loop3A_479 = vector.broadcast %parallel_loop3A_478 : f32 to vector<16xf32>
        %parallel_loop3A_480 = arith.subf %parallel_loop3A_479, %parallel_loop3A_477 : vector<16xf32>
        tpu.vector_store_idx %arg10[%parallel_loop3A_462], %parallel_loop3A_480 {add = true} : memref<50048xf32, #tpu.memory_space<vmem>>[vector<16xi32>], vector<16xf32>,
        %parallel_loop3A_481 = arith.constant 64 : i32
        %parallel_loop3A_482 = arith.addi %parallel_loop3A_368, %parallel_loop3A_481 : i32
        %parallel_loop3A_483 = arith.constant 1 : i32
        %parallel_loop3A_484 = arith.index_cast %parallel_loop3A_483 : i32 to index
        %parallel_loop3A_485 = arith.index_cast %parallel_loop3A_482 : i32 to index
        %parallel_loop3A_486 = tpu.vector_load %arg11[%parallel_loop3A_484, %parallel_loop3A_485] {strides = array<i32>} : memref<2x3200xi32, #tpu.memory_space<vmem>>, vector<16xi32>,
        %parallel_loop3A_487 = arith.constant 1 : i32
        %parallel_loop3A_488 = arith.index_cast %parallel_loop3A_487 : i32 to index
        %parallel_loop3A_489 = arith.index_cast %parallel_loop3A_482 : i32 to index
        %parallel_loop3A_490 = tpu.vector_load %arg12[%parallel_loop3A_488, %parallel_loop3A_489] {strides = array<i32>} : memref<2x3200xi32, #tpu.memory_space<vmem>>, vector<16xi32>,
        %parallel_loop3A_491 = arith.constant 1 : i32
        %parallel_loop3A_492 = arith.index_cast %parallel_loop3A_491 : i32 to index
        %parallel_loop3A_493 = arith.index_cast %parallel_loop3A_365 : i32 to index
        %parallel_loop3A_494 = arith.constant 64 : index
        %parallel_loop3A_495 = tpu.vector_load %arg13[%parallel_loop3A_492, %parallel_loop3A_493, %parallel_loop3A_494] {strides = array<i32>} : memref<2x25x128xf32, #tpu.memory_space<vmem>>, vector<16xf32>,
        %parallel_loop3A_496 = tpu.vector_load_idx %arg9[%parallel_loop3A_486] : memref<50048xf32, #tpu.memory_space<vmem>>[vector<16xi32>], vector<16xf32>,
        %parallel_loop3A_497 = tpu.vector_load_idx %arg9[%parallel_loop3A_490] : memref<50048xf32, #tpu.memory_space<vmem>>[vector<16xi32>], vector<16xf32>,
        %parallel_loop3A_498 = arith.constant 0.000000e+00 : f32
        %parallel_loop3A_499 = vector.broadcast %parallel_loop3A_498 : f32 to vector<16xf32>
        %parallel_loop3A_500 = arith.cmpf oge, %parallel_loop3A_495, %parallel_loop3A_499 : vector<16xf32>
        %parallel_loop3A_501 = arith.select %parallel_loop3A_500, %parallel_loop3A_496, %parallel_loop3A_497 : vector<16xi1>, vector<16xf32>
        %parallel_loop3A_502 = arith.mulf %parallel_loop3A_495, %parallel_loop3A_501 : vector<16xf32>
        %parallel_loop3A_503 = arith.subf %parallel_loop3A_496, %parallel_loop3A_497 : vector<16xf32>
        %parallel_loop3A_504 = arith.mulf %gather3A, %parallel_loop3A_503 : vector<16xf32>
        %parallel_loop3A_505 = arith.addf %parallel_loop3A_502, %parallel_loop3A_504 : vector<16xf32>
        tpu.vector_store_idx %arg10[%parallel_loop3A_486], %parallel_loop3A_505 {add = true} : memref<50048xf32, #tpu.memory_space<vmem>>[vector<16xi32>], vector<16xf32>,
        %parallel_loop3A_506 = arith.constant 0.000000e+00 : f32
        %parallel_loop3A_507 = vector.broadcast %parallel_loop3A_506 : f32 to vector<16xf32>
        %parallel_loop3A_508 = arith.subf %parallel_loop3A_507, %parallel_loop3A_505 : vector<16xf32>
        tpu.vector_store_idx %arg10[%parallel_loop3A_490], %parallel_loop3A_508 {add = true} : memref<50048xf32, #tpu.memory_space<vmem>>[vector<16xi32>], vector<16xf32>,
        %parallel_loop3A_509 = arith.constant 80 : i32
        %parallel_loop3A_510 = arith.addi %parallel_loop3A_368, %parallel_loop3A_509 : i32
        %parallel_loop3A_511 = arith.constant 1 : i32
        %parallel_loop3A_512 = arith.index_cast %parallel_loop3A_511 : i32 to index
        %parallel_loop3A_513 = arith.index_cast %parallel_loop3A_510 : i32 to index
        %parallel_loop3A_514 = tpu.vector_load %arg11[%parallel_loop3A_512, %parallel_loop3A_513] {strides = array<i32>} : memref<2x3200xi32, #tpu.memory_space<vmem>>, vector<16xi32>,
        %parallel_loop3A_515 = arith.constant 1 : i32
        %parallel_loop3A_516 = arith.index_cast %parallel_loop3A_515 : i32 to index
        %parallel_loop3A_517 = arith.index_cast %parallel_loop3A_510 : i32 to index
        %parallel_loop3A_518 = tpu.vector_load %arg12[%parallel_loop3A_516, %parallel_loop3A_517] {strides = array<i32>} : memref<2x3200xi32, #tpu.memory_space<vmem>>, vector<16xi32>,
        %parallel_loop3A_519 = arith.constant 1 : i32
        %parallel_loop3A_520 = arith.index_cast %parallel_loop3A_519 : i32 to index
        %parallel_loop3A_521 = arith.index_cast %parallel_loop3A_365 : i32 to index
        %parallel_loop3A_522 = arith.constant 80 : index
        %parallel_loop3A_523 = tpu.vector_load %arg13[%parallel_loop3A_520, %parallel_loop3A_521, %parallel_loop3A_522] {strides = array<i32>} : memref<2x25x128xf32, #tpu.memory_space<vmem>>, vector<16xf32>,
        %parallel_loop3A_524 = tpu.vector_load_idx %arg9[%parallel_loop3A_514] : memref<50048xf32, #tpu.memory_space<vmem>>[vector<16xi32>], vector<16xf32>,
        %parallel_loop3A_525 = tpu.vector_load_idx %arg9[%parallel_loop3A_518] : memref<50048xf32, #tpu.memory_space<vmem>>[vector<16xi32>], vector<16xf32>,
        %parallel_loop3A_526 = arith.constant 0.000000e+00 : f32
        %parallel_loop3A_527 = vector.broadcast %parallel_loop3A_526 : f32 to vector<16xf32>
        %parallel_loop3A_528 = arith.cmpf oge, %parallel_loop3A_523, %parallel_loop3A_527 : vector<16xf32>
        %parallel_loop3A_529 = arith.select %parallel_loop3A_528, %parallel_loop3A_524, %parallel_loop3A_525 : vector<16xi1>, vector<16xf32>
        %parallel_loop3A_530 = arith.mulf %parallel_loop3A_523, %parallel_loop3A_529 : vector<16xf32>
        %parallel_loop3A_531 = arith.subf %parallel_loop3A_524, %parallel_loop3A_525 : vector<16xf32>
        %parallel_loop3A_532 = arith.mulf %gather3A, %parallel_loop3A_531 : vector<16xf32>
        %parallel_loop3A_533 = arith.addf %parallel_loop3A_530, %parallel_loop3A_532 : vector<16xf32>
        tpu.vector_store_idx %arg10[%parallel_loop3A_514], %parallel_loop3A_533 {add = true} : memref<50048xf32, #tpu.memory_space<vmem>>[vector<16xi32>], vector<16xf32>,
        %parallel_loop3A_534 = arith.constant 0.000000e+00 : f32
        %parallel_loop3A_535 = vector.broadcast %parallel_loop3A_534 : f32 to vector<16xf32>
        %parallel_loop3A_536 = arith.subf %parallel_loop3A_535, %parallel_loop3A_533 : vector<16xf32>
        tpu.vector_store_idx %arg10[%parallel_loop3A_518], %parallel_loop3A_536 {add = true} : memref<50048xf32, #tpu.memory_space<vmem>>[vector<16xi32>], vector<16xf32>,
        %parallel_loop3A_537 = arith.constant 96 : i32
        %parallel_loop3A_538 = arith.addi %parallel_loop3A_368, %parallel_loop3A_537 : i32
        %parallel_loop3A_539 = arith.constant 1 : i32
        %parallel_loop3A_540 = arith.index_cast %parallel_loop3A_539 : i32 to index
        %parallel_loop3A_541 = arith.index_cast %parallel_loop3A_538 : i32 to index
        %parallel_loop3A_542 = tpu.vector_load %arg11[%parallel_loop3A_540, %parallel_loop3A_541] {strides = array<i32>} : memref<2x3200xi32, #tpu.memory_space<vmem>>, vector<16xi32>,
        %parallel_loop3A_543 = arith.constant 1 : i32
        %parallel_loop3A_544 = arith.index_cast %parallel_loop3A_543 : i32 to index
        %parallel_loop3A_545 = arith.index_cast %parallel_loop3A_538 : i32 to index
        %parallel_loop3A_546 = tpu.vector_load %arg12[%parallel_loop3A_544, %parallel_loop3A_545] {strides = array<i32>} : memref<2x3200xi32, #tpu.memory_space<vmem>>, vector<16xi32>,
        %parallel_loop3A_547 = arith.constant 1 : i32
        %parallel_loop3A_548 = arith.index_cast %parallel_loop3A_547 : i32 to index
        %parallel_loop3A_549 = arith.index_cast %parallel_loop3A_365 : i32 to index
        %parallel_loop3A_550 = arith.constant 96 : index
        %parallel_loop3A_551 = tpu.vector_load %arg13[%parallel_loop3A_548, %parallel_loop3A_549, %parallel_loop3A_550] {strides = array<i32>} : memref<2x25x128xf32, #tpu.memory_space<vmem>>, vector<16xf32>,
        %parallel_loop3A_552 = tpu.vector_load_idx %arg9[%parallel_loop3A_542] : memref<50048xf32, #tpu.memory_space<vmem>>[vector<16xi32>], vector<16xf32>,
        %parallel_loop3A_553 = tpu.vector_load_idx %arg9[%parallel_loop3A_546] : memref<50048xf32, #tpu.memory_space<vmem>>[vector<16xi32>], vector<16xf32>,
        %parallel_loop3A_554 = arith.constant 0.000000e+00 : f32
        %parallel_loop3A_555 = vector.broadcast %parallel_loop3A_554 : f32 to vector<16xf32>
        %parallel_loop3A_556 = arith.cmpf oge, %parallel_loop3A_551, %parallel_loop3A_555 : vector<16xf32>
        %parallel_loop3A_557 = arith.select %parallel_loop3A_556, %parallel_loop3A_552, %parallel_loop3A_553 : vector<16xi1>, vector<16xf32>
        %parallel_loop3A_558 = arith.mulf %parallel_loop3A_551, %parallel_loop3A_557 : vector<16xf32>
        %parallel_loop3A_559 = arith.subf %parallel_loop3A_552, %parallel_loop3A_553 : vector<16xf32>
        %parallel_loop3A_560 = arith.mulf %gather3A, %parallel_loop3A_559 : vector<16xf32>
        %parallel_loop3A_561 = arith.addf %parallel_loop3A_558, %parallel_loop3A_560 : vector<16xf32>
        tpu.vector_store_idx %arg10[%parallel_loop3A_542], %parallel_loop3A_561 {add = true} : memref<50048xf32, #tpu.memory_space<vmem>>[vector<16xi32>], vector<16xf32>,
        %parallel_loop3A_562 = arith.constant 0.000000e+00 : f32
        %parallel_loop3A_563 = vector.broadcast %parallel_loop3A_562 : f32 to vector<16xf32>
        %parallel_loop3A_564 = arith.subf %parallel_loop3A_563, %parallel_loop3A_561 : vector<16xf32>
        tpu.vector_store_idx %arg10[%parallel_loop3A_546], %parallel_loop3A_564 {add = true} : memref<50048xf32, #tpu.memory_space<vmem>>[vector<16xi32>], vector<16xf32>,
        %parallel_loop3A_565 = arith.constant 112 : i32
        %parallel_loop3A_566 = arith.addi %parallel_loop3A_368, %parallel_loop3A_565 : i32
        %parallel_loop3A_567 = arith.constant 1 : i32
        %parallel_loop3A_568 = arith.index_cast %parallel_loop3A_567 : i32 to index
        %parallel_loop3A_569 = arith.index_cast %parallel_loop3A_566 : i32 to index
        %parallel_loop3A_570 = tpu.vector_load %arg11[%parallel_loop3A_568, %parallel_loop3A_569] {strides = array<i32>} : memref<2x3200xi32, #tpu.memory_space<vmem>>, vector<16xi32>,
        %parallel_loop3A_571 = arith.constant 1 : i32
        %parallel_loop3A_572 = arith.index_cast %parallel_loop3A_571 : i32 to index
        %parallel_loop3A_573 = arith.index_cast %parallel_loop3A_566 : i32 to index
        %parallel_loop3A_574 = tpu.vector_load %arg12[%parallel_loop3A_572, %parallel_loop3A_573] {strides = array<i32>} : memref<2x3200xi32, #tpu.memory_space<vmem>>, vector<16xi32>,
        %parallel_loop3A_575 = arith.constant 1 : i32
        %parallel_loop3A_576 = arith.index_cast %parallel_loop3A_575 : i32 to index
        %parallel_loop3A_577 = arith.index_cast %parallel_loop3A_365 : i32 to index
        %parallel_loop3A_578 = arith.constant 112 : index
        %parallel_loop3A_579 = tpu.vector_load %arg13[%parallel_loop3A_576, %parallel_loop3A_577, %parallel_loop3A_578] {strides = array<i32>} : memref<2x25x128xf32, #tpu.memory_space<vmem>>, vector<16xf32>,
        %parallel_loop3A_580 = tpu.vector_load_idx %arg9[%parallel_loop3A_570] : memref<50048xf32, #tpu.memory_space<vmem>>[vector<16xi32>], vector<16xf32>,
        %parallel_loop3A_581 = tpu.vector_load_idx %arg9[%parallel_loop3A_574] : memref<50048xf32, #tpu.memory_space<vmem>>[vector<16xi32>], vector<16xf32>,
        %parallel_loop3A_582 = arith.constant 0.000000e+00 : f32
        %parallel_loop3A_583 = vector.broadcast %parallel_loop3A_582 : f32 to vector<16xf32>
        %parallel_loop3A_584 = arith.cmpf oge, %parallel_loop3A_579, %parallel_loop3A_583 : vector<16xf32>
        %parallel_loop3A_585 = arith.select %parallel_loop3A_584, %parallel_loop3A_580, %parallel_loop3A_581 : vector<16xi1>, vector<16xf32>
        %parallel_loop3A_586 = arith.mulf %parallel_loop3A_579, %parallel_loop3A_585 : vector<16xf32>
        %parallel_loop3A_587 = arith.subf %parallel_loop3A_580, %parallel_loop3A_581 : vector<16xf32>
        %parallel_loop3A_588 = arith.mulf %gather3A, %parallel_loop3A_587 : vector<16xf32>
        %parallel_loop3A_589 = arith.addf %parallel_loop3A_586, %parallel_loop3A_588 : vector<16xf32>
        tpu.vector_store_idx %arg10[%parallel_loop3A_570], %parallel_loop3A_589 {add = true} : memref<50048xf32, #tpu.memory_space<vmem>>[vector<16xi32>], vector<16xf32>,
        %parallel_loop3A_590 = arith.constant 0.000000e+00 : f32
        %parallel_loop3A_591 = vector.broadcast %parallel_loop3A_590 : f32 to vector<16xf32>
        %parallel_loop3A_592 = arith.subf %parallel_loop3A_591, %parallel_loop3A_589 : vector<16xf32>
        tpu.vector_store_idx %arg10[%parallel_loop3A_574], %parallel_loop3A_592 {add = true} : memref<50048xf32, #tpu.memory_space<vmem>>[vector<16xi32>], vector<16xf32>,
      } {sc.loop_unroll_factor = 1 : i64, sc.parallel_access}
    }
    %scan3A_86 = arith.constant 62 : i32
    %dma_wait3A = arith.constant 0 : i32
    %dma_wait3A_87 = arith.constant 0 : i32
    %dma_wait3A_88 = tpu.memref_slice %arg11[%dma_wait3A, %dma_wait3A_87] : memref<2x3200xi32, #tpu.memory_space<vmem>> -> memref<1x3200xi32, #tpu.memory_space<vmem>>
    %dma_wait3A_89 = tpu.memref_squeeze %dma_wait3A_88 : memref<1x3200xi32, #tpu.memory_space<vmem>> -> memref<3200xi32, #tpu.memory_space<vmem>>
    %dma_wait3A_90 = arith.constant 0 : i32
    %dma_wait3A_91 = tpu.memref_slice %arg4[%dma_wait3A_90] : memref<1600000xi32, #tpu.memory_space<hbm>> -> memref<3200xi32, #tpu.memory_space<hbm>>
    %dma_wait3A_92 = arith.constant 0 : i32
    %dma_wait3A_93 = tpu.memref_slice %arg11[%dma_wait3A, %dma_wait3A_92] : memref<2x3200xi32, #tpu.memory_space<vmem>> -> memref<1x3200xi32, #tpu.memory_space<vmem>>
    %dma_wait3A_94 = tpu.memref_squeeze %dma_wait3A_93 : memref<1x3200xi32, #tpu.memory_space<vmem>> -> memref<3200xi32, #tpu.memory_space<vmem>>
    %dma_wait3A_95 = arith.constant 0 : i32
    %dma_wait3A_96 = tpu.memref_slice %arg4[%dma_wait3A_95] : memref<1600000xi32, #tpu.memory_space<hbm>> -> memref<3200xi32, #tpu.memory_space<hbm>>
    tpu.wait_dma2 semaphore(%arg16 : memref<!tpu.dma_semaphore, #tpu.memory_space<semaphore_mem>>) src(%dma_wait3A_96 : memref<3200xi32, #tpu.memory_space<hbm>>) dst(%dma_wait3A_94 : memref<3200xi32, #tpu.memory_space<vmem>>)
    %dma_wait3A_97 = arith.constant 0 : i32
    %dma_wait3A_98 = arith.constant 0 : i32
    %dma_wait3A_99 = tpu.memref_slice %arg12[%dma_wait3A_97, %dma_wait3A_98] : memref<2x3200xi32, #tpu.memory_space<vmem>> -> memref<1x3200xi32, #tpu.memory_space<vmem>>
    %dma_wait3A_100 = tpu.memref_squeeze %dma_wait3A_99 : memref<1x3200xi32, #tpu.memory_space<vmem>> -> memref<3200xi32, #tpu.memory_space<vmem>>
    %dma_wait3A_101 = arith.constant 0 : i32
    %dma_wait3A_102 = tpu.memref_slice %arg5[%dma_wait3A_101] : memref<1600000xi32, #tpu.memory_space<hbm>> -> memref<3200xi32, #tpu.memory_space<hbm>>
    %dma_wait3A_103 = arith.constant 0 : i32
    %dma_wait3A_104 = tpu.memref_slice %arg12[%dma_wait3A_97, %dma_wait3A_103] : memref<2x3200xi32, #tpu.memory_space<vmem>> -> memref<1x3200xi32, #tpu.memory_space<vmem>>
    %dma_wait3A_105 = tpu.memref_squeeze %dma_wait3A_104 : memref<1x3200xi32, #tpu.memory_space<vmem>> -> memref<3200xi32, #tpu.memory_space<vmem>>
    %dma_wait3A_106 = arith.constant 0 : i32
    %dma_wait3A_107 = tpu.memref_slice %arg5[%dma_wait3A_106] : memref<1600000xi32, #tpu.memory_space<hbm>> -> memref<3200xi32, #tpu.memory_space<hbm>>
    tpu.wait_dma2 semaphore(%arg16 : memref<!tpu.dma_semaphore, #tpu.memory_space<semaphore_mem>>) src(%dma_wait3A_107 : memref<3200xi32, #tpu.memory_space<hbm>>) dst(%dma_wait3A_105 : memref<3200xi32, #tpu.memory_space<vmem>>)
    %dma_wait3A_108 = arith.constant 0 : i32
    %dma_wait3A_109 = arith.constant 0 : i32
    %dma_wait3A_110 = arith.constant 0 : i32
    %dma_wait3A_111 = arith.constant 0 : i32
    %dma_wait3A_112 = tpu.memref_slice %arg13[%dma_wait3A_109, %dma_wait3A_110, %dma_wait3A_111] : memref<2x25x128xf32, #tpu.memory_space<vmem>> -> memref<1x25x128xf32, #tpu.memory_space<vmem>>
    %dma_wait3A_113 = tpu.memref_squeeze %dma_wait3A_112 : memref<1x25x128xf32, #tpu.memory_space<vmem>> -> memref<25x128xf32, #tpu.memory_space<vmem>>
    %dma_wait3A_114 = arith.constant 0 : i32
    %dma_wait3A_115 = arith.constant 0 : i32
    %dma_wait3A_116 = tpu.memref_slice %arg3[%dma_wait3A_114, %dma_wait3A_108, %dma_wait3A_115] : memref<12500x8x128xf32, #tpu.memory_space<hbm>> -> memref<25x1x128xf32, #tpu.memory_space<hbm>>
    %dma_wait3A_117 = tpu.memref_squeeze %dma_wait3A_116 : memref<25x1x128xf32, #tpu.memory_space<hbm>> -> memref<25x128xf32, #tpu.memory_space<hbm>>
    %dma_wait3A_118 = arith.constant 0 : i32
    %dma_wait3A_119 = arith.constant 0 : i32
    %dma_wait3A_120 = tpu.memref_slice %arg13[%dma_wait3A_109, %dma_wait3A_118, %dma_wait3A_119] : memref<2x25x128xf32, #tpu.memory_space<vmem>> -> memref<1x25x128xf32, #tpu.memory_space<vmem>>
    %dma_wait3A_121 = tpu.memref_squeeze %dma_wait3A_120 : memref<1x25x128xf32, #tpu.memory_space<vmem>> -> memref<25x128xf32, #tpu.memory_space<vmem>>
    %dma_wait3A_122 = arith.constant 0 : i32
    %dma_wait3A_123 = arith.constant 0 : i32
    %dma_wait3A_124 = tpu.memref_slice %arg3[%dma_wait3A_122, %dma_wait3A_108, %dma_wait3A_123] : memref<12500x8x128xf32, #tpu.memory_space<hbm>> -> memref<25x1x128xf32, #tpu.memory_space<hbm>>
    %dma_wait3A_125 = tpu.memref_squeeze %dma_wait3A_124 : memref<25x1x128xf32, #tpu.memory_space<hbm>> -> memref<25x128xf32, #tpu.memory_space<hbm>>
    tpu.wait_dma2 semaphore(%arg16 : memref<!tpu.dma_semaphore, #tpu.memory_space<semaphore_mem>>) src(%dma_wait3A_125 : memref<25x128xf32, #tpu.memory_space<hbm>>) dst(%dma_wait3A_121 : memref<25x128xf32, #tpu.memory_space<vmem>>)
    %parallel_loop3A_126 = arith.constant 0 : i32
    %parallel_loop3A_127 = arith.constant 25 : i32
    %parallel_loop3A_128 = arith.constant 1 : i32
    scf.for %parallel_loop3A_186 = %parallel_loop3A_126 to %parallel_loop3A_127 step %parallel_loop3A_128  : i32 {
      %parallel_loop3A_187 = arith.constant 128 : i32
      %parallel_loop3A_188 = arith.muli %parallel_loop3A_186, %parallel_loop3A_187 : i32
      %parallel_loop3A_189 = tpu.assume_multiple %parallel_loop3A_188, 128 : i32
      %parallel_loop3A_190 = arith.constant 0 : i32
      %parallel_loop3A_191 = arith.addi %parallel_loop3A_189, %parallel_loop3A_190 : i32
      %parallel_loop3A_192 = arith.constant 0 : i32
      %parallel_loop3A_193 = arith.index_cast %parallel_loop3A_192 : i32 to index
      %parallel_loop3A_194 = arith.index_cast %parallel_loop3A_191 : i32 to index
      %parallel_loop3A_195 = tpu.vector_load %arg11[%parallel_loop3A_193, %parallel_loop3A_194] {strides = array<i32>} : memref<2x3200xi32, #tpu.memory_space<vmem>>, vector<16xi32>,
      %parallel_loop3A_196 = arith.constant 0 : i32
      %parallel_loop3A_197 = arith.index_cast %parallel_loop3A_196 : i32 to index
      %parallel_loop3A_198 = arith.index_cast %parallel_loop3A_191 : i32 to index
      %parallel_loop3A_199 = tpu.vector_load %arg12[%parallel_loop3A_197, %parallel_loop3A_198] {strides = array<i32>} : memref<2x3200xi32, #tpu.memory_space<vmem>>, vector<16xi32>,
      %parallel_loop3A_200 = arith.constant 0 : i32
      %parallel_loop3A_201 = arith.index_cast %parallel_loop3A_200 : i32 to index
      %parallel_loop3A_202 = arith.index_cast %parallel_loop3A_186 : i32 to index
      %parallel_loop3A_203 = arith.constant 0 : index
      %parallel_loop3A_204 = tpu.vector_load %arg13[%parallel_loop3A_201, %parallel_loop3A_202, %parallel_loop3A_203] {strides = array<i32>} : memref<2x25x128xf32, #tpu.memory_space<vmem>>, vector<16xf32>,
      %parallel_loop3A_205 = tpu.vector_load_idx %arg9[%parallel_loop3A_195] : memref<50048xf32, #tpu.memory_space<vmem>>[vector<16xi32>], vector<16xf32>,
      %parallel_loop3A_206 = tpu.vector_load_idx %arg9[%parallel_loop3A_199] : memref<50048xf32, #tpu.memory_space<vmem>>[vector<16xi32>], vector<16xf32>,
      %parallel_loop3A_207 = arith.constant 0.000000e+00 : f32
      %parallel_loop3A_208 = vector.broadcast %parallel_loop3A_207 : f32 to vector<16xf32>
      %parallel_loop3A_209 = arith.cmpf oge, %parallel_loop3A_204, %parallel_loop3A_208 : vector<16xf32>
      %parallel_loop3A_210 = arith.select %parallel_loop3A_209, %parallel_loop3A_205, %parallel_loop3A_206 : vector<16xi1>, vector<16xf32>
      %parallel_loop3A_211 = arith.mulf %parallel_loop3A_204, %parallel_loop3A_210 : vector<16xf32>
      %parallel_loop3A_212 = arith.subf %parallel_loop3A_205, %parallel_loop3A_206 : vector<16xf32>
      %parallel_loop3A_213 = arith.mulf %gather3A, %parallel_loop3A_212 : vector<16xf32>
      %parallel_loop3A_214 = arith.addf %parallel_loop3A_211, %parallel_loop3A_213 : vector<16xf32>
      tpu.vector_store_idx %arg10[%parallel_loop3A_195], %parallel_loop3A_214 {add = true} : memref<50048xf32, #tpu.memory_space<vmem>>[vector<16xi32>], vector<16xf32>,
      %parallel_loop3A_215 = arith.constant 0.000000e+00 : f32
      %parallel_loop3A_216 = vector.broadcast %parallel_loop3A_215 : f32 to vector<16xf32>
      %parallel_loop3A_217 = arith.subf %parallel_loop3A_216, %parallel_loop3A_214 : vector<16xf32>
      tpu.vector_store_idx %arg10[%parallel_loop3A_199], %parallel_loop3A_217 {add = true} : memref<50048xf32, #tpu.memory_space<vmem>>[vector<16xi32>], vector<16xf32>,
      %parallel_loop3A_218 = arith.constant 16 : i32
      %parallel_loop3A_219 = arith.addi %parallel_loop3A_189, %parallel_loop3A_218 : i32
      %parallel_loop3A_220 = arith.constant 0 : i32
      %parallel_loop3A_221 = arith.index_cast %parallel_loop3A_220 : i32 to index
      %parallel_loop3A_222 = arith.index_cast %parallel_loop3A_219 : i32 to index
      %parallel_loop3A_223 = tpu.vector_load %arg11[%parallel_loop3A_221, %parallel_loop3A_222] {strides = array<i32>} : memref<2x3200xi32, #tpu.memory_space<vmem>>, vector<16xi32>,
      %parallel_loop3A_224 = arith.constant 0 : i32
      %parallel_loop3A_225 = arith.index_cast %parallel_loop3A_224 : i32 to index
      %parallel_loop3A_226 = arith.index_cast %parallel_loop3A_219 : i32 to index
      %parallel_loop3A_227 = tpu.vector_load %arg12[%parallel_loop3A_225, %parallel_loop3A_226] {strides = array<i32>} : memref<2x3200xi32, #tpu.memory_space<vmem>>, vector<16xi32>,
      %parallel_loop3A_228 = arith.constant 0 : i32
      %parallel_loop3A_229 = arith.index_cast %parallel_loop3A_228 : i32 to index
      %parallel_loop3A_230 = arith.index_cast %parallel_loop3A_186 : i32 to index
      %parallel_loop3A_231 = arith.constant 16 : index
      %parallel_loop3A_232 = tpu.vector_load %arg13[%parallel_loop3A_229, %parallel_loop3A_230, %parallel_loop3A_231] {strides = array<i32>} : memref<2x25x128xf32, #tpu.memory_space<vmem>>, vector<16xf32>,
      %parallel_loop3A_233 = tpu.vector_load_idx %arg9[%parallel_loop3A_223] : memref<50048xf32, #tpu.memory_space<vmem>>[vector<16xi32>], vector<16xf32>,
      %parallel_loop3A_234 = tpu.vector_load_idx %arg9[%parallel_loop3A_227] : memref<50048xf32, #tpu.memory_space<vmem>>[vector<16xi32>], vector<16xf32>,
      %parallel_loop3A_235 = arith.constant 0.000000e+00 : f32
      %parallel_loop3A_236 = vector.broadcast %parallel_loop3A_235 : f32 to vector<16xf32>
      %parallel_loop3A_237 = arith.cmpf oge, %parallel_loop3A_232, %parallel_loop3A_236 : vector<16xf32>
      %parallel_loop3A_238 = arith.select %parallel_loop3A_237, %parallel_loop3A_233, %parallel_loop3A_234 : vector<16xi1>, vector<16xf32>
      %parallel_loop3A_239 = arith.mulf %parallel_loop3A_232, %parallel_loop3A_238 : vector<16xf32>
      %parallel_loop3A_240 = arith.subf %parallel_loop3A_233, %parallel_loop3A_234 : vector<16xf32>
      %parallel_loop3A_241 = arith.mulf %gather3A, %parallel_loop3A_240 : vector<16xf32>
      %parallel_loop3A_242 = arith.addf %parallel_loop3A_239, %parallel_loop3A_241 : vector<16xf32>
      tpu.vector_store_idx %arg10[%parallel_loop3A_223], %parallel_loop3A_242 {add = true} : memref<50048xf32, #tpu.memory_space<vmem>>[vector<16xi32>], vector<16xf32>,
      %parallel_loop3A_243 = arith.constant 0.000000e+00 : f32
      %parallel_loop3A_244 = vector.broadcast %parallel_loop3A_243 : f32 to vector<16xf32>
      %parallel_loop3A_245 = arith.subf %parallel_loop3A_244, %parallel_loop3A_242 : vector<16xf32>
      tpu.vector_store_idx %arg10[%parallel_loop3A_227], %parallel_loop3A_245 {add = true} : memref<50048xf32, #tpu.memory_space<vmem>>[vector<16xi32>], vector<16xf32>,
      %parallel_loop3A_246 = arith.constant 32 : i32
      %parallel_loop3A_247 = arith.addi %parallel_loop3A_189, %parallel_loop3A_246 : i32
      %parallel_loop3A_248 = arith.constant 0 : i32
      %parallel_loop3A_249 = arith.index_cast %parallel_loop3A_248 : i32 to index
      %parallel_loop3A_250 = arith.index_cast %parallel_loop3A_247 : i32 to index
      %parallel_loop3A_251 = tpu.vector_load %arg11[%parallel_loop3A_249, %parallel_loop3A_250] {strides = array<i32>} : memref<2x3200xi32, #tpu.memory_space<vmem>>, vector<16xi32>,
      %parallel_loop3A_252 = arith.constant 0 : i32
      %parallel_loop3A_253 = arith.index_cast %parallel_loop3A_252 : i32 to index
      %parallel_loop3A_254 = arith.index_cast %parallel_loop3A_247 : i32 to index
      %parallel_loop3A_255 = tpu.vector_load %arg12[%parallel_loop3A_253, %parallel_loop3A_254] {strides = array<i32>} : memref<2x3200xi32, #tpu.memory_space<vmem>>, vector<16xi32>,
      %parallel_loop3A_256 = arith.constant 0 : i32
      %parallel_loop3A_257 = arith.index_cast %parallel_loop3A_256 : i32 to index
      %parallel_loop3A_258 = arith.index_cast %parallel_loop3A_186 : i32 to index
      %parallel_loop3A_259 = arith.constant 32 : index
      %parallel_loop3A_260 = tpu.vector_load %arg13[%parallel_loop3A_257, %parallel_loop3A_258, %parallel_loop3A_259] {strides = array<i32>} : memref<2x25x128xf32, #tpu.memory_space<vmem>>, vector<16xf32>,
      %parallel_loop3A_261 = tpu.vector_load_idx %arg9[%parallel_loop3A_251] : memref<50048xf32, #tpu.memory_space<vmem>>[vector<16xi32>], vector<16xf32>,
      %parallel_loop3A_262 = tpu.vector_load_idx %arg9[%parallel_loop3A_255] : memref<50048xf32, #tpu.memory_space<vmem>>[vector<16xi32>], vector<16xf32>,
      %parallel_loop3A_263 = arith.constant 0.000000e+00 : f32
      %parallel_loop3A_264 = vector.broadcast %parallel_loop3A_263 : f32 to vector<16xf32>
      %parallel_loop3A_265 = arith.cmpf oge, %parallel_loop3A_260, %parallel_loop3A_264 : vector<16xf32>
      %parallel_loop3A_266 = arith.select %parallel_loop3A_265, %parallel_loop3A_261, %parallel_loop3A_262 : vector<16xi1>, vector<16xf32>
      %parallel_loop3A_267 = arith.mulf %parallel_loop3A_260, %parallel_loop3A_266 : vector<16xf32>
      %parallel_loop3A_268 = arith.subf %parallel_loop3A_261, %parallel_loop3A_262 : vector<16xf32>
      %parallel_loop3A_269 = arith.mulf %gather3A, %parallel_loop3A_268 : vector<16xf32>
      %parallel_loop3A_270 = arith.addf %parallel_loop3A_267, %parallel_loop3A_269 : vector<16xf32>
      tpu.vector_store_idx %arg10[%parallel_loop3A_251], %parallel_loop3A_270 {add = true} : memref<50048xf32, #tpu.memory_space<vmem>>[vector<16xi32>], vector<16xf32>,
      %parallel_loop3A_271 = arith.constant 0.000000e+00 : f32
      %parallel_loop3A_272 = vector.broadcast %parallel_loop3A_271 : f32 to vector<16xf32>
      %parallel_loop3A_273 = arith.subf %parallel_loop3A_272, %parallel_loop3A_270 : vector<16xf32>
      tpu.vector_store_idx %arg10[%parallel_loop3A_255], %parallel_loop3A_273 {add = true} : memref<50048xf32, #tpu.memory_space<vmem>>[vector<16xi32>], vector<16xf32>,
      %parallel_loop3A_274 = arith.constant 48 : i32
      %parallel_loop3A_275 = arith.addi %parallel_loop3A_189, %parallel_loop3A_274 : i32
      %parallel_loop3A_276 = arith.constant 0 : i32
      %parallel_loop3A_277 = arith.index_cast %parallel_loop3A_276 : i32 to index
      %parallel_loop3A_278 = arith.index_cast %parallel_loop3A_275 : i32 to index
      %parallel_loop3A_279 = tpu.vector_load %arg11[%parallel_loop3A_277, %parallel_loop3A_278] {strides = array<i32>} : memref<2x3200xi32, #tpu.memory_space<vmem>>, vector<16xi32>,
      %parallel_loop3A_280 = arith.constant 0 : i32
      %parallel_loop3A_281 = arith.index_cast %parallel_loop3A_280 : i32 to index
      %parallel_loop3A_282 = arith.index_cast %parallel_loop3A_275 : i32 to index
      %parallel_loop3A_283 = tpu.vector_load %arg12[%parallel_loop3A_281, %parallel_loop3A_282] {strides = array<i32>} : memref<2x3200xi32, #tpu.memory_space<vmem>>, vector<16xi32>,
      %parallel_loop3A_284 = arith.constant 0 : i32
      %parallel_loop3A_285 = arith.index_cast %parallel_loop3A_284 : i32 to index
      %parallel_loop3A_286 = arith.index_cast %parallel_loop3A_186 : i32 to index
      %parallel_loop3A_287 = arith.constant 48 : index
      %parallel_loop3A_288 = tpu.vector_load %arg13[%parallel_loop3A_285, %parallel_loop3A_286, %parallel_loop3A_287] {strides = array<i32>} : memref<2x25x128xf32, #tpu.memory_space<vmem>>, vector<16xf32>,
      %parallel_loop3A_289 = tpu.vector_load_idx %arg9[%parallel_loop3A_279] : memref<50048xf32, #tpu.memory_space<vmem>>[vector<16xi32>], vector<16xf32>,
      %parallel_loop3A_290 = tpu.vector_load_idx %arg9[%parallel_loop3A_283] : memref<50048xf32, #tpu.memory_space<vmem>>[vector<16xi32>], vector<16xf32>,
      %parallel_loop3A_291 = arith.constant 0.000000e+00 : f32
      %parallel_loop3A_292 = vector.broadcast %parallel_loop3A_291 : f32 to vector<16xf32>
      %parallel_loop3A_293 = arith.cmpf oge, %parallel_loop3A_288, %parallel_loop3A_292 : vector<16xf32>
      %parallel_loop3A_294 = arith.select %parallel_loop3A_293, %parallel_loop3A_289, %parallel_loop3A_290 : vector<16xi1>, vector<16xf32>
      %parallel_loop3A_295 = arith.mulf %parallel_loop3A_288, %parallel_loop3A_294 : vector<16xf32>
      %parallel_loop3A_296 = arith.subf %parallel_loop3A_289, %parallel_loop3A_290 : vector<16xf32>
      %parallel_loop3A_297 = arith.mulf %gather3A, %parallel_loop3A_296 : vector<16xf32>
      %parallel_loop3A_298 = arith.addf %parallel_loop3A_295, %parallel_loop3A_297 : vector<16xf32>
      tpu.vector_store_idx %arg10[%parallel_loop3A_279], %parallel_loop3A_298 {add = true} : memref<50048xf32, #tpu.memory_space<vmem>>[vector<16xi32>], vector<16xf32>,
      %parallel_loop3A_299 = arith.constant 0.000000e+00 : f32
      %parallel_loop3A_300 = vector.broadcast %parallel_loop3A_299 : f32 to vector<16xf32>
      %parallel_loop3A_301 = arith.subf %parallel_loop3A_300, %parallel_loop3A_298 : vector<16xf32>
      tpu.vector_store_idx %arg10[%parallel_loop3A_283], %parallel_loop3A_301 {add = true} : memref<50048xf32, #tpu.memory_space<vmem>>[vector<16xi32>], vector<16xf32>,
      %parallel_loop3A_302 = arith.constant 64 : i32
      %parallel_loop3A_303 = arith.addi %parallel_loop3A_189, %parallel_loop3A_302 : i32
      %parallel_loop3A_304 = arith.constant 0 : i32
      %parallel_loop3A_305 = arith.index_cast %parallel_loop3A_304 : i32 to index
      %parallel_loop3A_306 = arith.index_cast %parallel_loop3A_303 : i32 to index
      %parallel_loop3A_307 = tpu.vector_load %arg11[%parallel_loop3A_305, %parallel_loop3A_306] {strides = array<i32>} : memref<2x3200xi32, #tpu.memory_space<vmem>>, vector<16xi32>,
      %parallel_loop3A_308 = arith.constant 0 : i32
      %parallel_loop3A_309 = arith.index_cast %parallel_loop3A_308 : i32 to index
      %parallel_loop3A_310 = arith.index_cast %parallel_loop3A_303 : i32 to index
      %parallel_loop3A_311 = tpu.vector_load %arg12[%parallel_loop3A_309, %parallel_loop3A_310] {strides = array<i32>} : memref<2x3200xi32, #tpu.memory_space<vmem>>, vector<16xi32>,
      %parallel_loop3A_312 = arith.constant 0 : i32
      %parallel_loop3A_313 = arith.index_cast %parallel_loop3A_312 : i32 to index
      %parallel_loop3A_314 = arith.index_cast %parallel_loop3A_186 : i32 to index
      %parallel_loop3A_315 = arith.constant 64 : index
      %parallel_loop3A_316 = tpu.vector_load %arg13[%parallel_loop3A_313, %parallel_loop3A_314, %parallel_loop3A_315] {strides = array<i32>} : memref<2x25x128xf32, #tpu.memory_space<vmem>>, vector<16xf32>,
      %parallel_loop3A_317 = tpu.vector_load_idx %arg9[%parallel_loop3A_307] : memref<50048xf32, #tpu.memory_space<vmem>>[vector<16xi32>], vector<16xf32>,
      %parallel_loop3A_318 = tpu.vector_load_idx %arg9[%parallel_loop3A_311] : memref<50048xf32, #tpu.memory_space<vmem>>[vector<16xi32>], vector<16xf32>,
      %parallel_loop3A_319 = arith.constant 0.000000e+00 : f32
      %parallel_loop3A_320 = vector.broadcast %parallel_loop3A_319 : f32 to vector<16xf32>
      %parallel_loop3A_321 = arith.cmpf oge, %parallel_loop3A_316, %parallel_loop3A_320 : vector<16xf32>
      %parallel_loop3A_322 = arith.select %parallel_loop3A_321, %parallel_loop3A_317, %parallel_loop3A_318 : vector<16xi1>, vector<16xf32>
      %parallel_loop3A_323 = arith.mulf %parallel_loop3A_316, %parallel_loop3A_322 : vector<16xf32>
      %parallel_loop3A_324 = arith.subf %parallel_loop3A_317, %parallel_loop3A_318 : vector<16xf32>
      %parallel_loop3A_325 = arith.mulf %gather3A, %parallel_loop3A_324 : vector<16xf32>
      %parallel_loop3A_326 = arith.addf %parallel_loop3A_323, %parallel_loop3A_325 : vector<16xf32>
      tpu.vector_store_idx %arg10[%parallel_loop3A_307], %parallel_loop3A_326 {add = true} : memref<50048xf32, #tpu.memory_space<vmem>>[vector<16xi32>], vector<16xf32>,
      %parallel_loop3A_327 = arith.constant 0.000000e+00 : f32
      %parallel_loop3A_328 = vector.broadcast %parallel_loop3A_327 : f32 to vector<16xf32>
      %parallel_loop3A_329 = arith.subf %parallel_loop3A_328, %parallel_loop3A_326 : vector<16xf32>
      tpu.vector_store_idx %arg10[%parallel_loop3A_311], %parallel_loop3A_329 {add = true} : memref<50048xf32, #tpu.memory_space<vmem>>[vector<16xi32>], vector<16xf32>,
      %parallel_loop3A_330 = arith.constant 80 : i32
      %parallel_loop3A_331 = arith.addi %parallel_loop3A_189, %parallel_loop3A_330 : i32
      %parallel_loop3A_332 = arith.constant 0 : i32
      %parallel_loop3A_333 = arith.index_cast %parallel_loop3A_332 : i32 to index
      %parallel_loop3A_334 = arith.index_cast %parallel_loop3A_331 : i32 to index
      %parallel_loop3A_335 = tpu.vector_load %arg11[%parallel_loop3A_333, %parallel_loop3A_334] {strides = array<i32>} : memref<2x3200xi32, #tpu.memory_space<vmem>>, vector<16xi32>,
      %parallel_loop3A_336 = arith.constant 0 : i32
      %parallel_loop3A_337 = arith.index_cast %parallel_loop3A_336 : i32 to index
      %parallel_loop3A_338 = arith.index_cast %parallel_loop3A_331 : i32 to index
      %parallel_loop3A_339 = tpu.vector_load %arg12[%parallel_loop3A_337, %parallel_loop3A_338] {strides = array<i32>} : memref<2x3200xi32, #tpu.memory_space<vmem>>, vector<16xi32>,
      %parallel_loop3A_340 = arith.constant 0 : i32
      %parallel_loop3A_341 = arith.index_cast %parallel_loop3A_340 : i32 to index
      %parallel_loop3A_342 = arith.index_cast %parallel_loop3A_186 : i32 to index
      %parallel_loop3A_343 = arith.constant 80 : index
      %parallel_loop3A_344 = tpu.vector_load %arg13[%parallel_loop3A_341, %parallel_loop3A_342, %parallel_loop3A_343] {strides = array<i32>} : memref<2x25x128xf32, #tpu.memory_space<vmem>>, vector<16xf32>,
      %parallel_loop3A_345 = tpu.vector_load_idx %arg9[%parallel_loop3A_335] : memref<50048xf32, #tpu.memory_space<vmem>>[vector<16xi32>], vector<16xf32>,
      %parallel_loop3A_346 = tpu.vector_load_idx %arg9[%parallel_loop3A_339] : memref<50048xf32, #tpu.memory_space<vmem>>[vector<16xi32>], vector<16xf32>,
      %parallel_loop3A_347 = arith.constant 0.000000e+00 : f32
      %parallel_loop3A_348 = vector.broadcast %parallel_loop3A_347 : f32 to vector<16xf32>
      %parallel_loop3A_349 = arith.cmpf oge, %parallel_loop3A_344, %parallel_loop3A_348 : vector<16xf32>
      %parallel_loop3A_350 = arith.select %parallel_loop3A_349, %parallel_loop3A_345, %parallel_loop3A_346 : vector<16xi1>, vector<16xf32>
      %parallel_loop3A_351 = arith.mulf %parallel_loop3A_344, %parallel_loop3A_350 : vector<16xf32>
      %parallel_loop3A_352 = arith.subf %parallel_loop3A_345, %parallel_loop3A_346 : vector<16xf32>
      %parallel_loop3A_353 = arith.mulf %gather3A, %parallel_loop3A_352 : vector<16xf32>
      %parallel_loop3A_354 = arith.addf %parallel_loop3A_351, %parallel_loop3A_353 : vector<16xf32>
      tpu.vector_store_idx %arg10[%parallel_loop3A_335], %parallel_loop3A_354 {add = true} : memref<50048xf32, #tpu.memory_space<vmem>>[vector<16xi32>], vector<16xf32>,
      %parallel_loop3A_355 = arith.constant 0.000000e+00 : f32
      %parallel_loop3A_356 = vector.broadcast %parallel_loop3A_355 : f32 to vector<16xf32>
      %parallel_loop3A_357 = arith.subf %parallel_loop3A_356, %parallel_loop3A_354 : vector<16xf32>
      tpu.vector_store_idx %arg10[%parallel_loop3A_339], %parallel_loop3A_357 {add = true} : memref<50048xf32, #tpu.memory_space<vmem>>[vector<16xi32>], vector<16xf32>,
      %parallel_loop3A_358 = arith.constant 96 : i32
      %parallel_loop3A_359 = arith.addi %parallel_loop3A_189, %parallel_loop3A_358 : i32
      %parallel_loop3A_360 = arith.constant 0 : i32
      %parallel_loop3A_361 = arith.index_cast %parallel_loop3A_360 : i32 to index
      %parallel_loop3A_362 = arith.index_cast %parallel_loop3A_359 : i32 to index
      %parallel_loop3A_363 = tpu.vector_load %arg11[%parallel_loop3A_361, %parallel_loop3A_362] {strides = array<i32>} : memref<2x3200xi32, #tpu.memory_space<vmem>>, vector<16xi32>,
      %parallel_loop3A_364 = arith.constant 0 : i32
      %parallel_loop3A_365 = arith.index_cast %parallel_loop3A_364 : i32 to index
      %parallel_loop3A_366 = arith.index_cast %parallel_loop3A_359 : i32 to index
      %parallel_loop3A_367 = tpu.vector_load %arg12[%parallel_loop3A_365, %parallel_loop3A_366] {strides = array<i32>} : memref<2x3200xi32, #tpu.memory_space<vmem>>, vector<16xi32>,
      %parallel_loop3A_368 = arith.constant 0 : i32
      %parallel_loop3A_369 = arith.index_cast %parallel_loop3A_368 : i32 to index
      %parallel_loop3A_370 = arith.index_cast %parallel_loop3A_186 : i32 to index
      %parallel_loop3A_371 = arith.constant 96 : index
      %parallel_loop3A_372 = tpu.vector_load %arg13[%parallel_loop3A_369, %parallel_loop3A_370, %parallel_loop3A_371] {strides = array<i32>} : memref<2x25x128xf32, #tpu.memory_space<vmem>>, vector<16xf32>,
      %parallel_loop3A_373 = tpu.vector_load_idx %arg9[%parallel_loop3A_363] : memref<50048xf32, #tpu.memory_space<vmem>>[vector<16xi32>], vector<16xf32>,
      %parallel_loop3A_374 = tpu.vector_load_idx %arg9[%parallel_loop3A_367] : memref<50048xf32, #tpu.memory_space<vmem>>[vector<16xi32>], vector<16xf32>,
      %parallel_loop3A_375 = arith.constant 0.000000e+00 : f32
      %parallel_loop3A_376 = vector.broadcast %parallel_loop3A_375 : f32 to vector<16xf32>
      %parallel_loop3A_377 = arith.cmpf oge, %parallel_loop3A_372, %parallel_loop3A_376 : vector<16xf32>
      %parallel_loop3A_378 = arith.select %parallel_loop3A_377, %parallel_loop3A_373, %parallel_loop3A_374 : vector<16xi1>, vector<16xf32>
      %parallel_loop3A_379 = arith.mulf %parallel_loop3A_372, %parallel_loop3A_378 : vector<16xf32>
      %parallel_loop3A_380 = arith.subf %parallel_loop3A_373, %parallel_loop3A_374 : vector<16xf32>
      %parallel_loop3A_381 = arith.mulf %gather3A, %parallel_loop3A_380 : vector<16xf32>
      %parallel_loop3A_382 = arith.addf %parallel_loop3A_379, %parallel_loop3A_381 : vector<16xf32>
      tpu.vector_store_idx %arg10[%parallel_loop3A_363], %parallel_loop3A_382 {add = true} : memref<50048xf32, #tpu.memory_space<vmem>>[vector<16xi32>], vector<16xf32>,
      %parallel_loop3A_383 = arith.constant 0.000000e+00 : f32
      %parallel_loop3A_384 = vector.broadcast %parallel_loop3A_383 : f32 to vector<16xf32>
      %parallel_loop3A_385 = arith.subf %parallel_loop3A_384, %parallel_loop3A_382 : vector<16xf32>
      tpu.vector_store_idx %arg10[%parallel_loop3A_367], %parallel_loop3A_385 {add = true} : memref<50048xf32, #tpu.memory_space<vmem>>[vector<16xi32>], vector<16xf32>,
      %parallel_loop3A_386 = arith.constant 112 : i32
      %parallel_loop3A_387 = arith.addi %parallel_loop3A_189, %parallel_loop3A_386 : i32
      %parallel_loop3A_388 = arith.constant 0 : i32
      %parallel_loop3A_389 = arith.index_cast %parallel_loop3A_388 : i32 to index
      %parallel_loop3A_390 = arith.index_cast %parallel_loop3A_387 : i32 to index
      %parallel_loop3A_391 = tpu.vector_load %arg11[%parallel_loop3A_389, %parallel_loop3A_390] {strides = array<i32>} : memref<2x3200xi32, #tpu.memory_space<vmem>>, vector<16xi32>,
      %parallel_loop3A_392 = arith.constant 0 : i32
      %parallel_loop3A_393 = arith.index_cast %parallel_loop3A_392 : i32 to index
      %parallel_loop3A_394 = arith.index_cast %parallel_loop3A_387 : i32 to index
      %parallel_loop3A_395 = tpu.vector_load %arg12[%parallel_loop3A_393, %parallel_loop3A_394] {strides = array<i32>} : memref<2x3200xi32, #tpu.memory_space<vmem>>, vector<16xi32>,
      %parallel_loop3A_396 = arith.constant 0 : i32
      %parallel_loop3A_397 = arith.index_cast %parallel_loop3A_396 : i32 to index
      %parallel_loop3A_398 = arith.index_cast %parallel_loop3A_186 : i32 to index
      %parallel_loop3A_399 = arith.constant 112 : index
      %parallel_loop3A_400 = tpu.vector_load %arg13[%parallel_loop3A_397, %parallel_loop3A_398, %parallel_loop3A_399] {strides = array<i32>} : memref<2x25x128xf32, #tpu.memory_space<vmem>>, vector<16xf32>,
      %parallel_loop3A_401 = tpu.vector_load_idx %arg9[%parallel_loop3A_391] : memref<50048xf32, #tpu.memory_space<vmem>>[vector<16xi32>], vector<16xf32>,
      %parallel_loop3A_402 = tpu.vector_load_idx %arg9[%parallel_loop3A_395] : memref<50048xf32, #tpu.memory_space<vmem>>[vector<16xi32>], vector<16xf32>,
      %parallel_loop3A_403 = arith.constant 0.000000e+00 : f32
      %parallel_loop3A_404 = vector.broadcast %parallel_loop3A_403 : f32 to vector<16xf32>
      %parallel_loop3A_405 = arith.cmpf oge, %parallel_loop3A_400, %parallel_loop3A_404 : vector<16xf32>
      %parallel_loop3A_406 = arith.select %parallel_loop3A_405, %parallel_loop3A_401, %parallel_loop3A_402 : vector<16xi1>, vector<16xf32>
      %parallel_loop3A_407 = arith.mulf %parallel_loop3A_400, %parallel_loop3A_406 : vector<16xf32>
      %parallel_loop3A_408 = arith.subf %parallel_loop3A_401, %parallel_loop3A_402 : vector<16xf32>
      %parallel_loop3A_409 = arith.mulf %gather3A, %parallel_loop3A_408 : vector<16xf32>
      %parallel_loop3A_410 = arith.addf %parallel_loop3A_407, %parallel_loop3A_409 : vector<16xf32>
      tpu.vector_store_idx %arg10[%parallel_loop3A_391], %parallel_loop3A_410 {add = true} : memref<50048xf32, #tpu.memory_space<vmem>>[vector<16xi32>], vector<16xf32>,
      %parallel_loop3A_411 = arith.constant 0.000000e+00 : f32
      %parallel_loop3A_412 = vector.broadcast %parallel_loop3A_411 : f32 to vector<16xf32>
      %parallel_loop3A_413 = arith.subf %parallel_loop3A_412, %parallel_loop3A_410 : vector<16xf32>
      tpu.vector_store_idx %arg10[%parallel_loop3A_395], %parallel_loop3A_413 {add = true} : memref<50048xf32, #tpu.memory_space<vmem>>[vector<16xi32>], vector<16xf32>,
    } {sc.loop_unroll_factor = 1 : i64, sc.parallel_access}
    %mul3A_129 = arith.constant 16 : i32
    %mul3A_130 = arith.muli %arg0, %mul3A_129 : i32
    %add3A_131 = arith.addi %mul3A_130, %arg1 : i32
    %mul3A_132 = arith.constant 50048 : i32
    %mul3A_133 = arith.muli %add3A_131, %mul3A_132 : i32
    %multiple_of3A = tpu.assume_multiple %mul3A_133, 8 : i32
    "tpu.region"() ({
      %run_scoped3A = tpu.sem_alloc : memref<!tpu.dma_semaphore, #tpu.memory_space<semaphore_mem>>
      %dma_start3A_186 = tpu.memref_slice %arg8[%multiple_of3A] : memref<1601536xf32, #tpu.memory_space<hbm>> -> memref<50048xf32, #tpu.memory_space<hbm>>
      %dma_start3A_187 = tpu.memref_slice %arg8[%multiple_of3A] : memref<1601536xf32, #tpu.memory_space<hbm>> -> memref<50048xf32, #tpu.memory_space<hbm>>
      tpu.enqueue_dma source(%arg10 : memref<50048xf32, #tpu.memory_space<vmem>>) target(%dma_start3A_187 : memref<50048xf32, #tpu.memory_space<hbm>>) target_semaphore(%run_scoped3A : memref<!tpu.dma_semaphore, #tpu.memory_space<semaphore_mem>>)
      %dma_wait3A_188 = tpu.memref_slice %arg8[%multiple_of3A] : memref<1601536xf32, #tpu.memory_space<hbm>> -> memref<50048xf32, #tpu.memory_space<hbm>>
      %dma_wait3A_189 = tpu.memref_slice %arg8[%multiple_of3A] : memref<1601536xf32, #tpu.memory_space<hbm>> -> memref<50048xf32, #tpu.memory_space<hbm>>
      tpu.wait_dma2 semaphore(%run_scoped3A : memref<!tpu.dma_semaphore, #tpu.memory_space<semaphore_mem>>) src(%arg10 : memref<50048xf32, #tpu.memory_space<vmem>>) dst(%dma_wait3A_189 : memref<50048xf32, #tpu.memory_space<hbm>>)
      tpu.yield
    }) : () -> ()
    %barrier3A = arith.constant 0 : index
    tpu.barrier barrier_id(%barrier3A)
    %mul3A_134 = arith.constant 12512 : i32
    %mul3A_135 = arith.muli %select_n3A_28, %mul3A_134 : i32
    %mul3A_136 = arith.constant 16 : i32
    %mul3A_137 = arith.muli %arg0, %mul3A_136 : i32
    %add3A_138 = arith.addi %mul3A_137, %select_n3A_7 : i32
    %add3A_139 = arith.constant 0 : i32
    %add3A_140 = arith.addi %add3A_138, %add3A_139 : i32
    %ne3A_141 = arith.cmpi ne, %add3A_140, %add3A_131 : i32
    %convert_element_type3A = arith.extui %ne3A_141 : i1 to i32
    %cond3A = arith.constant 0 : i32
    %cond3A_142 = arith.cmpi ne, %convert_element_type3A, %cond3A : i32
    scf.if %cond3A_142 {
      %add3A_186 = arith.constant 0 : i32
      %add3A_187 = arith.addi %mul3A_135, %add3A_186 : i32
      %mul3A_188 = arith.constant 50048 : i32
      %mul3A_189 = arith.muli %add3A_140, %mul3A_188 : i32
      %add3A_190 = arith.addi %mul3A_189, %add3A_187 : i32
      %multiple_of3A_191 = tpu.assume_multiple %add3A_190, 8 : i32
      "tpu.region"() ({
        %run_scoped3A = tpu.sem_alloc : memref<!tpu.dma_semaphore, #tpu.memory_space<semaphore_mem>>
        %dma_start3A_204 = tpu.memref_slice %arg8[%multiple_of3A_191] : memref<1601536xf32, #tpu.memory_space<hbm>> -> memref<6256xf32, #tpu.memory_space<hbm>>
        %dma_start3A_205 = tpu.memref_slice %arg8[%multiple_of3A_191] : memref<1601536xf32, #tpu.memory_space<hbm>> -> memref<6256xf32, #tpu.memory_space<hbm>>
        tpu.enqueue_dma source(%dma_start3A_205 : memref<6256xf32, #tpu.memory_space<hbm>>) target(%arg14 : memref<6256xf32, #tpu.memory_space<vmem>>) target_semaphore(%run_scoped3A : memref<!tpu.dma_semaphore, #tpu.memory_space<semaphore_mem>>)
        %dma_wait3A_206 = tpu.memref_slice %arg8[%multiple_of3A_191] : memref<1601536xf32, #tpu.memory_space<hbm>> -> memref<6256xf32, #tpu.memory_space<hbm>>
        %dma_wait3A_207 = tpu.memref_slice %arg8[%multiple_of3A_191] : memref<1601536xf32, #tpu.memory_space<hbm>> -> memref<6256xf32, #tpu.memory_space<hbm>>
        tpu.wait_dma2 semaphore(%run_scoped3A : memref<!tpu.dma_semaphore, #tpu.memory_space<semaphore_mem>>) src(%dma_wait3A_207 : memref<6256xf32, #tpu.memory_space<hbm>>) dst(%arg14 : memref<6256xf32, #tpu.memory_space<vmem>>)
        tpu.yield
      }) : () -> ()
      %parallel_loop3A_192 = arith.constant 0 : i32
      %parallel_loop3A_193 = arith.constant 391 : i32
      %parallel_loop3A_194 = arith.constant 1 : i32
      scf.for %parallel_loop3A_204 = %parallel_loop3A_192 to %parallel_loop3A_193 step %parallel_loop3A_194  : i32 {
        %parallel_loop3A_205 = arith.constant 16 : i32
        %parallel_loop3A_206 = arith.muli %parallel_loop3A_204, %parallel_loop3A_205 : i32
        %parallel_loop3A_207 = tpu.assume_multiple %parallel_loop3A_206, 16 : i32
        %parallel_loop3A_208 = arith.addi %add3A_187, %parallel_loop3A_207 : i32
        %parallel_loop3A_209 = arith.index_cast %parallel_loop3A_208 : i32 to index
        %parallel_loop3A_210 = tpu.vector_load %arg10[%parallel_loop3A_209] {strides = array<i32>} : memref<50048xf32, #tpu.memory_space<vmem>>, vector<16xf32>,
        %parallel_loop3A_211 = arith.index_cast %parallel_loop3A_207 : i32 to index
        %parallel_loop3A_212 = tpu.vector_load %arg14[%parallel_loop3A_211] {strides = array<i32>} : memref<6256xf32, #tpu.memory_space<vmem>>, vector<16xf32>,
        %parallel_loop3A_213 = arith.addf %parallel_loop3A_210, %parallel_loop3A_212 : vector<16xf32>
        %parallel_loop3A_214 = arith.addi %add3A_187, %parallel_loop3A_207 : i32
        %parallel_loop3A_215 = arith.index_cast %parallel_loop3A_214 : i32 to index
        %parallel_loop3A_216 = tpu.vector_load %arg10[%parallel_loop3A_215] {strides = array<i32>} : memref<50048xf32, #tpu.memory_space<vmem>>, vector<16xf32>,
        tpu.vector_store %arg10[%parallel_loop3A_215], %parallel_loop3A_213 {strides = array<i32>} : memref<50048xf32, #tpu.memory_space<vmem>>, vector<16xf32>,
      } {sc.loop_unroll_factor = 1 : i64, sc.parallel_access}
      %add3A_195 = arith.constant 6256 : i32
      %add3A_196 = arith.addi %mul3A_135, %add3A_195 : i32
      %mul3A_197 = arith.constant 50048 : i32
      %mul3A_198 = arith.muli %add3A_140, %mul3A_197 : i32
      %add3A_199 = arith.addi %mul3A_198, %add3A_196 : i32
      %multiple_of3A_200 = tpu.assume_multiple %add3A_199, 8 : i32
      "tpu.region"() ({
        %run_scoped3A = tpu.sem_alloc : memref<!tpu.dma_semaphore, #tpu.memory_space<semaphore_mem>>
        %dma_start3A_204 = tpu.memref_slice %arg8[%multiple_of3A_200] : memref<1601536xf32, #tpu.memory_space<hbm>> -> memref<6256xf32, #tpu.memory_space<hbm>>
        %dma_start3A_205 = tpu.memref_slice %arg8[%multiple_of3A_200] : memref<1601536xf32, #tpu.memory_space<hbm>> -> memref<6256xf32, #tpu.memory_space<hbm>>
        tpu.enqueue_dma source(%dma_start3A_205 : memref<6256xf32, #tpu.memory_space<hbm>>) target(%arg14 : memref<6256xf32, #tpu.memory_space<vmem>>) target_semaphore(%run_scoped3A : memref<!tpu.dma_semaphore, #tpu.memory_space<semaphore_mem>>)
        %dma_wait3A_206 = tpu.memref_slice %arg8[%multiple_of3A_200] : memref<1601536xf32, #tpu.memory_space<hbm>> -> memref<6256xf32, #tpu.memory_space<hbm>>
        %dma_wait3A_207 = tpu.memref_slice %arg8[%multiple_of3A_200] : memref<1601536xf32, #tpu.memory_space<hbm>> -> memref<6256xf32, #tpu.memory_space<hbm>>
        tpu.wait_dma2 semaphore(%run_scoped3A : memref<!tpu.dma_semaphore, #tpu.memory_space<semaphore_mem>>) src(%dma_wait3A_207 : memref<6256xf32, #tpu.memory_space<hbm>>) dst(%arg14 : memref<6256xf32, #tpu.memory_space<vmem>>)
        tpu.yield
      }) : () -> ()
      %parallel_loop3A_201 = arith.constant 0 : i32
      %parallel_loop3A_202 = arith.constant 391 : i32
      %parallel_loop3A_203 = arith.constant 1 : i32
      scf.for %parallel_loop3A_204 = %parallel_loop3A_201 to %parallel_loop3A_202 step %parallel_loop3A_203  : i32 {
        %parallel_loop3A_205 = arith.constant 16 : i32
        %parallel_loop3A_206 = arith.muli %parallel_loop3A_204, %parallel_loop3A_205 : i32
        %parallel_loop3A_207 = tpu.assume_multiple %parallel_loop3A_206, 16 : i32
        %parallel_loop3A_208 = arith.addi %add3A_196, %parallel_loop3A_207 : i32
        %parallel_loop3A_209 = arith.index_cast %parallel_loop3A_208 : i32 to index
        %parallel_loop3A_210 = tpu.vector_load %arg10[%parallel_loop3A_209] {strides = array<i32>} : memref<50048xf32, #tpu.memory_space<vmem>>, vector<16xf32>,
        %parallel_loop3A_211 = arith.index_cast %parallel_loop3A_207 : i32 to index
        %parallel_loop3A_212 = tpu.vector_load %arg14[%parallel_loop3A_211] {strides = array<i32>} : memref<6256xf32, #tpu.memory_space<vmem>>, vector<16xf32>,
        %parallel_loop3A_213 = arith.addf %parallel_loop3A_210, %parallel_loop3A_212 : vector<16xf32>
        %parallel_loop3A_214 = arith.addi %add3A_196, %parallel_loop3A_207 : i32
        %parallel_loop3A_215 = arith.index_cast %parallel_loop3A_214 : i32 to index
        %parallel_loop3A_216 = tpu.vector_load %arg10[%parallel_loop3A_215] {strides = array<i32>} : memref<50048xf32, #tpu.memory_space<vmem>>, vector<16xf32>,
        tpu.vector_store %arg10[%parallel_loop3A_215], %parallel_loop3A_213 {strides = array<i32>} : memref<50048xf32, #tpu.memory_space<vmem>>, vector<16xf32>,
      } {sc.loop_unroll_factor = 1 : i64, sc.parallel_access}
    } else {
    }
    %mul3A_143 = arith.constant 16 : i32
    %mul3A_144 = arith.muli %arg0, %mul3A_143 : i32
    %add3A_145 = arith.addi %mul3A_144, %select_n3A_7 : i32
    %add3A_146 = arith.constant 4 : i32
    %add3A_147 = arith.addi %add3A_145, %add3A_146 : i32
    %ne3A_148 = arith.cmpi ne, %add3A_147, %add3A_131 : i32
    %convert_element_type3A_149 = arith.extui %ne3A_148 : i1 to i32
    %cond3A_150 = arith.constant 0 : i32
    %cond3A_151 = arith.cmpi ne, %convert_element_type3A_149, %cond3A_150 : i32
    scf.if %cond3A_151 {
      %add3A_186 = arith.constant 0 : i32
      %add3A_187 = arith.addi %mul3A_135, %add3A_186 : i32
      %mul3A_188 = arith.constant 50048 : i32
      %mul3A_189 = arith.muli %add3A_147, %mul3A_188 : i32
      %add3A_190 = arith.addi %mul3A_189, %add3A_187 : i32
      %multiple_of3A_191 = tpu.assume_multiple %add3A_190, 8 : i32
      "tpu.region"() ({
        %run_scoped3A = tpu.sem_alloc : memref<!tpu.dma_semaphore, #tpu.memory_space<semaphore_mem>>
        %dma_start3A_204 = tpu.memref_slice %arg8[%multiple_of3A_191] : memref<1601536xf32, #tpu.memory_space<hbm>> -> memref<6256xf32, #tpu.memory_space<hbm>>
        %dma_start3A_205 = tpu.memref_slice %arg8[%multiple_of3A_191] : memref<1601536xf32, #tpu.memory_space<hbm>> -> memref<6256xf32, #tpu.memory_space<hbm>>
        tpu.enqueue_dma source(%dma_start3A_205 : memref<6256xf32, #tpu.memory_space<hbm>>) target(%arg14 : memref<6256xf32, #tpu.memory_space<vmem>>) target_semaphore(%run_scoped3A : memref<!tpu.dma_semaphore, #tpu.memory_space<semaphore_mem>>)
        %dma_wait3A_206 = tpu.memref_slice %arg8[%multiple_of3A_191] : memref<1601536xf32, #tpu.memory_space<hbm>> -> memref<6256xf32, #tpu.memory_space<hbm>>
        %dma_wait3A_207 = tpu.memref_slice %arg8[%multiple_of3A_191] : memref<1601536xf32, #tpu.memory_space<hbm>> -> memref<6256xf32, #tpu.memory_space<hbm>>
        tpu.wait_dma2 semaphore(%run_scoped3A : memref<!tpu.dma_semaphore, #tpu.memory_space<semaphore_mem>>) src(%dma_wait3A_207 : memref<6256xf32, #tpu.memory_space<hbm>>) dst(%arg14 : memref<6256xf32, #tpu.memory_space<vmem>>)
        tpu.yield
      }) : () -> ()
      %parallel_loop3A_192 = arith.constant 0 : i32
      %parallel_loop3A_193 = arith.constant 391 : i32
      %parallel_loop3A_194 = arith.constant 1 : i32
      scf.for %parallel_loop3A_204 = %parallel_loop3A_192 to %parallel_loop3A_193 step %parallel_loop3A_194  : i32 {
        %parallel_loop3A_205 = arith.constant 16 : i32
        %parallel_loop3A_206 = arith.muli %parallel_loop3A_204, %parallel_loop3A_205 : i32
        %parallel_loop3A_207 = tpu.assume_multiple %parallel_loop3A_206, 16 : i32
        %parallel_loop3A_208 = arith.addi %add3A_187, %parallel_loop3A_207 : i32
        %parallel_loop3A_209 = arith.index_cast %parallel_loop3A_208 : i32 to index
        %parallel_loop3A_210 = tpu.vector_load %arg10[%parallel_loop3A_209] {strides = array<i32>} : memref<50048xf32, #tpu.memory_space<vmem>>, vector<16xf32>,
        %parallel_loop3A_211 = arith.index_cast %parallel_loop3A_207 : i32 to index
        %parallel_loop3A_212 = tpu.vector_load %arg14[%parallel_loop3A_211] {strides = array<i32>} : memref<6256xf32, #tpu.memory_space<vmem>>, vector<16xf32>,
        %parallel_loop3A_213 = arith.addf %parallel_loop3A_210, %parallel_loop3A_212 : vector<16xf32>
        %parallel_loop3A_214 = arith.addi %add3A_187, %parallel_loop3A_207 : i32
        %parallel_loop3A_215 = arith.index_cast %parallel_loop3A_214 : i32 to index
        %parallel_loop3A_216 = tpu.vector_load %arg10[%parallel_loop3A_215] {strides = array<i32>} : memref<50048xf32, #tpu.memory_space<vmem>>, vector<16xf32>,
        tpu.vector_store %arg10[%parallel_loop3A_215], %parallel_loop3A_213 {strides = array<i32>} : memref<50048xf32, #tpu.memory_space<vmem>>, vector<16xf32>,
      } {sc.loop_unroll_factor = 1 : i64, sc.parallel_access}
      %add3A_195 = arith.constant 6256 : i32
      %add3A_196 = arith.addi %mul3A_135, %add3A_195 : i32
      %mul3A_197 = arith.constant 50048 : i32
      %mul3A_198 = arith.muli %add3A_147, %mul3A_197 : i32
      %add3A_199 = arith.addi %mul3A_198, %add3A_196 : i32
      %multiple_of3A_200 = tpu.assume_multiple %add3A_199, 8 : i32
      "tpu.region"() ({
        %run_scoped3A = tpu.sem_alloc : memref<!tpu.dma_semaphore, #tpu.memory_space<semaphore_mem>>
        %dma_start3A_204 = tpu.memref_slice %arg8[%multiple_of3A_200] : memref<1601536xf32, #tpu.memory_space<hbm>> -> memref<6256xf32, #tpu.memory_space<hbm>>
        %dma_start3A_205 = tpu.memref_slice %arg8[%multiple_of3A_200] : memref<1601536xf32, #tpu.memory_space<hbm>> -> memref<6256xf32, #tpu.memory_space<hbm>>
        tpu.enqueue_dma source(%dma_start3A_205 : memref<6256xf32, #tpu.memory_space<hbm>>) target(%arg14 : memref<6256xf32, #tpu.memory_space<vmem>>) target_semaphore(%run_scoped3A : memref<!tpu.dma_semaphore, #tpu.memory_space<semaphore_mem>>)
        %dma_wait3A_206 = tpu.memref_slice %arg8[%multiple_of3A_200] : memref<1601536xf32, #tpu.memory_space<hbm>> -> memref<6256xf32, #tpu.memory_space<hbm>>
        %dma_wait3A_207 = tpu.memref_slice %arg8[%multiple_of3A_200] : memref<1601536xf32, #tpu.memory_space<hbm>> -> memref<6256xf32, #tpu.memory_space<hbm>>
        tpu.wait_dma2 semaphore(%run_scoped3A : memref<!tpu.dma_semaphore, #tpu.memory_space<semaphore_mem>>) src(%dma_wait3A_207 : memref<6256xf32, #tpu.memory_space<hbm>>) dst(%arg14 : memref<6256xf32, #tpu.memory_space<vmem>>)
        tpu.yield
      }) : () -> ()
      %parallel_loop3A_201 = arith.constant 0 : i32
      %parallel_loop3A_202 = arith.constant 391 : i32
      %parallel_loop3A_203 = arith.constant 1 : i32
      scf.for %parallel_loop3A_204 = %parallel_loop3A_201 to %parallel_loop3A_202 step %parallel_loop3A_203  : i32 {
        %parallel_loop3A_205 = arith.constant 16 : i32
        %parallel_loop3A_206 = arith.muli %parallel_loop3A_204, %parallel_loop3A_205 : i32
        %parallel_loop3A_207 = tpu.assume_multiple %parallel_loop3A_206, 16 : i32
        %parallel_loop3A_208 = arith.addi %add3A_196, %parallel_loop3A_207 : i32
        %parallel_loop3A_209 = arith.index_cast %parallel_loop3A_208 : i32 to index
        %parallel_loop3A_210 = tpu.vector_load %arg10[%parallel_loop3A_209] {strides = array<i32>} : memref<50048xf32, #tpu.memory_space<vmem>>, vector<16xf32>,
        %parallel_loop3A_211 = arith.index_cast %parallel_loop3A_207 : i32 to index
        %parallel_loop3A_212 = tpu.vector_load %arg14[%parallel_loop3A_211] {strides = array<i32>} : memref<6256xf32, #tpu.memory_space<vmem>>, vector<16xf32>,
        %parallel_loop3A_213 = arith.addf %parallel_loop3A_210, %parallel_loop3A_212 : vector<16xf32>
        %parallel_loop3A_214 = arith.addi %add3A_196, %parallel_loop3A_207 : i32
        %parallel_loop3A_215 = arith.index_cast %parallel_loop3A_214 : i32 to index
        %parallel_loop3A_216 = tpu.vector_load %arg10[%parallel_loop3A_215] {strides = array<i32>} : memref<50048xf32, #tpu.memory_space<vmem>>, vector<16xf32>,
        tpu.vector_store %arg10[%parallel_loop3A_215], %parallel_loop3A_213 {strides = array<i32>} : memref<50048xf32, #tpu.memory_space<vmem>>, vector<16xf32>,
      } {sc.loop_unroll_factor = 1 : i64, sc.parallel_access}
    } else {
    }
    %mul3A_152 = arith.constant 16 : i32
    %mul3A_153 = arith.muli %arg0, %mul3A_152 : i32
    %add3A_154 = arith.addi %mul3A_153, %select_n3A_7 : i32
    %add3A_155 = arith.constant 8 : i32
    %add3A_156 = arith.addi %add3A_154, %add3A_155 : i32
    %ne3A_157 = arith.cmpi ne, %add3A_156, %add3A_131 : i32
    %convert_element_type3A_158 = arith.extui %ne3A_157 : i1 to i32
    %cond3A_159 = arith.constant 0 : i32
    %cond3A_160 = arith.cmpi ne, %convert_element_type3A_158, %cond3A_159 : i32
    scf.if %cond3A_160 {
      %add3A_186 = arith.constant 0 : i32
      %add3A_187 = arith.addi %mul3A_135, %add3A_186 : i32
      %mul3A_188 = arith.constant 50048 : i32
      %mul3A_189 = arith.muli %add3A_156, %mul3A_188 : i32
      %add3A_190 = arith.addi %mul3A_189, %add3A_187 : i32
      %multiple_of3A_191 = tpu.assume_multiple %add3A_190, 8 : i32
      "tpu.region"() ({
        %run_scoped3A = tpu.sem_alloc : memref<!tpu.dma_semaphore, #tpu.memory_space<semaphore_mem>>
        %dma_start3A_204 = tpu.memref_slice %arg8[%multiple_of3A_191] : memref<1601536xf32, #tpu.memory_space<hbm>> -> memref<6256xf32, #tpu.memory_space<hbm>>
        %dma_start3A_205 = tpu.memref_slice %arg8[%multiple_of3A_191] : memref<1601536xf32, #tpu.memory_space<hbm>> -> memref<6256xf32, #tpu.memory_space<hbm>>
        tpu.enqueue_dma source(%dma_start3A_205 : memref<6256xf32, #tpu.memory_space<hbm>>) target(%arg14 : memref<6256xf32, #tpu.memory_space<vmem>>) target_semaphore(%run_scoped3A : memref<!tpu.dma_semaphore, #tpu.memory_space<semaphore_mem>>)
        %dma_wait3A_206 = tpu.memref_slice %arg8[%multiple_of3A_191] : memref<1601536xf32, #tpu.memory_space<hbm>> -> memref<6256xf32, #tpu.memory_space<hbm>>
        %dma_wait3A_207 = tpu.memref_slice %arg8[%multiple_of3A_191] : memref<1601536xf32, #tpu.memory_space<hbm>> -> memref<6256xf32, #tpu.memory_space<hbm>>
        tpu.wait_dma2 semaphore(%run_scoped3A : memref<!tpu.dma_semaphore, #tpu.memory_space<semaphore_mem>>) src(%dma_wait3A_207 : memref<6256xf32, #tpu.memory_space<hbm>>) dst(%arg14 : memref<6256xf32, #tpu.memory_space<vmem>>)
        tpu.yield
      }) : () -> ()
      %parallel_loop3A_192 = arith.constant 0 : i32
      %parallel_loop3A_193 = arith.constant 391 : i32
      %parallel_loop3A_194 = arith.constant 1 : i32
      scf.for %parallel_loop3A_204 = %parallel_loop3A_192 to %parallel_loop3A_193 step %parallel_loop3A_194  : i32 {
        %parallel_loop3A_205 = arith.constant 16 : i32
        %parallel_loop3A_206 = arith.muli %parallel_loop3A_204, %parallel_loop3A_205 : i32
        %parallel_loop3A_207 = tpu.assume_multiple %parallel_loop3A_206, 16 : i32
        %parallel_loop3A_208 = arith.addi %add3A_187, %parallel_loop3A_207 : i32
        %parallel_loop3A_209 = arith.index_cast %parallel_loop3A_208 : i32 to index
        %parallel_loop3A_210 = tpu.vector_load %arg10[%parallel_loop3A_209] {strides = array<i32>} : memref<50048xf32, #tpu.memory_space<vmem>>, vector<16xf32>,
        %parallel_loop3A_211 = arith.index_cast %parallel_loop3A_207 : i32 to index
        %parallel_loop3A_212 = tpu.vector_load %arg14[%parallel_loop3A_211] {strides = array<i32>} : memref<6256xf32, #tpu.memory_space<vmem>>, vector<16xf32>,
        %parallel_loop3A_213 = arith.addf %parallel_loop3A_210, %parallel_loop3A_212 : vector<16xf32>
        %parallel_loop3A_214 = arith.addi %add3A_187, %parallel_loop3A_207 : i32
        %parallel_loop3A_215 = arith.index_cast %parallel_loop3A_214 : i32 to index
        %parallel_loop3A_216 = tpu.vector_load %arg10[%parallel_loop3A_215] {strides = array<i32>} : memref<50048xf32, #tpu.memory_space<vmem>>, vector<16xf32>,
        tpu.vector_store %arg10[%parallel_loop3A_215], %parallel_loop3A_213 {strides = array<i32>} : memref<50048xf32, #tpu.memory_space<vmem>>, vector<16xf32>,
      } {sc.loop_unroll_factor = 1 : i64, sc.parallel_access}
      %add3A_195 = arith.constant 6256 : i32
      %add3A_196 = arith.addi %mul3A_135, %add3A_195 : i32
      %mul3A_197 = arith.constant 50048 : i32
      %mul3A_198 = arith.muli %add3A_156, %mul3A_197 : i32
      %add3A_199 = arith.addi %mul3A_198, %add3A_196 : i32
      %multiple_of3A_200 = tpu.assume_multiple %add3A_199, 8 : i32
      "tpu.region"() ({
        %run_scoped3A = tpu.sem_alloc : memref<!tpu.dma_semaphore, #tpu.memory_space<semaphore_mem>>
        %dma_start3A_204 = tpu.memref_slice %arg8[%multiple_of3A_200] : memref<1601536xf32, #tpu.memory_space<hbm>> -> memref<6256xf32, #tpu.memory_space<hbm>>
        %dma_start3A_205 = tpu.memref_slice %arg8[%multiple_of3A_200] : memref<1601536xf32, #tpu.memory_space<hbm>> -> memref<6256xf32, #tpu.memory_space<hbm>>
        tpu.enqueue_dma source(%dma_start3A_205 : memref<6256xf32, #tpu.memory_space<hbm>>) target(%arg14 : memref<6256xf32, #tpu.memory_space<vmem>>) target_semaphore(%run_scoped3A : memref<!tpu.dma_semaphore, #tpu.memory_space<semaphore_mem>>)
        %dma_wait3A_206 = tpu.memref_slice %arg8[%multiple_of3A_200] : memref<1601536xf32, #tpu.memory_space<hbm>> -> memref<6256xf32, #tpu.memory_space<hbm>>
        %dma_wait3A_207 = tpu.memref_slice %arg8[%multiple_of3A_200] : memref<1601536xf32, #tpu.memory_space<hbm>> -> memref<6256xf32, #tpu.memory_space<hbm>>
        tpu.wait_dma2 semaphore(%run_scoped3A : memref<!tpu.dma_semaphore, #tpu.memory_space<semaphore_mem>>) src(%dma_wait3A_207 : memref<6256xf32, #tpu.memory_space<hbm>>) dst(%arg14 : memref<6256xf32, #tpu.memory_space<vmem>>)
        tpu.yield
      }) : () -> ()
      %parallel_loop3A_201 = arith.constant 0 : i32
      %parallel_loop3A_202 = arith.constant 391 : i32
      %parallel_loop3A_203 = arith.constant 1 : i32
      scf.for %parallel_loop3A_204 = %parallel_loop3A_201 to %parallel_loop3A_202 step %parallel_loop3A_203  : i32 {
        %parallel_loop3A_205 = arith.constant 16 : i32
        %parallel_loop3A_206 = arith.muli %parallel_loop3A_204, %parallel_loop3A_205 : i32
        %parallel_loop3A_207 = tpu.assume_multiple %parallel_loop3A_206, 16 : i32
        %parallel_loop3A_208 = arith.addi %add3A_196, %parallel_loop3A_207 : i32
        %parallel_loop3A_209 = arith.index_cast %parallel_loop3A_208 : i32 to index
        %parallel_loop3A_210 = tpu.vector_load %arg10[%parallel_loop3A_209] {strides = array<i32>} : memref<50048xf32, #tpu.memory_space<vmem>>, vector<16xf32>,
        %parallel_loop3A_211 = arith.index_cast %parallel_loop3A_207 : i32 to index
        %parallel_loop3A_212 = tpu.vector_load %arg14[%parallel_loop3A_211] {strides = array<i32>} : memref<6256xf32, #tpu.memory_space<vmem>>, vector<16xf32>,
        %parallel_loop3A_213 = arith.addf %parallel_loop3A_210, %parallel_loop3A_212 : vector<16xf32>
        %parallel_loop3A_214 = arith.addi %add3A_196, %parallel_loop3A_207 : i32
        %parallel_loop3A_215 = arith.index_cast %parallel_loop3A_214 : i32 to index
        %parallel_loop3A_216 = tpu.vector_load %arg10[%parallel_loop3A_215] {strides = array<i32>} : memref<50048xf32, #tpu.memory_space<vmem>>, vector<16xf32>,
        tpu.vector_store %arg10[%parallel_loop3A_215], %parallel_loop3A_213 {strides = array<i32>} : memref<50048xf32, #tpu.memory_space<vmem>>, vector<16xf32>,
      } {sc.loop_unroll_factor = 1 : i64, sc.parallel_access}
    } else {
    }
    %mul3A_161 = arith.constant 16 : i32
    %mul3A_162 = arith.muli %arg0, %mul3A_161 : i32
    %add3A_163 = arith.addi %mul3A_162, %select_n3A_7 : i32
    %add3A_164 = arith.constant 12 : i32
    %add3A_165 = arith.addi %add3A_163, %add3A_164 : i32
    %ne3A_166 = arith.cmpi ne, %add3A_165, %add3A_131 : i32
    %convert_element_type3A_167 = arith.extui %ne3A_166 : i1 to i32
    %cond3A_168 = arith.constant 0 : i32
    %cond3A_169 = arith.cmpi ne, %convert_element_type3A_167, %cond3A_168 : i32
    scf.if %cond3A_169 {
      %add3A_186 = arith.constant 0 : i32
      %add3A_187 = arith.addi %mul3A_135, %add3A_186 : i32
      %mul3A_188 = arith.constant 50048 : i32
      %mul3A_189 = arith.muli %add3A_165, %mul3A_188 : i32
      %add3A_190 = arith.addi %mul3A_189, %add3A_187 : i32
      %multiple_of3A_191 = tpu.assume_multiple %add3A_190, 8 : i32
      "tpu.region"() ({
        %run_scoped3A = tpu.sem_alloc : memref<!tpu.dma_semaphore, #tpu.memory_space<semaphore_mem>>
        %dma_start3A_204 = tpu.memref_slice %arg8[%multiple_of3A_191] : memref<1601536xf32, #tpu.memory_space<hbm>> -> memref<6256xf32, #tpu.memory_space<hbm>>
        %dma_start3A_205 = tpu.memref_slice %arg8[%multiple_of3A_191] : memref<1601536xf32, #tpu.memory_space<hbm>> -> memref<6256xf32, #tpu.memory_space<hbm>>
        tpu.enqueue_dma source(%dma_start3A_205 : memref<6256xf32, #tpu.memory_space<hbm>>) target(%arg14 : memref<6256xf32, #tpu.memory_space<vmem>>) target_semaphore(%run_scoped3A : memref<!tpu.dma_semaphore, #tpu.memory_space<semaphore_mem>>)
        %dma_wait3A_206 = tpu.memref_slice %arg8[%multiple_of3A_191] : memref<1601536xf32, #tpu.memory_space<hbm>> -> memref<6256xf32, #tpu.memory_space<hbm>>
        %dma_wait3A_207 = tpu.memref_slice %arg8[%multiple_of3A_191] : memref<1601536xf32, #tpu.memory_space<hbm>> -> memref<6256xf32, #tpu.memory_space<hbm>>
        tpu.wait_dma2 semaphore(%run_scoped3A : memref<!tpu.dma_semaphore, #tpu.memory_space<semaphore_mem>>) src(%dma_wait3A_207 : memref<6256xf32, #tpu.memory_space<hbm>>) dst(%arg14 : memref<6256xf32, #tpu.memory_space<vmem>>)
        tpu.yield
      }) : () -> ()
      %parallel_loop3A_192 = arith.constant 0 : i32
      %parallel_loop3A_193 = arith.constant 391 : i32
      %parallel_loop3A_194 = arith.constant 1 : i32
      scf.for %parallel_loop3A_204 = %parallel_loop3A_192 to %parallel_loop3A_193 step %parallel_loop3A_194  : i32 {
        %parallel_loop3A_205 = arith.constant 16 : i32
        %parallel_loop3A_206 = arith.muli %parallel_loop3A_204, %parallel_loop3A_205 : i32
        %parallel_loop3A_207 = tpu.assume_multiple %parallel_loop3A_206, 16 : i32
        %parallel_loop3A_208 = arith.addi %add3A_187, %parallel_loop3A_207 : i32
        %parallel_loop3A_209 = arith.index_cast %parallel_loop3A_208 : i32 to index
        %parallel_loop3A_210 = tpu.vector_load %arg10[%parallel_loop3A_209] {strides = array<i32>} : memref<50048xf32, #tpu.memory_space<vmem>>, vector<16xf32>,
        %parallel_loop3A_211 = arith.index_cast %parallel_loop3A_207 : i32 to index
        %parallel_loop3A_212 = tpu.vector_load %arg14[%parallel_loop3A_211] {strides = array<i32>} : memref<6256xf32, #tpu.memory_space<vmem>>, vector<16xf32>,
        %parallel_loop3A_213 = arith.addf %parallel_loop3A_210, %parallel_loop3A_212 : vector<16xf32>
        %parallel_loop3A_214 = arith.addi %add3A_187, %parallel_loop3A_207 : i32
        %parallel_loop3A_215 = arith.index_cast %parallel_loop3A_214 : i32 to index
        %parallel_loop3A_216 = tpu.vector_load %arg10[%parallel_loop3A_215] {strides = array<i32>} : memref<50048xf32, #tpu.memory_space<vmem>>, vector<16xf32>,
        tpu.vector_store %arg10[%parallel_loop3A_215], %parallel_loop3A_213 {strides = array<i32>} : memref<50048xf32, #tpu.memory_space<vmem>>, vector<16xf32>,
      } {sc.loop_unroll_factor = 1 : i64, sc.parallel_access}
      %add3A_195 = arith.constant 6256 : i32
      %add3A_196 = arith.addi %mul3A_135, %add3A_195 : i32
      %mul3A_197 = arith.constant 50048 : i32
      %mul3A_198 = arith.muli %add3A_165, %mul3A_197 : i32
      %add3A_199 = arith.addi %mul3A_198, %add3A_196 : i32
      %multiple_of3A_200 = tpu.assume_multiple %add3A_199, 8 : i32
      "tpu.region"() ({
        %run_scoped3A = tpu.sem_alloc : memref<!tpu.dma_semaphore, #tpu.memory_space<semaphore_mem>>
        %dma_start3A_204 = tpu.memref_slice %arg8[%multiple_of3A_200] : memref<1601536xf32, #tpu.memory_space<hbm>> -> memref<6256xf32, #tpu.memory_space<hbm>>
        %dma_start3A_205 = tpu.memref_slice %arg8[%multiple_of3A_200] : memref<1601536xf32, #tpu.memory_space<hbm>> -> memref<6256xf32, #tpu.memory_space<hbm>>
        tpu.enqueue_dma source(%dma_start3A_205 : memref<6256xf32, #tpu.memory_space<hbm>>) target(%arg14 : memref<6256xf32, #tpu.memory_space<vmem>>) target_semaphore(%run_scoped3A : memref<!tpu.dma_semaphore, #tpu.memory_space<semaphore_mem>>)
        %dma_wait3A_206 = tpu.memref_slice %arg8[%multiple_of3A_200] : memref<1601536xf32, #tpu.memory_space<hbm>> -> memref<6256xf32, #tpu.memory_space<hbm>>
        %dma_wait3A_207 = tpu.memref_slice %arg8[%multiple_of3A_200] : memref<1601536xf32, #tpu.memory_space<hbm>> -> memref<6256xf32, #tpu.memory_space<hbm>>
        tpu.wait_dma2 semaphore(%run_scoped3A : memref<!tpu.dma_semaphore, #tpu.memory_space<semaphore_mem>>) src(%dma_wait3A_207 : memref<6256xf32, #tpu.memory_space<hbm>>) dst(%arg14 : memref<6256xf32, #tpu.memory_space<vmem>>)
        tpu.yield
      }) : () -> ()
      %parallel_loop3A_201 = arith.constant 0 : i32
      %parallel_loop3A_202 = arith.constant 391 : i32
      %parallel_loop3A_203 = arith.constant 1 : i32
      scf.for %parallel_loop3A_204 = %parallel_loop3A_201 to %parallel_loop3A_202 step %parallel_loop3A_203  : i32 {
        %parallel_loop3A_205 = arith.constant 16 : i32
        %parallel_loop3A_206 = arith.muli %parallel_loop3A_204, %parallel_loop3A_205 : i32
        %parallel_loop3A_207 = tpu.assume_multiple %parallel_loop3A_206, 16 : i32
        %parallel_loop3A_208 = arith.addi %add3A_196, %parallel_loop3A_207 : i32
        %parallel_loop3A_209 = arith.index_cast %parallel_loop3A_208 : i32 to index
        %parallel_loop3A_210 = tpu.vector_load %arg10[%parallel_loop3A_209] {strides = array<i32>} : memref<50048xf32, #tpu.memory_space<vmem>>, vector<16xf32>,
        %parallel_loop3A_211 = arith.index_cast %parallel_loop3A_207 : i32 to index
        %parallel_loop3A_212 = tpu.vector_load %arg14[%parallel_loop3A_211] {strides = array<i32>} : memref<6256xf32, #tpu.memory_space<vmem>>, vector<16xf32>,
        %parallel_loop3A_213 = arith.addf %parallel_loop3A_210, %parallel_loop3A_212 : vector<16xf32>
        %parallel_loop3A_214 = arith.addi %add3A_196, %parallel_loop3A_207 : i32
        %parallel_loop3A_215 = arith.index_cast %parallel_loop3A_214 : i32 to index
        %parallel_loop3A_216 = tpu.vector_load %arg10[%parallel_loop3A_215] {strides = array<i32>} : memref<50048xf32, #tpu.memory_space<vmem>>, vector<16xf32>,
        tpu.vector_store %arg10[%parallel_loop3A_215], %parallel_loop3A_213 {strides = array<i32>} : memref<50048xf32, #tpu.memory_space<vmem>>, vector<16xf32>,
      } {sc.loop_unroll_factor = 1 : i64, sc.parallel_access}
    } else {
    }
    %add3A_170 = arith.constant 0 : i32
    %add3A_171 = arith.addi %mul3A_135, %add3A_170 : i32
    %parallel_loop3A_172 = arith.constant 0 : i32
    %parallel_loop3A_173 = arith.constant 391 : i32
    %parallel_loop3A_174 = arith.constant 1 : i32
    scf.for %parallel_loop3A_186 = %parallel_loop3A_172 to %parallel_loop3A_173 step %parallel_loop3A_174  : i32 {
      %parallel_loop3A_187 = arith.constant 16 : i32
      %parallel_loop3A_188 = arith.muli %parallel_loop3A_186, %parallel_loop3A_187 : i32
      %parallel_loop3A_189 = tpu.assume_multiple %parallel_loop3A_188, 16 : i32
      %parallel_loop3A_190 = arith.addi %add3A_171, %parallel_loop3A_189 : i32
      %parallel_loop3A_191 = arith.index_cast %parallel_loop3A_190 : i32 to index
      %parallel_loop3A_192 = tpu.vector_load %arg9[%parallel_loop3A_191] {strides = array<i32>} : memref<50048xf32, #tpu.memory_space<vmem>>, vector<16xf32>,
      %parallel_loop3A_193 = arith.addi %add3A_171, %parallel_loop3A_189 : i32
      %parallel_loop3A_194 = arith.index_cast %parallel_loop3A_193 : i32 to index
      %parallel_loop3A_195 = tpu.vector_load %arg10[%parallel_loop3A_194] {strides = array<i32>} : memref<50048xf32, #tpu.memory_space<vmem>>, vector<16xf32>,
      %parallel_loop3A_196 = arith.mulf %gather3A_35, %parallel_loop3A_195 : vector<16xf32>
      %parallel_loop3A_197 = arith.subf %parallel_loop3A_192, %parallel_loop3A_196 : vector<16xf32>
      %parallel_loop3A_198 = arith.index_cast %parallel_loop3A_189 : i32 to index
      %parallel_loop3A_199 = tpu.vector_load %arg14[%parallel_loop3A_198] {strides = array<i32>} : memref<6256xf32, #tpu.memory_space<vmem>>, vector<16xf32>,
      tpu.vector_store %arg14[%parallel_loop3A_198], %parallel_loop3A_197 {strides = array<i32>} : memref<6256xf32, #tpu.memory_space<vmem>>, vector<16xf32>,
    } {sc.loop_unroll_factor = 1 : i64, sc.parallel_access}
    %mul3A_175 = arith.constant 50048 : i32
    %mul3A_176 = arith.muli %add3A_30, %mul3A_175 : i32
    %add3A_177 = arith.addi %mul3A_176, %add3A_171 : i32
    "tpu.region"() ({
      %run_scoped3A = tpu.sem_alloc : memref<!tpu.dma_semaphore, #tpu.memory_space<semaphore_mem>>
      %dma_start3A_186 = tpu.memref_slice %arg7[%add3A_177] : memref<400384xf32, #tpu.memory_space<hbm>> -> memref<6256xf32, #tpu.memory_space<hbm>>
      %dma_start3A_187 = tpu.memref_slice %arg7[%add3A_177] : memref<400384xf32, #tpu.memory_space<hbm>> -> memref<6256xf32, #tpu.memory_space<hbm>>
      tpu.enqueue_dma source(%arg14 : memref<6256xf32, #tpu.memory_space<vmem>>) target(%dma_start3A_187 : memref<6256xf32, #tpu.memory_space<hbm>>) target_semaphore(%run_scoped3A : memref<!tpu.dma_semaphore, #tpu.memory_space<semaphore_mem>>)
      %dma_wait3A_188 = tpu.memref_slice %arg7[%add3A_177] : memref<400384xf32, #tpu.memory_space<hbm>> -> memref<6256xf32, #tpu.memory_space<hbm>>
      %dma_wait3A_189 = tpu.memref_slice %arg7[%add3A_177] : memref<400384xf32, #tpu.memory_space<hbm>> -> memref<6256xf32, #tpu.memory_space<hbm>>
      tpu.wait_dma2 semaphore(%run_scoped3A : memref<!tpu.dma_semaphore, #tpu.memory_space<semaphore_mem>>) src(%arg14 : memref<6256xf32, #tpu.memory_space<vmem>>) dst(%dma_wait3A_189 : memref<6256xf32, #tpu.memory_space<hbm>>)
      tpu.yield
    }) : () -> ()
    %add3A_178 = arith.constant 6256 : i32
    %add3A_179 = arith.addi %mul3A_135, %add3A_178 : i32
    %parallel_loop3A_180 = arith.constant 0 : i32
    %parallel_loop3A_181 = arith.constant 391 : i32
    %parallel_loop3A_182 = arith.constant 1 : i32
    scf.for %parallel_loop3A_186 = %parallel_loop3A_180 to %parallel_loop3A_181 step %parallel_loop3A_182  : i32 {
      %parallel_loop3A_187 = arith.constant 16 : i32
      %parallel_loop3A_188 = arith.muli %parallel_loop3A_186, %parallel_loop3A_187 : i32
      %parallel_loop3A_189 = tpu.assume_multiple %parallel_loop3A_188, 16 : i32
      %parallel_loop3A_190 = arith.addi %add3A_179, %parallel_loop3A_189 : i32
      %parallel_loop3A_191 = arith.index_cast %parallel_loop3A_190 : i32 to index
      %parallel_loop3A_192 = tpu.vector_load %arg9[%parallel_loop3A_191] {strides = array<i32>} : memref<50048xf32, #tpu.memory_space<vmem>>, vector<16xf32>,
      %parallel_loop3A_193 = arith.addi %add3A_179, %parallel_loop3A_189 : i32
      %parallel_loop3A_194 = arith.index_cast %parallel_loop3A_193 : i32 to index
      %parallel_loop3A_195 = tpu.vector_load %arg10[%parallel_loop3A_194] {strides = array<i32>} : memref<50048xf32, #tpu.memory_space<vmem>>, vector<16xf32>,
      %parallel_loop3A_196 = arith.mulf %gather3A_35, %parallel_loop3A_195 : vector<16xf32>
      %parallel_loop3A_197 = arith.subf %parallel_loop3A_192, %parallel_loop3A_196 : vector<16xf32>
      %parallel_loop3A_198 = arith.index_cast %parallel_loop3A_189 : i32 to index
      %parallel_loop3A_199 = tpu.vector_load %arg14[%parallel_loop3A_198] {strides = array<i32>} : memref<6256xf32, #tpu.memory_space<vmem>>, vector<16xf32>,
      tpu.vector_store %arg14[%parallel_loop3A_198], %parallel_loop3A_197 {strides = array<i32>} : memref<6256xf32, #tpu.memory_space<vmem>>, vector<16xf32>,
    } {sc.loop_unroll_factor = 1 : i64, sc.parallel_access}
    %mul3A_183 = arith.constant 50048 : i32
    %mul3A_184 = arith.muli %add3A_30, %mul3A_183 : i32
    %add3A_185 = arith.addi %mul3A_184, %add3A_179 : i32
    "tpu.region"() ({
      %run_scoped3A = tpu.sem_alloc : memref<!tpu.dma_semaphore, #tpu.memory_space<semaphore_mem>>
      %dma_start3A_186 = tpu.memref_slice %arg7[%add3A_185] : memref<400384xf32, #tpu.memory_space<hbm>> -> memref<6256xf32, #tpu.memory_space<hbm>>
      %dma_start3A_187 = tpu.memref_slice %arg7[%add3A_185] : memref<400384xf32, #tpu.memory_space<hbm>> -> memref<6256xf32, #tpu.memory_space<hbm>>
      tpu.enqueue_dma source(%arg14 : memref<6256xf32, #tpu.memory_space<vmem>>) target(%dma_start3A_187 : memref<6256xf32, #tpu.memory_space<hbm>>) target_semaphore(%run_scoped3A : memref<!tpu.dma_semaphore, #tpu.memory_space<semaphore_mem>>)
      %dma_wait3A_188 = tpu.memref_slice %arg7[%add3A_185] : memref<400384xf32, #tpu.memory_space<hbm>> -> memref<6256xf32, #tpu.memory_space<hbm>>
      %dma_wait3A_189 = tpu.memref_slice %arg7[%add3A_185] : memref<400384xf32, #tpu.memory_space<hbm>> -> memref<6256xf32, #tpu.memory_space<hbm>>
      tpu.wait_dma2 semaphore(%run_scoped3A : memref<!tpu.dma_semaphore, #tpu.memory_space<semaphore_mem>>) src(%arg14 : memref<6256xf32, #tpu.memory_space<vmem>>) dst(%dma_wait3A_189 : memref<6256xf32, #tpu.memory_space<hbm>>)
      tpu.yield
    }) : () -> ()
    return
  }
}

</mosaic_0001>

<sc_bundles>
// kernel: kernel.3.cloned.1.call-start
scs
__scs_entry_jumppad:
0x0: {  	(pc) =	sbr.rel $0x88, $3  }
0x1: {  	(tag) =	ssettag $0x0;
	lr =	simm.s32 $0x1  }
0x2: {  	[smem:$0x3F9B] =	sst lr;
	_ =	strace $0xD0000000  }
0x3: {  	_ = 	snop  }
0x4: {  	_ = 	snop  }
0x5: {  	_ = 	snop  }
0x6: {  	_ = 	snop  }
0x7: {  	_ = 	snop  }
__scs_overlays_trampoline_lowered:
0x8: {  	[smem:$0x3FAA] =	sst s0  }
0x9: {  	[smem:$0x3FAB] =	sst s1  }
0xa: {  	[smem:$0x3FAC] =	sst s2  }
0xb: {  	[smem:$0x3FAD] =	sst s3  }
0xc: {  	[smem:$0x3FAE] =	sst s4  }
0xd: {  	[smem:$0x3FAF] =	sst s5  }
0xe: {  	[smem:$0x3FB0] =	sst s6  }
0xf: {  	[smem:$0x3FB1] =	sst s7  }
0x10: {  	[smem:$0x3FB2] =	sst s8  }
0x11: {  	[smem:$0x3FB3] =	sst s9;
	s0 =	simm.s32 @!p0 $0x0  }
0x12: {  	s1 =	sld [smem:$0x3F99];
	s0 =	simm.s32 @p0 $0x1  }
0x13: {  	[smem:$0x3FB4] =	sst s0;
	s0 =	simm.s32 @!p1 $0x0  }
0x14: {  	s2 =	sld [smem:$0x3F98];
	s0 =	simm.s32 @p1 $0x1  }
0x15: {  	[smem:$0x3FB5] =	sst s0;
	s0 =	simm.s32 @!p2 $0x0  }
0x16: {  	s3 =	sld [smem:$0x3FDB];
	s0 =	simm.s32 @p2 $0x1  }
0x17: {  	s4 =	simm.s32 $0x1BF5;
	[smem:$0x3FB7] =	sst s0  }
0x18: {  	s0 =	sld [smem:$0x3F9A];
	_ =	swait.ge [sflag:s4], $0x0  }
0x19: {  	s7 =	sld [smem:$0x3F9B]  }
0x1a: {  	s8 =	sadd.s32 $0xFFFFE003, lr  }
0x1b: {  	s9 =	sadd.s32 $0xFFFFFEF7, lr;
	s5 =	simm.s32 $0xFFFFFFFF;
	p2 =	slt.u32 s8, $0xFFFFF086  }
0x1c: {  	p1 =	slt.u32 s9, $0xF7A;
	s5 =	simm.s32 @!p2 $0x0  }
0x1d: {  	s5 =	simm.s32 @p1 $0x1;
	p0 =	seq.s32 s7, s2  }
0x1e: {  	s7 =	smul.u32 @!p0 $0xF7A, s2;
	p2 =	seq.s32 @!p0 s5, $0x0  }
0x1f: {  	s9 =	smul.u32 $0xF7A, s1;
	s8 =	simm.s32 @!p0 $0x1BF5;
	p2 =	por !p2, p0  }
0x20: {  	[sflag:s8] =	ssyncset.s32 @!p0 $0xFFFFF086;
	s6 =	sadd.s32 @!p0 s3, s7;
	s7 =	simm.s32 @!p0 $0x108  }
0x21: {  	s3 =	sadd.s32 s3, s9;
	s6 =	sadd.s32 @!p0 $0x88, s6;
	s7 =	simm.s32 @p2 $0x1082  }
0x22: {  	[simem:s7], [sflag:s8] =	dma.local @!p0 [hbm:s6], $0xF7A  }
0x23: {  	s9 =	sor.u32 $0xD0000000, s2;
	s6 =	simm.s32 $0x108;
	_ =	swait.ge @!p0 [sflag:s8], $0x0  }
0x24: {  	s3 =	sadd.s32 $0x88, s3;
	s6 =	simm.s32 @!p1 $0x1082;
	[sflag:s4] =	ssyncset.s32 $0xFFFFF086  }
0x25: {  	[simem:s6], [sflag:s4] =	dma.local [hbm:s3], $0xF7A  }
0x26: {  	[smem:$0x3F9B] =	sst s1;
	(tag) =	ssettag s2;
	_ =	strace s9  }
0x27: {  	s1 =	sld [smem:$0x3FAB]  }
0x28: {  	s2 =	sld [smem:$0x3FAC]  }
0x29: {  	s4 =	sld [smem:$0x3FAE]  }
0x2a: {  	p0 =	seq.s32 s5, $0x0;
	s5 =	sld [smem:$0x3FAF]  }
0x2b: {  	s6 =	sld [smem:$0x3FB0]  }
0x2c: {  	s7 =	sld [smem:$0x3FB1]  }
0x2d: {  	s3 =	simm.s32 $0x108;
	s8 =	sld [smem:$0x3FB2]  }
0x2e: {  	s3 =	simm.s32 @!p0 $0x1082;
	s9 =	sld [smem:$0x3FB3]  }
0x2f: {  	lr =	sadd.s32 s0, s3;
	s0 =	sld [smem:$0x3FAA]  }
0x30: {  	s3 =	sld [smem:$0x3FAD]  }
0x31: {  	[smem:$0x3FB6] =	sst s10  }
0x32: {  	s10 =	sld [smem:$0x3FB4];
	_ =	sdelay $0x3  }
0x33: {  	p0 =	seq.s32 s10, $0x1;
	s10 =	sld [smem:$0x3FB6];
	_ =	sdelay $0x3  }
0x34: {  	[smem:$0x3FB6] =	sst s10  }
0x35: {  	s10 =	sld [smem:$0x3FB5];
	_ =	sdelay $0x3  }
0x36: {  	p1 =	seq.s32 s10, $0x1;
	s10 =	sld [smem:$0x3FB6];
	_ =	sdelay $0x3  }
0x37: {  	[smem:$0x3FB6] =	sst s10  }
0x38: {  	s10 =	sld [smem:$0x3FB7]  }
0x39: {  	_ = 	snop;
	(pc) =	sbr.ind lr, $3  }
0x3a: {  	_ = 	snop  }
0x3b: {  	_ = 	snop  }
0x3c: {  	p2 =	seq.s32 s10, $0x1;
	s10 =	sld [smem:$0x3FB6]  }
0x3d: {  	_ =	shalt  }
0x3e: {  	_ =	shalt  }
0x3f: {  	_ =	shalt  }
0x40: {  	_ =	shalt  }
0x41: {  	_ =	shalt  }
0x42: {  	_ =	shalt  }
0x43: {  	_ =	shalt  }
0x44: {  	_ =	shalt  }
0x45: {  	_ =	shalt  }
0x46: {  	_ =	shalt  }
0x47: {  	_ =	shalt  }
0x48: {  	_ =	shalt  }
0x49: {  	_ =	shalt  }
0x4a: {  	_ =	shalt  }
0x4b: {  	_ =	shalt  }
0x4c: {  	_ =	shalt  }
0x4d: {  	_ =	shalt  }
0x4e: {  	_ =	shalt  }
0x4f: {  	_ =	shalt  }
0x50: {  	_ =	shalt  }
0x51: {  	_ =	shalt  }
0x52: {  	_ =	shalt  }
0x53: {  	_ =	shalt  }
0x54: {  	_ =	shalt  }
0x55: {  	_ =	shalt  }
0x56: {  	_ =	shalt  }
0x57: {  	_ =	shalt  }
0x58: {  	_ =	shalt  }
0x59: {  	_ =	shalt  }
0x5a: {  	_ =	shalt  }
0x5b: {  	_ =	shalt  }
0x5c: {  	_ =	shalt  }
0x5d: {  	_ =	shalt  }
0x5e: {  	_ =	shalt  }
0x5f: {  	_ =	shalt  }
0x60: {  	_ =	shalt  }
0x61: {  	_ =	shalt  }
0x62: {  	_ =	shalt  }
0x63: {  	_ =	shalt  }
0x64: {  	_ =	shalt  }
0x65: {  	_ =	shalt  }
0x66: {  	_ =	shalt  }
0x67: {  	_ =	shalt  }
0x68: {  	_ =	shalt  }
0x69: {  	_ =	shalt  }
0x6a: {  	_ =	shalt  }
0x6b: {  	_ =	shalt  }
0x6c: {  	_ =	shalt  }
0x6d: {  	_ =	shalt  }
0x6e: {  	_ =	shalt  }
0x6f: {  	_ =	shalt  }
0x70: {  	_ =	shalt  }
0x71: {  	_ =	shalt  }
0x72: {  	_ =	shalt  }
0x73: {  	_ =	shalt  }
0x74: {  	_ =	shalt  }
0x75: {  	_ =	shalt  }
0x76: {  	_ =	shalt  }
0x77: {  	_ =	shalt  }
0x78: {  	_ =	shalt  }
0x79: {  	_ =	shalt  }
0x7a: {  	_ =	shalt  }
0x7b: {  	_ =	shalt  }
0x7c: {  	_ =	shalt  }
0x7d: {  	_ =	shalt  }
0x7e: {  	_ =	shalt  }
0x7f: {  	_ =	shalt  }
0x80: {  	_ =	shalt  }
0x81: {  	_ =	shalt  }
0x82: {  	_ =	shalt  }
0x83: {  	_ =	shalt  }
0x84: {  	_ =	shalt  }
0x85: {  	_ =	shalt  }
0x86: {  	_ =	shalt  }
0x87: {  	_ =	shalt  }
.Lfunc_end0:
.L_simem_size_0:
called_computation_lowered:
.L_overlay_start_0:
0x88: {  	s2 =	sld [smem:$0x3FD9]  }
0x89: {  	s3 =	sld [smem:$0x3FFE];
	_ =	sdelay $0x1  }
0x8a: {  	s1 =	srdreg.scid  }
0x8b: {  	s0 =	sand.u32 $0x1, s1  }
0x8c: {  	s17 =	sshll.u32 s0, $0xA;
	s2 =	sadd.s32 s3, s2  }
0x8d: {  	s2 =	sadd.s32 s2, s17  }
0x8e: {  	[smem:$0x3FC2] =	sst s2  }
0x8f: {  	_ = 	snop  }
0x90: {  	s2 =	sld [smem:$0x3FC8]  }
0x91: {  	s18 =	sld [smem:$0x3FC6]  }
0x92: {  	s4 =	sld [smem:$0x3FC5]  }
0x93: {  	s5 =	sld [smem:$0x3FD0];
	(tm) =	ssettm $0x1  }
0x94: {  	s6 =	sld [smem:$0x3FFB];
	_ =	sdelay $0x3  }
0x95: {  	_ =	strace s6  }
0x96: {  	s6 =	sld [smem:$0x3FFC];
	_ =	sdelay $0x3  }
0x97: {  	_ =	strace s6  }
0x98: {  	s6 =	sld [smem:$0x3FFD];
	_ =	sdelay $0x3  }
0x99: {  	_ =	strace s6  }
0x9a: {  	_ =	strace $0x8FFFFFFF  }
0x9b: {  	s19 =	sld [smem:$0x3FDB];
	_ =	sdelay $0x1  }
0x9c: {  	s7 =	simm.s32 $_scs_section_size  }
0x9d: {  	s8 =	simm.s32 $_size__tile_overlayer_lowered;
	s9 =	simm.s32 $_tile_overlayer_lowered  }
0x9e: {  	s22 =	simm.s32 $0x1BFF;
	s21 =	sshll.u32 s9, $0x1;
	s6 =	sadd.s32 s7, s19  }
0x9f: {  	s10 =	simm.s32 $0x0;
	s20 =	sshll.u32 s8, $0x1;
	s8 =	sadd.s32 s21, s6  }
0xa0: {  	[timem:s10], [sflag:s22] =	dma.local [hbm:s8], s20  }
0xa1: {  	_ =	swait.ge [sflag:s22], s20  }
0xa2: {  	s7 =	ssub.s32 $0x0, s20;
	[sflag:s22] =	ssyncset.done $0x0  }
0xa3: {  	[sflag:s22] =	ssyncadd.s32 s7;
	_ =	sdelay $0x1  }
0xa4: {  	s23 =	simm.s32 $0x1B8B  }
0xa5: {  	_ =	swait.ge [sflag:s23], $0x1  }
0xa6: {  	[sflag:s23] =	ssyncset.done $0x0  }
0xa7: {  	s25 =	simm.s32 $0x1B8E;
	s24 =	sld [smem:$0x3FFE];
	[sflag:s23] =	ssyncadd.s32 $0xFFFFFFFF  }
0xa8: {  	s26 =	simm.s32 $execute0_lowered;
	[smem:$0x3FD2] =	sst s25  }
0xa9: {  	s8 =	sshll.u32 s26, $0x1;
	_ =	strace $0x80000046;
	[dreg:$0x1] =	wrdreg $0xFFFFFFFF  }
0xaa: {  	s28 =	simm.s32 $_size_execute0_lowered;
	s6 =	sadd.s32 s6, s8;
	[dreg:$0x0] =	wrdreg $0x0  }
0xab: {  	s8 =	sshll.u32 s28, $0x1;
	[dreg:$0x2] =	wrdreg s6  }
0xac: {  	[dreg:$0x3] =	wrdreg s8  }
0xad: {  	[dreg:$0x4] =	wrdreg $0xC0  }
0xae: {  	_ =	task [dreg:s10], $0x5FFFF  }
0xaf: {  	[dreg:$0x1] =	wrdreg $0xFFFFFFFF  }
0xb0: {  	[dreg:$0x0] =	wrdreg $0x60  }
0xb1: {  	[dreg:$0x2] =	wrdreg s5  }
0xb2: {  	[dreg:$0x3] =	wrdreg s2  }
0xb3: {  	[dreg:$0x4] =	wrdreg s18  }
0xb4: {  	[dreg:$0x5] =	wrdreg s4  }
0xb5: {  	[dreg:$0x6] =	wrdreg s24  }
0xb6: {  	[dreg:$0x7] =	wrdreg $0x9  }
0xb7: {  	_ =	task.clear_ibuf [dreg:s10], $0x8FFFF;
	_ =	strace $0x90000046  }
0xb8: {  	s29 =	simm.s32 $0x9;
	_ =	strace $0x80000048  }
0xb9: {  	_ =	swait.ge [sflag:s29], $0x1  }
0xba: {  	[sflag:s29] =	ssyncadd.s32 $0xFFFFFFFF  }
0xbb: {  	_ =	strace $0x90000048  }
0xbc: {  	_ =	sfence  }
0xbd: {  	s30 =	sld [smem:$0x0];
	_ =	sdelay $0x2  }
0xbe: {  	s31 =	sshll.u32 s1, $0xD;
	s1 =	sshrl.u32 s1, $0x2  }
0xbf: {  	s3 =	sand.u32 $0x4000, s31;
	s1 =	sadd.s32 s1, s30  }
0xc0: {  	s0 =	sor.u32 s3, s0;
	s1 =	sshll.u32 s1, $0x11  }
0xc1: {  	s0 =	sor.u32 s1, s0  }
0xc2: {  	s0 =	sadd.s32 $0x8F2B, s0  }
0xc3: {  	[sflag:s0] =	ssyncadd.remote.s32 $0x1  }
0xc4: {  	_ =	sfence.sel $0xFFFF  }
0xc5: {  	[dreg:$0x0] =	wrdreg $0xFFFFFFFF;
	(pc) =	sbr.abs _section_cstart, $3  }
0xc6: {  	[dreg:$0x1] =	wrdreg $0xFFFFFFFF  }
0xc7: {  	_ =	task.clear_ibuf [dreg:s10], $0x2FFFF;
	_ =	strace $0x9FFFFFFF  }
0xc8: {  	(tm) =	ssettm $0x7FFFFFFF  }
0xc9: {  	_ =	shalt  }
tec
execute0_lowered:
.L_overlay_start_1:
0x0: {  	(tag) =	ssettag $0x1  }
0x1: {  	s8 =	rddreg [dreg:$0x0]  }
0x2: {  	s1 =	rddreg [dreg:$0x1]  }
0x3: {  	s2 =	rddreg [dreg:$0x2]  }
0x4: {  	s3 =	rddreg [dreg:$0x3]  }
0x5: {  	s0 =	rddreg [dreg:$0x4]  }
0x6: {  	s5 =	simm.s32 $0x0;
	s4 =	srdreg.scid;
	s22 =	stileid.u32  }
0x7: {  	s28 =	simm.s32 $0x1EA70;
	s29 =	simm.s32 $0x18700;
	s30 =	simm.s32 $0x1A000  }
0x8: {  	s31 =	simm.s32 $0x80;
	[smem:$0x7FF] =	sst s5;
	s7 =	sand.u32 $0x1, s4  }
0x9: {  	s9 =	sand.u32 $0x3, s22;
	s10 =	sadd.s32 $0x31A00, s0;
	s11 =	sadd.s32 $0xC00, s0  }
0xa: {  	s13 =	sshrl.u32 s22, $0x2;
	s0 =	sadd.s32 $0xA00, s0;
	s4 =	sshll.u32 s7, $0x2  }
0xb: {  	s12 =	ssub.s32 $0x2, s7;
	s6 =	smul.u32 $0x61A80, s13;
	s4 =	sor.u32 s9, s4  }
0xc: {  	s16 =	sshll.u32 s7, $0x4;
	s15 =	sshrl.u32 s12, $0x1;
	s14 =	smul.u32 $0xC380, s4  }
0xd: {  	s9 =	sor.u32 s9, s16;
	s7 =	ssub.s32 s12, s15;
	s12 =	smul.u32 $0x30E0, s13  }
0xe: {  	p3 =	slt.u32 s22, $0x4;
	s16 =	sor.u32 s22, s16;
	s17 =	smul.u32 $0xC380, s9  }
0xf: {  	_ =	strace $0x80000047;
	s24 =	smul.u32 $0x1870, s16;
	s25 =	sor.u32 $0x4, s9  }
0x10: {  	[dreg:$0x12] =	wrdreg s0;
	s20 =	smul.u32 $0xC380, s25;
	p0 =	seq.s32 s25, s16  }
0x11: {  	s23 =	sshrl.u32 s14, $0x3;
	s18 =	sadd.s32 s12, s17;
	s19 =	sadd.s32 $0x1870, s12  }
0x12: {  	s8 =	sadd.s32 s8, s23;
	s26 =	sshrl.u32 s18, $0x3;
	s17 =	sadd.s32 s19, s17  }
0x13: {  	s18 =	sadd.s32 s12, s20;
	s23 =	sor.u32 $0x8, s9;
	s9 =	sor.u32 $0xC, s9  }
0x14: {  	[dreg:$0x6] =	wrdreg s8;
	s8 =	sadd.s32 s11, s24;
	s17 =	sshrl.u32 s17, $0x3  }
0x15: {  	s21 =	sshrl.u32 s18, $0x3;
	s24 =	sadd.s32 s19, s20;
	s25 =	smul.u32 $0xC380, s23  }
0x16: {  	p1 =	seq.s32 s23, s16;
	p2 =	seq.s32 s9, s16;
	s9 =	smul.u32 $0xC380, s9  }
0x17: {  	[dreg:$0x7] =	wrdreg s8;
	s8 =	sadd.s32 s11, s26;
	s18 =	sshrl.u32 s24, $0x3  }
0x18: {  	[dreg:$0x8] =	wrdreg s8;
	s8 =	sadd.s32 s11, s17;
	s26 =	sadd.s32 s12, s25  }
0x19: {  	s20 =	sadd.s32 s11, s18;
	s23 =	sadd.s32 s19, s25;
	s24 =	sadd.s32 s12, s9  }
0x1a: {  	s9 =	sadd.s32 s19, s9;
	s17 =	smul.u32 $0xC380, s13;
	[dreg:$0x9] =	wrdreg s8  }
0x1b: {  	s18 =	sshrl.u32 s6, $0x3;
	s8 =	sadd.s32 s11, s21;
	[dreg:$0xb] =	wrdreg s20  }
0x1c: {  	s21 =	sshrl.u32 s26, $0x3;
	s15 =	sshrl.u32 s24, $0x3;
	s26 =	sshrl.u32 s9, $0x3  }
0x1d: {  	s9 =	sadd.s32 s12, s14;
	s20 =	sadd.s32 s2, s18;
	[dreg:$0xa] =	wrdreg s8  }
0x1e: {  	s8 =	sadd.s32 s11, s21;
	s25 =	sadd.s32 s11, s15;
	[dreg:$0x13] =	wrdreg s20  }
0x1f: {  	s21 =	smul.u32 $0xC35, s13;
	[dreg:$0xc] =	wrdreg s8;
	s8 =	sshrl.u32 s23, $0x3  }
0x20: {  	[dreg:$0xe] =	wrdreg s25;
	s23 =	sadd.s32 $0xC380, s12;
	s12 =	sadd.s32 $0xDBF0, s12  }
0x21: {  	s25 =	smax.u32 s7, $0x1;
	s8 =	sadd.s32 s11, s8;
	v2 =	vmov s12;
	s12 =	simm.s32 $0x1  }
0x22: {  	[dreg:$0xd] =	wrdreg s8;
	s8 =	sadd.s32 s11, s26;
	s11 =	sadd.s32 s19, s14  }
0x23: {  	s14 =	smul.u32 $0x30D400, s13;
	s19 =	sshll.u32 s4, $0x7;
	s26 =	simm.s32 $0x3  }
0x24: {  	v0 =	vmov s4;
	s4 =	simm.s32 $0x1B900;
	s13 =	simm.s32 $0xC380;
	[dreg:$0xf] =	wrdreg s8  }
0x25: {  	s8 =	sshrl.u32 s9, $0x3;
	s9 =	sshrl.u32 s11, $0x3;
	s11 =	simm.s32 $0x1C580  }
0x26: {  	s8 =	sadd.s32 s10, s8;
	s15 =	sadd.s32 s10, s9;
	s16 =	sor.u32 s14, s19  }
0x27: {  	s9 =	sadd.s32 s3, s18;
	s10 =	simm.s32 $0x1AC80;
	[dreg:$0x10] =	wrdreg s8  }
0x28: {  	v1 =	vmov s23;
	s14 =	simm.s32 $0x2;
	[dreg:$0x11] =	wrdreg s15;
	s8 =	sshrl.u32 s17, $0x2  }
0x29: {  	s0 =	sshrl.u32 s16, $0x3;
	[dreg:$0x14] =	wrdreg s9;
	s24 =	sadd.s32 $0x1870, s8  }
0x2a: {  	s9 =	simm.s32 $0x19380;
	s15 =	simm.s32 $0x1D200;
	s0 =	sadd.s32 s1, s0;
	v3 =	vmov s8;
	v4 =	vmov s24  }
0x2b: {  	v5 =	vimm.s32 $0x8;
	v6 =	vimm.f32 $0.0e+00;
	s16 =	simm.s32 $0x0;
	[dreg:$0x15] =	wrdreg s0;
	s0 =	simm.s32 $0x400  }
.LBB2_1:
0x2c: {  	s7 =	rddreg [dreg:$0x6]  }
0x2d: {  	[tilespmem:s5], [sflag:$0x3] =	stream.linear.gather [hbm4b:s7+s5], $0xC380, $0x38;
	[tilespmem:$0x1EA80] =	vst v63  }
0x2e: {  	_ =	swait.ge [sflag:s26], $0xC380  }
0x2f: {  	[sflag:s26] =	ssyncset.done $0x0  }
0x30: {  	s20 =	rddreg [dreg:$0x12];
	[sflag:s26] =	ssyncadd.s32 $0xFFFF3C80  }
0x31: {  	[tilespmem:s28], [sflag:$0x3] =	stream.linear.gather [hbm4b:s20+s5], $0x10, $0x38;
	[tilespmem:$0x1EA80] =	vst v63  }
0x32: {  	_ =	swait.ge [sflag:s26], $0x10  }
0x33: {  	[sflag:s26] =	ssyncset.done $0x0  }
0x34: {  	[sflag:s26] =	ssyncadd.s32 $0xFFFFFFF0  }
0x35: {  	s22 =	rddreg [dreg:$0x13];
	v8 =	vld.idx.msk [tilespmem:v5+s28+$0x0], $0xffff  }
0x36: {  	v7 =	vld.idx.msk [tilespmem:v0+s28+$0x0], $0xffff;
	[tilespmem:s29], [sflag:$0x1] =	stream.linear.gather [hbm4b:s22+s5], $0xC80, $0x38  }
0x37: {  	s23 =	rddreg [dreg:$0x14]  }
0x38: {  	[tilespmem:s30], [sflag:$0x1] =	stream.linear.gather [hbm4b:s23+s5], $0xC80, $0x38;
	[tilespmem:$0x1EA80] =	vst v63  }
0x39: {  	s8 =	simm.s32 $0x0;
	s7 =	simm.s32 $0x200;
	s24 =	rddreg [dreg:$0x15]  }
0x3a: {  	[tilespmem:s4], [sflag:$0x1] =	stream.strided.gather [hbm4b:s24+s31], $0xC80, s0, s31, $0x38;
	[tilespmem:$0x1EA80] =	vst v63  }
.LBB2_2:
0x3b: {  	p4 =	sne.s32 s7, $0x30C00;
	[tilespmem:s8+$0xC3F0] =	vst v6  }
0x3c: {  	[tilespmem:s8+$0xC380] =	vst v6  }
0x3d: {  	[tilespmem:s8+$0xC390] =	vst v6  }
.Ltmp0:
0x3e: {  	[tilespmem:s8+$0xC3A0] =	vst v6;
	(pc) =	sbr.rel @p4 .LBB2_2-.Ltmp0, $4  }
0x3f: {  	[tilespmem:s8+$0xC3B0] =	vst v6  }
0x40: {  	[tilespmem:s8+$0xC3C0] =	vst v6  }
0x41: {  	[tilespmem:s8+$0xC3D0] =	vst v6  }
0x42: {  	[tilespmem:s8+$0xC3E0] =	vst v6;
	s8 =	sshra.s32 s7, $0x2;
	s7 =	sadd.s32 $0x200, s7  }
0x43: {  	[tilespmem:s8+$0xC3F0] =	vst v6  }
0x44: {  	[tilespmem:s8+$0xC380] =	vst v6  }
0x45: {  	[tilespmem:s8+$0xC390] =	vst v6  }
0x46: {  	[tilespmem:s8+$0xC3A0] =	vst v6  }
0x47: {  	[tilespmem:s8+$0xC3B0] =	vst v6  }
0x48: {  	[tilespmem:s8+$0xC3C0] =	vst v6  }
0x49: {  	[tilespmem:s8+$0xC3D0] =	vst v6  }
0x4a: {  	s7 =	simm.s32 $0x0;
	[tilespmem:s8+$0xC3E0] =	vst v6;
	s8 =	simm.s32 $0x0  }
.LBB2_4:
0x4b: {  	s17 =	sshllo.u32 s8, $0x1  }
0x4c: {  	s18 =	smul.u32 $0xC80, s17  }
0x4d: {  	s17 =	smul.u32 $0x19, s17;
	_ =	sdelay $0x1  }
0x4e: {  	s18 =	sadd.s32 s6, s18;
	s17 =	sadd.s32 s21, s17  }
0x4f: {  	s18 =	sshrl.u32 s18, $0x3;
	s17 =	sshll.u32 s17, $0xA  }
0x50: {  	s20 =	sadd.s32 s2, s18;
	s17 =	sor.u32 s19, s17  }
0x51: {  	[tilespmem:s9], [sflag:$0x2] =	stream.linear.gather [hbm4b:s20+s7], $0xC80, $0x38;
	[tilespmem:$0x1EA80] =	vst v63  }
0x52: {  	s18 =	sadd.s32 s3, s18;
	s17 =	sshrl.u32 s17, $0x3  }
0x53: {  	[tilespmem:s10], [sflag:$0x2] =	stream.linear.gather [hbm4b:s18+s7], $0xC80, $0x38;
	[tilespmem:$0x1EA80] =	vst v63  }
0x54: {  	s17 =	sadd.s32 s1, s17  }
0x55: {  	[tilespmem:s11], [sflag:$0x2] =	stream.strided.gather [hbm4b:s17+s31], $0xC80, s0, s31, $0x38;
	[tilespmem:$0x1EA80] =	vst v63  }
0x56: {  	_ =	swait.ge [sflag:s12], $0xC80  }
0x57: {  	[sflag:s12] =	ssyncset.done $0x0  }
0x58: {  	[sflag:s12] =	ssyncadd.s32 $0xFFFFF380  }
0x59: {  	_ =	swait.ge [sflag:s12], $0xC80  }
0x5a: {  	[sflag:s12] =	ssyncset.done $0x0  }
0x5b: {  	[sflag:s12] =	ssyncadd.s32 $0xFFFFF380  }
0x5c: {  	_ =	swait.ge [sflag:s12], $0xC80  }
0x5d: {  	[sflag:s12] =	ssyncset.done $0x0  }
0x5e: {  	s22 =	simm.s32 $0x0;
	[sflag:s12] =	ssyncadd.s32 $0xFFFFF380  }
0x5f: {  	v9 =	vld [tilespmem:s22+$0x18700]  }
0x60: {  	v10 =	vld [tilespmem:s22+$0x1A000];
	_ =	sdelay $0x5  }
0x61: {  	v11 =	vld [tilespmem:s22+$0x1B900]  }
0x62: {  	v12 =	vld.idx.msk [tilespmem:v9+s5+$0x0], $0xffff  }
0x63: {  	v13 =	vld.idx.msk [tilespmem:v10+s5+$0x0], $0xffff;
	_ =	sdelay $0x4  }
0x64: {  	vm0 =	vge.f32 v11, $0.0e+00;
	v14 =	vsub.f32 v12, v13  }
0x65: {  	v12 =	vsel vm0, v12, v13  }
0x66: {  	v11 =	vmul.f32 v12, v11;
	v12 =	vmul.f32 v14, v8;
	_ =	sdelay $0x1  }
0x67: {  	v11 =	vadd.f32 v12, v11;
	_ =	sdelay $0x1  }
0x68: {  	v12 =	vsub.f32 $0.0e+00, v11  }
0x69: {  	[tilespmem:v9+s13+$0x0] =	vst.idx.add.f32.msk $0xffff, v11  }
0x6a: {  	[tilespmem:v10+s13+$0x0] =	vst.idx.add.f32.msk $0xffff, v12  }
0x6b: {  	v9 =	vld [tilespmem:s22+$0x18710]  }
0x6c: {  	v10 =	vld [tilespmem:s22+$0x1A010];
	_ =	sdelay $0x5  }
0x6d: {  	v11 =	vld [tilespmem:s22+$0x1B910]  }
0x6e: {  	v12 =	vld.idx.msk [tilespmem:v9+s5+$0x0], $0xffff  }
0x6f: {  	v13 =	vld.idx.msk [tilespmem:v10+s5+$0x0], $0xffff;
	_ =	sdelay $0x4  }
0x70: {  	vm12 =	vge.f32 v11, $0.0e+00;
	v14 =	vsub.f32 v12, v13  }
0x71: {  	v12 =	vsel vm12, v12, v13  }
0x72: {  	v11 =	vmul.f32 v12, v11;
	v12 =	vmul.f32 v14, v8;
	_ =	sdelay $0x1  }
0x73: {  	v11 =	vadd.f32 v12, v11;
	_ =	sdelay $0x1  }
0x74: {  	v12 =	vsub.f32 $0.0e+00, v11  }
0x75: {  	[tilespmem:v9+s13+$0x0] =	vst.idx.add.f32.msk $0xffff, v11  }
0x76: {  	[tilespmem:v10+s13+$0x0] =	vst.idx.add.f32.msk $0xffff, v12  }
0x77: {  	v9 =	vld [tilespmem:s22+$0x18720]  }
0x78: {  	v10 =	vld [tilespmem:s22+$0x1A020];
	_ =	sdelay $0x2  }
0x79: {  	s17 =	simm.s32 $0x80  }
0x7a: {  	v11 =	vld [tilespmem:s17+$0x18700]  }
0x7b: {  	v12 =	vld [tilespmem:s17+$0x1A000]  }
0x7c: {  	v15 =	vld [tilespmem:s22+$0x1B920]  }
0x7d: {  	v13 =	vld.idx.msk [tilespmem:v9+s5+$0x0], $0xffff  }
0x7e: {  	v14 =	vld.idx.msk [tilespmem:v10+s5+$0x0], $0xffff;
	_ =	sdelay $0x2  }
0x7f: {  	v16 =	vld [tilespmem:s17+$0x1B900]  }
0x80: {  	v17 =	vld.idx.msk [tilespmem:v11+s5+$0x0], $0xffff  }
0x81: {  	vm13 =	vge.f32 v15, $0.0e+00;
	v19 =	vld.idx.msk [tilespmem:v12+s5+$0x0], $0xffff;
	v18 =	vsub.f32 v13, v14  }
0x82: {  	v13 =	vsel vm13, v13, v14  }
0x83: {  	v13 =	vmul.f32 v13, v15;
	v14 =	vmul.f32 v18, v8;
	_ =	sdelay $0x1  }
0x84: {  	v13 =	vadd.f32 v14, v13  }
0x85: {  	vm14 =	vge.f32 v16, $0.0e+00;
	v14 =	vsub.f32 v17, v19  }
0x86: {  	v17 =	vsel vm14, v17, v19;
	v15 =	vsub.f32 $0.0e+00, v13  }
0x87: {  	[tilespmem:v9+s13+$0x0] =	vst.idx.add.f32.msk $0xffff, v13;
	v9 =	vmul.f32 v17, v16;
	v13 =	vmul.f32 v14, v8  }
0x88: {  	[tilespmem:v10+s13+$0x0] =	vst.idx.add.f32.msk $0xffff, v15  }
0x89: {  	v9 =	vadd.f32 v13, v9;
	v10 =	vld [tilespmem:s22+$0x18730]  }
0x8a: {  	v13 =	vld [tilespmem:s22+$0x1A030]  }
0x8b: {  	v14 =	vsub.f32 $0.0e+00, v9  }
0x8c: {  	[tilespmem:v11+s13+$0x0] =	vst.idx.add.f32.msk $0xffff, v9  }
0x8d: {  	[tilespmem:v12+s13+$0x0] =	vst.idx.add.f32.msk $0xffff, v14  }
0x8e: {  	v9 =	vld [tilespmem:s17+$0x18710]  }
0x8f: {  	v11 =	vld [tilespmem:s17+$0x1A010]  }
0x90: {  	v15 =	vld [tilespmem:s22+$0x1B930]  }
0x91: {  	v12 =	vld.idx.msk [tilespmem:v10+s5+$0x0], $0xffff  }
0x92: {  	v14 =	vld.idx.msk [tilespmem:v13+s5+$0x0], $0xffff;
	_ =	sdelay $0x2  }
0x93: {  	v16 =	vld [tilespmem:s17+$0x1B910]  }
0x94: {  	v17 =	vld.idx.msk [tilespmem:v9+s5+$0x0], $0xffff  }
0x95: {  	vm15 =	vge.f32 v15, $0.0e+00;
	v19 =	vld.idx.msk [tilespmem:v11+s5+$0x0], $0xffff;
	v18 =	vsub.f32 v12, v14  }
0x96: {  	v12 =	vsel vm15, v12, v14  }
0x97: {  	v12 =	vmul.f32 v12, v15;
	v14 =	vmul.f32 v18, v8;
	_ =	sdelay $0x1  }
0x98: {  	v12 =	vadd.f32 v14, v12  }
0x99: {  	vm4 =	vge.f32 v16, $0.0e+00;
	v15 =	vsub.f32 v17, v19  }
0x9a: {  	s18 =	simm.s32 $0x100;
	v14 =	vsub.f32 $0.0e+00, v12;
	[tilespmem:v10+s13+$0x0] =	vst.idx.add.f32.msk $0xffff, v12;
	v10 =	vsel vm4, v17, v19  }
0x9b: {  	v12 =	vmul.f32 v15, v8;
	v15 =	vld [tilespmem:s18+$0x1A000];
	v10 =	vmul.f32 v10, v16  }
0x9c: {  	[tilespmem:v13+s13+$0x0] =	vst.idx.add.f32.msk $0xffff, v14  }
0x9d: {  	v13 =	vld [tilespmem:s22+$0x18740];
	v10 =	vadd.f32 v12, v10  }
0x9e: {  	v14 =	vld [tilespmem:s22+$0x1A040]  }
0x9f: {  	v12 =	vld [tilespmem:s18+$0x18700];
	v16 =	vsub.f32 $0.0e+00, v10  }
0xa0: {  	[tilespmem:v9+s13+$0x0] =	vst.idx.add.f32.msk $0xffff, v10  }
0xa1: {  	[tilespmem:v11+s13+$0x0] =	vst.idx.add.f32.msk $0xffff, v16  }
0xa2: {  	v9 =	vld [tilespmem:s17+$0x18720]  }
0xa3: {  	v10 =	vld [tilespmem:s17+$0x1A020]  }
0xa4: {  	v17 =	vld [tilespmem:s22+$0x1B940]  }
0xa5: {  	v11 =	vld.idx.msk [tilespmem:v13+s5+$0x0], $0xffff  }
0xa6: {  	v16 =	vld.idx.msk [tilespmem:v14+s5+$0x0], $0xffff  }
0xa7: {  	v18 =	vld [tilespmem:s18+$0x1B900]  }
0xa8: {  	v20 =	vld.idx.msk [tilespmem:v15+s5+$0x0], $0xffff  }
0xa9: {  	v19 =	vld.idx.msk [tilespmem:v12+s5+$0x0], $0xffff  }
0xaa: {  	v21 =	vld.idx.msk [tilespmem:v9+s5+$0x0], $0xffff  }
0xab: {  	vm5 =	vge.f32 v17, $0.0e+00;
	v22 =	vsub.f32 v11, v16;
	v23 =	vld.idx.msk [tilespmem:v10+s5+$0x0], $0xffff  }
0xac: {  	v11 =	vsel vm5, v11, v16;
	v16 =	vld [tilespmem:s17+$0x1B920]  }
0xad: {  	v11 =	vmul.f32 v11, v17;
	v17 =	vmul.f32 v22, v8  }
0xae: {  	vm6 =	vge.f32 v18, $0.0e+00  }
0xaf: {  	v46 =	vsel vm6, v19, v20;
	v11 =	vadd.f32 v17, v11  }
0xb0: {  	v18 =	vmul.f32 v46, v18;
	v17 =	vsub.f32 v19, v20  }
0xb1: {  	vm7 =	vge.f32 v16, $0.0e+00;
	v47 =	vsub.f32 v21, v23;
	v19 =	vsub.f32 $0.0e+00, v11  }
0xb2: {  	v17 =	vmul.f32 v17, v8;
	[tilespmem:v13+s13+$0x0] =	vst.idx.add.f32.msk $0xffff, v11;
	v11 =	vsel vm7, v21, v23  }
0xb3: {  	v11 =	vmul.f32 v11, v16;
	v13 =	vmul.f32 v47, v8;
	[tilespmem:v14+s13+$0x0] =	vst.idx.add.f32.msk $0xffff, v19  }
0xb4: {  	v14 =	vld [tilespmem:s22+$0x18750]  }
0xb5: {  	v16 =	vadd.f32 v17, v18;
	v11 =	vadd.f32 v13, v11;
	v13 =	vld [tilespmem:s22+$0x1A050]  }
0xb6: {  	v17 =	vld [tilespmem:s22+$0x1B950]  }
0xb7: {  	[tilespmem:v12+s13+$0x0] =	vst.idx.add.f32.msk $0xffff, v16;
	v12 =	vsub.f32 $0.0e+00, v11  }
0xb8: {  	[tilespmem:v9+s13+$0x0] =	vst.idx.add.f32.msk $0xffff, v11  }
0xb9: {  	[tilespmem:v10+s13+$0x0] =	vst.idx.add.f32.msk $0xffff, v12  }
0xba: {  	v12 =	vsub.f32 $0.0e+00, v16;
	v9 =	vld [tilespmem:s17+$0x18730]  }
0xbb: {  	v10 =	vld [tilespmem:s17+$0x1A030]  }
0xbc: {  	[tilespmem:v15+s13+$0x0] =	vst.idx.add.f32.msk $0xffff, v12  }
0xbd: {  	v11 =	vld.idx.msk [tilespmem:v14+s5+$0x0], $0xffff  }
0xbe: {  	v16 =	vld.idx.msk [tilespmem:v13+s5+$0x0], $0xffff  }
0xbf: {  	v15 =	vld [tilespmem:s18+$0x1A010]  }
0xc0: {  	s20 =	simm.s32 $0x180;
	v12 =	vld [tilespmem:s18+$0x18710]  }
0xc1: {  	v50 =	vld [tilespmem:s20+$0x18700]  }
0xc2: {  	v49 =	vld [tilespmem:s17+$0x1B930]  }
0xc3: {  	vm8 =	vge.f32 v17, $0.0e+00;
	v18 =	vld.idx.msk [tilespmem:v9+s5+$0x0], $0xffff;
	v48 =	vsub.f32 v11, v16  }
0xc4: {  	v19 =	vld.idx.msk [tilespmem:v10+s5+$0x0], $0xffff;
	v11 =	vsel vm8, v11, v16  }
0xc5: {  	v51 =	vld [tilespmem:s18+$0x1B910];
	v11 =	vmul.f32 v11, v17;
	v17 =	vmul.f32 v48, v8  }
0xc6: {  	v16 =	vld [tilespmem:s20+$0x1B900]  }
0xc7: {  	v52 =	vld.idx.msk [tilespmem:v15+s5+$0x0], $0xffff;
	v11 =	vadd.f32 v17, v11  }
0xc8: {  	vm9 =	vge.f32 v49, $0.0e+00;
	v17 =	vld.idx.msk [tilespmem:v12+s5+$0x0], $0xffff  }
0xc9: {  	v24 =	vsub.f32 v18, v19;
	v18 =	vsel vm9, v18, v19;
	v19 =	vld.idx.msk [tilespmem:v50+s5+$0x0], $0xffff;
	v25 =	vsub.f32 $0.0e+00, v11  }
0xca: {  	[tilespmem:v14+s13+$0x0] =	vst.idx.add.f32.msk $0xffff, v11  }
0xcb: {  	v11 =	vmul.f32 v18, v49;
	v14 =	vmul.f32 v24, v8;
	[tilespmem:v13+s13+$0x0] =	vst.idx.add.f32.msk $0xffff, v25  }
0xcc: {  	v13 =	vld [tilespmem:s22+$0x18760]  }
0xcd: {  	v11 =	vadd.f32 v14, v11;
	v14 =	vld [tilespmem:s22+$0x1A060]  }
0xce: {  	v18 =	vld [tilespmem:s20+$0x1A000]  }
0xcf: {  	vm10 =	vge.f32 v51, $0.0e+00;
	v54 =	vsub.f32 v17, v52;
	v57 =	vld [tilespmem:s22+$0x1B960];
	v53 =	vsub.f32 $0.0e+00, v11  }
0xd0: {  	[tilespmem:v9+s13+$0x0] =	vst.idx.add.f32.msk $0xffff, v11;
	v9 =	vsel vm10, v17, v52  }
0xd1: {  	v9 =	vmul.f32 v9, v51;
	[tilespmem:v10+s13+$0x0] =	vst.idx.add.f32.msk $0xffff, v53;
	v10 =	vmul.f32 v54, v8  }
0xd2: {  	v11 =	vld [tilespmem:s17+$0x18740]  }
0xd3: {  	v17 =	vld [tilespmem:s17+$0x1A040];
	v9 =	vadd.f32 v10, v9  }
0xd4: {  	v10 =	vld.idx.msk [tilespmem:v13+s5+$0x0], $0xffff  }
0xd5: {  	v55 =	vld.idx.msk [tilespmem:v14+s5+$0x0], $0xffff;
	v56 =	vsub.f32 $0.0e+00, v9  }
0xd6: {  	[tilespmem:v12+s13+$0x0] =	vst.idx.add.f32.msk $0xffff, v9  }
0xd7: {  	[tilespmem:v15+s13+$0x0] =	vst.idx.add.f32.msk $0xffff, v56  }
0xd8: {  	v12 =	vld [tilespmem:s18+$0x18720]  }
0xd9: {  	v60 =	vld [tilespmem:s17+$0x1B940]  }
0xda: {  	v22 =	vld [tilespmem:s18+$0x1A020]  }
0xdb: {  	vm11 =	vge.f32 v57, $0.0e+00;
	v9 =	vld.idx.msk [tilespmem:v18+s5+$0x0], $0xffff;
	v15 =	vsub.f32 v10, v55  }
0xdc: {  	v58 =	vld.idx.msk [tilespmem:v11+s5+$0x0], $0xffff;
	v10 =	vsel vm11, v10, v55  }
0xdd: {  	v59 =	vld.idx.msk [tilespmem:v17+s5+$0x0], $0xffff;
	v10 =	vmul.f32 v10, v57;
	v15 =	vmul.f32 v15, v8;
	_ =	sdelay $0x1  }
0xde: {  	v10 =	vadd.f32 v15, v10  }
0xdf: {  	vm12 =	vge.f32 v16, $0.0e+00;
	vm13 =	vge.f32 v60, $0.0e+00;
	v15 =	vld.idx.msk [tilespmem:v12+s5+$0x0], $0xffff  }
0xe0: {  	v26 =	vsub.f32 v19, v9;
	v9 =	vsel vm12, v19, v9;
	v61 =	vsub.f32 $0.0e+00, v10;
	[tilespmem:v13+s13+$0x0] =	vst.idx.add.f32.msk $0xffff, v10  }
0xe1: {  	v10 =	vsub.f32 v58, v59;
	v13 =	vmul.f32 v9, v16;
	v16 =	vsel vm13, v58, v59;
	v62 =	vld.idx.msk [tilespmem:v22+s5+$0x0], $0xffff  }
0xe2: {  	v16 =	vmul.f32 v16, v60;
	[tilespmem:v14+s13+$0x0] =	vst.idx.add.f32.msk $0xffff, v61  }
0xe3: {  	v14 =	vmul.f32 v26, v8;
	v19 =	vmul.f32 v10, v8;
	v9 =	vld [tilespmem:s22+$0x18770]  }
0xe4: {  	v10 =	vld [tilespmem:s22+$0x1A070]  }
0xe5: {  	v13 =	vadd.f32 v14, v13;
	v14 =	vld [tilespmem:s18+$0x1B920];
	v16 =	vadd.f32 v19, v16;
	_ =	sdelay $0x1  }
0xe6: {  	[tilespmem:v50+s13+$0x0] =	vst.idx.add.f32.msk $0xffff, v13;
	v19 =	vsub.f32 $0.0e+00, v16  }
0xe7: {  	[tilespmem:v11+s13+$0x0] =	vst.idx.add.f32.msk $0xffff, v16;
	v11 =	vsub.f32 v15, v62  }
0xe8: {  	[tilespmem:v17+s13+$0x0] =	vst.idx.add.f32.msk $0xffff, v19  }
0xe9: {  	v16 =	vmul.f32 v11, v8;
	v11 =	vld [tilespmem:s22+$0x1B970];
	vm14 =	vge.f32 v14, $0.0e+00  }
0xea: {  	v15 =	vsel vm14, v15, v62;
	v17 =	vld.idx.msk [tilespmem:v9+s5+$0x0], $0xffff  }
0xeb: {  	v19 =	vld.idx.msk [tilespmem:v10+s5+$0x0], $0xffff;
	v14 =	vmul.f32 v15, v14  }
0xec: {  	v13 =	vsub.f32 $0.0e+00, v13;
	v15 =	vld [tilespmem:s17+$0x18750]  }
0xed: {  	v63 =	vadd.f32 v16, v14;
	v14 =	vld [tilespmem:s17+$0x1A050]  }
0xee: {  	[tilespmem:v18+s13+$0x0] =	vst.idx.add.f32.msk $0xffff, v13  }
0xef: {  	v16 =	vld [tilespmem:s20+$0x18710];
	v13 =	vsub.f32 $0.0e+00, v63  }
0xf0: {  	vm15 =	vge.f32 v11, $0.0e+00;
	[tilespmem:v12+s13+$0x0] =	vst.idx.add.f32.msk $0xffff, v63;
	v12 =	vsub.f32 v17, v19  }
0xf1: {  	s23 =	simm.s32 $0x800;
	s22 =	sshll.u32 s8, $0x1;
	[tilespmem:v22+s13+$0x0] =	vst.idx.add.f32.msk $0xffff, v13;
	v13 =	vsel vm15, v17, v19  }
.LBB2_5:
0xf2: {  	p4 =	sne.s32 s23, $0x3000;
	v17 =	vld [tilespmem:s18+$0x18730];
	v11 =	vmul.f32 v13, v11;
	v12 =	vmul.f32 v12, v8  }
0xf3: {  	v13 =	vld [tilespmem:s18+$0x1A030]  }
0xf4: {  	v18 =	vld.idx.msk [tilespmem:v15+s5+$0x0], $0xffff;
	v11 =	vadd.f32 v12, v11  }
0xf5: {  	v12 =	vld.idx.msk [tilespmem:v14+s5+$0x0], $0xffff  }
0xf6: {  	v19 =	vld [tilespmem:s17+$0x1B950];
	v20 =	vsub.f32 $0.0e+00, v11  }
0xf7: {  	[tilespmem:v9+s13+$0x0] =	vst.idx.add.f32.msk $0xffff, v11  }
0xf8: {  	[tilespmem:v10+s13+$0x0] =	vst.idx.add.f32.msk $0xffff, v20  }
0xf9: {  	v9 =	vld [tilespmem:s20+$0x1A010]  }
0xfa: {  	v10 =	vld.idx.msk [tilespmem:v17+s5+$0x0], $0xffff  }
0xfb: {  	v20 =	vsub.f32 v18, v12;
	v11 =	vld.idx.msk [tilespmem:v13+s5+$0x0], $0xffff;
	vm0 =	vge.f32 v19, $0.0e+00  }
0xfc: {  	s24 =	sshra.s32 s23, $0x2;
	v21 =	vld [tilespmem:s18+$0x1B930];
	v12 =	vsel vm0, v18, v12  }
0xfd: {  	v18 =	vld [tilespmem:s24+$0x1B900];
	v12 =	vmul.f32 v12, v19;
	v19 =	vmul.f32 v20, v8  }
0xfe: {  	v20 =	vld [tilespmem:s24+$0x18700]  }
0xff: {  	v22 =	vld [tilespmem:s20+$0x1B910];
	v12 =	vadd.f32 v19, v12  }
0x100: {  	v19 =	vld.idx.msk [tilespmem:v16+s5+$0x0], $0xffff  }
0x101: {  	v24 =	vsub.f32 v10, v11;
	v23 =	vld.idx.msk [tilespmem:v9+s5+$0x0], $0xffff;
	vm0 =	vge.f32 v21, $0.0e+00;
	v25 =	vsub.f32 $0.0e+00, v12  }
0x102: {  	v10 =	vsel vm0, v10, v11;
	[tilespmem:v15+s13+$0x0] =	vst.idx.add.f32.msk $0xffff, v12  }
0x103: {  	v11 =	vmul.f32 v24, v8;
	v10 =	vmul.f32 v10, v21;
	[tilespmem:v14+s13+$0x0] =	vst.idx.add.f32.msk $0xffff, v25  }
0x104: {  	v12 =	vld [tilespmem:s17+$0x18760]  }
0x105: {  	v10 =	vadd.f32 v11, v10;
	v11 =	vld [tilespmem:s17+$0x1A060]  }
0x106: {  	v21 =	vld [tilespmem:s24+$0x1A000]  }
0x107: {  	v14 =	vld.idx.msk [tilespmem:v20+s5+$0x0], $0xffff;
	v15 =	vsub.f32 $0.0e+00, v10  }
0x108: {  	vm0 =	vge.f32 v22, $0.0e+00;
	v24 =	vsub.f32 v19, v23;
	[tilespmem:v17+s13+$0x0] =	vst.idx.add.f32.msk $0xffff, v10  }
0x109: {  	v10 =	vsel vm0, v19, v23;
	[tilespmem:v13+s13+$0x0] =	vst.idx.add.f32.msk $0xffff, v15  }
0x10a: {  	v10 =	vmul.f32 v10, v22;
	v13 =	vmul.f32 v24, v8;
	v15 =	vld [tilespmem:s18+$0x18740]  }
0x10b: {  	v17 =	vld [tilespmem:s18+$0x1A040]  }
0x10c: {  	v10 =	vadd.f32 v13, v10;
	v13 =	vld.idx.msk [tilespmem:v12+s5+$0x0], $0xffff  }
0x10d: {  	v19 =	vld.idx.msk [tilespmem:v11+s5+$0x0], $0xffff  }
0x10e: {  	v22 =	vsub.f32 $0.0e+00, v10;
	v23 =	vld [tilespmem:s17+$0x1B960]  }
0x10f: {  	[tilespmem:v16+s13+$0x0] =	vst.idx.add.f32.msk $0xffff, v10  }
0x110: {  	[tilespmem:v9+s13+$0x0] =	vst.idx.add.f32.msk $0xffff, v22  }
0x111: {  	v22 =	vld [tilespmem:s20+$0x18720]  }
0x112: {  	v9 =	vld.idx.msk [tilespmem:v21+s5+$0x0], $0xffff  }
0x113: {  	v10 =	vsub.f32 v13, v19;
	v24 =	vld [tilespmem:s20+$0x1A020];
	vm0 =	vge.f32 v23, $0.0e+00  }
0x114: {  	v16 =	vld.idx.msk [tilespmem:v15+s5+$0x0], $0xffff;
	v13 =	vsel vm0, v13, v19  }
0x115: {  	v10 =	vmul.f32 v10, v8;
	v19 =	vld.idx.msk [tilespmem:v17+s5+$0x0], $0xffff;
	v13 =	vmul.f32 v13, v23  }
0x116: {  	v23 =	vld [tilespmem:s18+$0x1B940]  }
0x117: {  	v10 =	vadd.f32 v10, v13;
	_ =	sdelay $0x1  }
0x118: {  	v13 =	vld.idx.msk [tilespmem:v22+s5+$0x0], $0xffff;
	v25 =	vsub.f32 $0.0e+00, v10  }
0x119: {  	vm0 =	vge.f32 v18, $0.0e+00;
	v26 =	vsub.f32 v14, v9;
	[tilespmem:v12+s13+$0x0] =	vst.idx.add.f32.msk $0xffff, v10  }
0x11a: {  	v9 =	vsel vm0, v14, v9;
	v10 =	vsub.f32 v16, v19;
	vm0 =	vge.f32 v23, $0.0e+00;
	[tilespmem:v11+s13+$0x0] =	vst.idx.add.f32.msk $0xffff, v25  }
0x11b: {  	v12 =	vmul.f32 v26, v8;
	v11 =	vmul.f32 v9, v18;
	v14 =	vsel vm0, v16, v19;
	v9 =	vld [tilespmem:s17+$0x18770]  }
0x11c: {  	v16 =	vmul.f32 v10, v8;
	v14 =	vmul.f32 v14, v23;
	v10 =	vld [tilespmem:s17+$0x1A070]  }
0x11d: {  	v18 =	vld.idx.msk [tilespmem:v24+s5+$0x0], $0xffff  }
0x11e: {  	v12 =	vadd.f32 v12, v11;
	v11 =	vld [tilespmem:s20+$0x1B920];
	v14 =	vadd.f32 v16, v14;
	_ =	sdelay $0x1  }
0x11f: {  	[tilespmem:v20+s13+$0x0] =	vst.idx.add.f32.msk $0xffff, v12;
	v16 =	vsub.f32 $0.0e+00, v14  }
0x120: {  	[tilespmem:v15+s13+$0x0] =	vst.idx.add.f32.msk $0xffff, v14  }
0x121: {  	[tilespmem:v17+s13+$0x0] =	vst.idx.add.f32.msk $0xffff, v16  }
0x122: {  	v14 =	vsub.f32 v13, v18;
	vm0 =	vge.f32 v11, $0.0e+00;
	v17 =	vld.idx.msk [tilespmem:v9+s5+$0x0], $0xffff  }
0x123: {  	v13 =	vsel vm0, v13, v18;
	v18 =	vld.idx.msk [tilespmem:v10+s5+$0x0], $0xffff  }
0x124: {  	v14 =	vmul.f32 v14, v8;
	v13 =	vmul.f32 v13, v11;
	v11 =	vld [tilespmem:s17+$0x1B970];
	s17 =	smov.u32 s18;
	s18 =	smov.u32 s20;
	s20 =	smov.u32 s24  }
0x125: {  	v12 =	vsub.f32 $0.0e+00, v12;
	v15 =	vld [tilespmem:s17+$0x18750]  }
.Ltmp1:
0x126: {  	v13 =	vadd.f32 v14, v13;
	v14 =	vld [tilespmem:s17+$0x1A050];
	(pc) =	sbr.rel @p4 .LBB2_5-.Ltmp1, $4  }
0x127: {  	[tilespmem:v21+s13+$0x0] =	vst.idx.add.f32.msk $0xffff, v12  }
0x128: {  	v16 =	vld [tilespmem:s20+$0x18710];
	v19 =	vsub.f32 $0.0e+00, v13  }
0x129: {  	v12 =	vsub.f32 v17, v18;
	[tilespmem:v22+s13+$0x0] =	vst.idx.add.f32.msk $0xffff, v13;
	vm0 =	vge.f32 v11, $0.0e+00  }
0x12a: {  	s23 =	sadd.s32 $0x200, s23;
	[tilespmem:v24+s13+$0x0] =	vst.idx.add.f32.msk $0xffff, v19;
	v13 =	vsel vm0, v17, v18  }
0x12b: {  	v17 =	vld [tilespmem:s20+$0x1A010];
	_ =	sdelay $0x5  }
0x12c: {  	v18 =	vld [tilespmem:s20+$0x1B910]  }
0x12d: {  	v19 =	vld.idx.msk [tilespmem:v16+s5+$0x0], $0xffff  }
0x12e: {  	v20 =	vld.idx.msk [tilespmem:v17+s5+$0x0], $0xffff;
	_ =	sdelay $0x4  }
0x12f: {  	vm0 =	vge.f32 v18, $0.0e+00;
	v21 =	vsub.f32 v19, v20  }
0x130: {  	v19 =	vsel vm0, v19, v20  }
0x131: {  	v18 =	vmul.f32 v19, v18;
	v19 =	vmul.f32 v21, v8;
	_ =	sdelay $0x1  }
0x132: {  	v18 =	vadd.f32 v19, v18;
	_ =	sdelay $0x1  }
0x133: {  	v19 =	vsub.f32 $0.0e+00, v18  }
0x134: {  	[tilespmem:v16+s13+$0x0] =	vst.idx.add.f32.msk $0xffff, v18  }
0x135: {  	[tilespmem:v17+s13+$0x0] =	vst.idx.add.f32.msk $0xffff, v19  }
0x136: {  	v16 =	vld [tilespmem:s20+$0x18720]  }
0x137: {  	v17 =	vld [tilespmem:s20+$0x1A020];
	_ =	sdelay $0x5  }
0x138: {  	v52 =	vld [tilespmem:s20+$0x1B920]  }
0x139: {  	v18 =	vld.idx.msk [tilespmem:v16+s5+$0x0], $0xffff  }
0x13a: {  	v19 =	vld.idx.msk [tilespmem:v17+s5+$0x0], $0xffff;
	_ =	sdelay $0x4  }
0x13b: {  	vm9 =	vge.f32 v52, $0.0e+00;
	v53 =	vsub.f32 v18, v19  }
0x13c: {  	v18 =	vsel vm9, v18, v19  }
0x13d: {  	v18 =	vmul.f32 v18, v52;
	v19 =	vmul.f32 v53, v8;
	_ =	sdelay $0x1  }
0x13e: {  	v54 =	vld [tilespmem:s18+$0x1A030];
	v18 =	vadd.f32 v19, v18  }
0x13f: {  	v19 =	vld [tilespmem:s18+$0x18730]  }
0x140: {  	v55 =	vsub.f32 $0.0e+00, v18  }
0x141: {  	[tilespmem:v16+s13+$0x0] =	vst.idx.add.f32.msk $0xffff, v18  }
0x142: {  	[tilespmem:v17+s13+$0x0] =	vst.idx.add.f32.msk $0xffff, v55  }
0x143: {  	v16 =	vld [tilespmem:s20+$0x18730]  }
0x144: {  	v17 =	vld [tilespmem:s20+$0x1A030]  }
0x145: {  	v22 =	vld [tilespmem:s18+$0x1B930]  }
0x146: {  	v56 =	vld.idx.msk [tilespmem:v54+s5+$0x0], $0xffff  }
0x147: {  	v18 =	vld.idx.msk [tilespmem:v19+s5+$0x0], $0xffff;
	_ =	sdelay $0x2  }
0x148: {  	v25 =	vld [tilespmem:s20+$0x1B930]  }
0x149: {  	v23 =	vld.idx.msk [tilespmem:v16+s5+$0x0], $0xffff  }
0x14a: {  	vm10 =	vge.f32 v22, $0.0e+00;
	v24 =	vld.idx.msk [tilespmem:v17+s5+$0x0], $0xffff;
	v26 =	vsub.f32 v18, v56  }
0x14b: {  	v18 =	vsel vm10, v18, v56  }
0x14c: {  	v18 =	vmul.f32 v18, v22;
	v57 =	vmul.f32 v26, v8;
	_ =	sdelay $0x1  }
0x14d: {  	v18 =	vadd.f32 v57, v18  }
0x14e: {  	v60 =	vld.idx.msk [tilespmem:v15+s5+$0x0], $0xffff;
	vm11 =	vge.f32 v25, $0.0e+00;
	v58 =	vsub.f32 v23, v24  }
0x14f: {  	v62 =	vld [tilespmem:s17+$0x1B950];
	v59 =	vsel vm11, v23, v24;
	v61 =	vsub.f32 $0.0e+00, v18  }
0x150: {  	v22 =	vmul.f32 v59, v25;
	[tilespmem:v19+s13+$0x0] =	vst.idx.add.f32.msk $0xffff, v18;
	v21 =	vmul.f32 v58, v8  }
0x151: {  	[tilespmem:v54+s13+$0x0] =	vst.idx.add.f32.msk $0xffff, v61  }
0x152: {  	v18 =	vadd.f32 v21, v22;
	v19 =	vld [tilespmem:s18+$0x18740]  }
0x153: {  	v20 =	vld [tilespmem:s18+$0x1A040]  }
0x154: {  	v32 =	vld [tilespmem:s18+$0x1B940];
	v21 =	vsub.f32 $0.0e+00, v18  }
0x155: {  	[tilespmem:v16+s13+$0x0] =	vst.idx.add.f32.msk $0xffff, v18  }
0x156: {  	[tilespmem:v17+s13+$0x0] =	vst.idx.add.f32.msk $0xffff, v21  }
0x157: {  	v16 =	vld [tilespmem:s20+$0x18740]  }
0x158: {  	v17 =	vld [tilespmem:s20+$0x1A040]  }
0x159: {  	v18 =	vld.idx.msk [tilespmem:v14+s5+$0x0], $0xffff  }
0x15a: {  	v63 =	vld.idx.msk [tilespmem:v19+s5+$0x0], $0xffff  }
0x15b: {  	v24 =	vld.idx.msk [tilespmem:v20+s5+$0x0], $0xffff;
	_ =	sdelay $0x2  }
0x15c: {  	v29 =	vld [tilespmem:s20+$0x1B940]  }
0x15d: {  	vm12 =	vge.f32 v62, $0.0e+00;
	v28 =	vsub.f32 v60, v18;
	v33 =	vld.idx.msk [tilespmem:v16+s5+$0x0], $0xffff  }
0x15e: {  	vm13 =	vge.f32 v32, $0.0e+00;
	v18 =	vsel vm12, v60, v18;
	v27 =	vld.idx.msk [tilespmem:v17+s5+$0x0], $0xffff;
	v34 =	vsub.f32 v63, v24  }
0x15f: {  	v18 =	vmul.f32 v18, v62;
	v35 =	vmul.f32 v28, v8;
	v22 =	vsel vm13, v63, v24  }
0x160: {  	v22 =	vmul.f32 v22, v32;
	v23 =	vmul.f32 v34, v8;
	_ =	sdelay $0x1  }
0x161: {  	v18 =	vadd.f32 v35, v18;
	v36 =	vadd.f32 v23, v22  }
0x162: {  	vm14 =	vge.f32 v29, $0.0e+00;
	v37 =	vsub.f32 v33, v27  }
0x163: {  	[tilespmem:v15+s13+$0x0] =	vst.idx.add.f32.msk $0xffff, v18;
	v38 =	vsel vm14, v33, v27;
	v15 =	vsub.f32 $0.0e+00, v36  }
0x164: {  	v23 =	vmul.f32 v38, v29;
	[tilespmem:v19+s13+$0x0] =	vst.idx.add.f32.msk $0xffff, v36;
	v22 =	vmul.f32 v37, v8  }
0x165: {  	[tilespmem:v20+s13+$0x0] =	vst.idx.add.f32.msk $0xffff, v15  }
0x166: {  	v15 =	vadd.f32 v22, v23;
	v19 =	vld [tilespmem:s18+$0x18750]  }
0x167: {  	v20 =	vld [tilespmem:s18+$0x1A050]  }
0x168: {  	v40 =	vld [tilespmem:s18+$0x1B950];
	v39 =	vsub.f32 $0.0e+00, v15  }
0x169: {  	[tilespmem:v16+s13+$0x0] =	vst.idx.add.f32.msk $0xffff, v15  }
0x16a: {  	[tilespmem:v17+s13+$0x0] =	vst.idx.add.f32.msk $0xffff, v39  }
0x16b: {  	v15 =	vsub.f32 $0.0e+00, v18;
	v16 =	vld [tilespmem:s20+$0x18750]  }
0x16c: {  	v17 =	vld [tilespmem:s20+$0x1A050]  }
0x16d: {  	[tilespmem:v14+s13+$0x0] =	vst.idx.add.f32.msk $0xffff, v15  }
0x16e: {  	v14 =	vld [tilespmem:s17+$0x18760]  }
0x16f: {  	v15 =	vld.idx.msk [tilespmem:v19+s5+$0x0], $0xffff  }
0x170: {  	v18 =	vld.idx.msk [tilespmem:v20+s5+$0x0], $0xffff  }
0x171: {  	v41 =	vld [tilespmem:s17+$0x1A060]  }
0x172: {  	v44 =	vld [tilespmem:s20+$0x1B950]  }
0x173: {  	v42 =	vld.idx.msk [tilespmem:v16+s5+$0x0], $0xffff  }
0x174: {  	v43 =	vld.idx.msk [tilespmem:v17+s5+$0x0], $0xffff  }
0x175: {  	vm15 =	vge.f32 v40, $0.0e+00;
	v45 =	vsub.f32 v15, v18  }
0x176: {  	v15 =	vsel vm15, v15, v18  }
0x177: {  	v15 =	vmul.f32 v15, v40;
	v18 =	vmul.f32 v45, v8;
	_ =	sdelay $0x1  }
0x178: {  	vm4 =	vge.f32 v44, $0.0e+00;
	v15 =	vadd.f32 v18, v15;
	v18 =	vsub.f32 v42, v43  }
0x179: {  	v46 =	vld.idx.msk [tilespmem:v14+s5+$0x0], $0xffff;
	v23 =	vsel vm4, v42, v43  }
0x17a: {  	v47 =	vld.idx.msk [tilespmem:v41+s5+$0x0], $0xffff;
	v48 =	vsub.f32 $0.0e+00, v15;
	v23 =	vmul.f32 v23, v44;
	v18 =	vmul.f32 v18, v8  }
0x17b: {  	[tilespmem:v19+s13+$0x0] =	vst.idx.add.f32.msk $0xffff, v15  }
0x17c: {  	[tilespmem:v20+s13+$0x0] =	vst.idx.add.f32.msk $0xffff, v48;
	v15 =	vadd.f32 v18, v23  }
0x17d: {  	v18 =	vld [tilespmem:s18+$0x18760]  }
0x17e: {  	v19 =	vld [tilespmem:s18+$0x1A060];
	v49 =	vsub.f32 $0.0e+00, v15  }
0x17f: {  	[tilespmem:v16+s13+$0x0] =	vst.idx.add.f32.msk $0xffff, v15  }
0x180: {  	[tilespmem:v17+s13+$0x0] =	vst.idx.add.f32.msk $0xffff, v49  }
0x181: {  	v17 =	vld [tilespmem:s17+$0x1B960]  }
0x182: {  	v15 =	vld [tilespmem:s20+$0x18760]  }
0x183: {  	v16 =	vld [tilespmem:s20+$0x1A060];
	_ =	sdelay $0x1  }
0x184: {  	v52 =	vld [tilespmem:s18+$0x1B960]  }
0x185: {  	v50 =	vld.idx.msk [tilespmem:v18+s5+$0x0], $0xffff  }
0x186: {  	v53 =	vsub.f32 v46, v47;
	v51 =	vld.idx.msk [tilespmem:v19+s5+$0x0], $0xffff;
	vm5 =	vge.f32 v17, $0.0e+00  }
0x187: {  	v21 =	vsel vm5, v46, v47  }
0x188: {  	v55 =	vmul.f32 v53, v8;
	v57 =	vld [tilespmem:s20+$0x1B960];
	v17 =	vmul.f32 v21, v17  }
0x189: {  	v54 =	vld.idx.msk [tilespmem:v15+s5+$0x0], $0xffff  }
0x18a: {  	v56 =	vld.idx.msk [tilespmem:v16+s5+$0x0], $0xffff;
	v17 =	vadd.f32 v55, v17  }
0x18b: {  	vm6 =	vge.f32 v52, $0.0e+00;
	v58 =	vsub.f32 v50, v51  }
0x18c: {  	v20 =	vsel vm6, v50, v51;
	v59 =	vsub.f32 $0.0e+00, v17  }
0x18d: {  	v20 =	vmul.f32 v20, v52;
	v21 =	vmul.f32 v58, v8;
	[tilespmem:v14+s13+$0x0] =	vst.idx.add.f32.msk $0xffff, v17  }
0x18e: {  	[tilespmem:v41+s13+$0x0] =	vst.idx.add.f32.msk $0xffff, v59  }
0x18f: {  	vm7 =	vge.f32 v57, $0.0e+00;
	v14 =	vadd.f32 v21, v20;
	v17 =	vsub.f32 v54, v56;
	v60 =	vld [tilespmem:s17+$0x18770]  }
0x190: {  	v61 =	vsel vm7, v54, v56;
	v22 =	vld [tilespmem:s17+$0x1A070]  }
0x191: {  	v63 =	vld [tilespmem:s17+$0x1B970];
	v62 =	vsub.f32 $0.0e+00, v14;
	v21 =	vmul.f32 v61, v57;
	v17 =	vmul.f32 v17, v8  }
0x192: {  	[tilespmem:v18+s13+$0x0] =	vst.idx.add.f32.msk $0xffff, v14  }
0x193: {  	[tilespmem:v19+s13+$0x0] =	vst.idx.add.f32.msk $0xffff, v62;
	v14 =	vadd.f32 v17, v21  }
0x194: {  	v17 =	vld [tilespmem:s18+$0x18770]  }
0x195: {  	v18 =	vld [tilespmem:s18+$0x1A070];
	v19 =	vsub.f32 $0.0e+00, v14  }
0x196: {  	[tilespmem:v15+s13+$0x0] =	vst.idx.add.f32.msk $0xffff, v14  }
0x197: {  	[tilespmem:v16+s13+$0x0] =	vst.idx.add.f32.msk $0xffff, v19  }
0x198: {  	v14 =	vld [tilespmem:s20+$0x18770]  }
0x199: {  	v15 =	vld [tilespmem:s20+$0x1A070]  }
0x19a: {  	v33 =	vld [tilespmem:s18+$0x1B970]  }
0x19b: {  	v16 =	vld.idx.msk [tilespmem:v60+s5+$0x0], $0xffff  }
0x19c: {  	v19 =	vld.idx.msk [tilespmem:v22+s5+$0x0], $0xffff  }
0x19d: {  	v36 =	vld [tilespmem:s20+$0x1B970]  }
0x19e: {  	v23 =	vld.idx.msk [tilespmem:v17+s5+$0x0], $0xffff  }
0x19f: {  	v32 =	vld.idx.msk [tilespmem:v18+s5+$0x0], $0xffff  }
0x1a0: {  	v11 =	vmul.f32 v13, v11;
	v12 =	vmul.f32 v12, v8;
	v34 =	vld.idx.msk [tilespmem:v14+s5+$0x0], $0xffff  }
0x1a1: {  	vm8 =	vge.f32 v63, $0.0e+00;
	v35 =	vsub.f32 v16, v19;
	v13 =	vld.idx.msk [tilespmem:v15+s5+$0x0], $0xffff  }
0x1a2: {  	v11 =	vadd.f32 v12, v11;
	v12 =	vsel vm8, v16, v19  }
0x1a3: {  	v12 =	vmul.f32 v12, v63;
	v16 =	vmul.f32 v35, v8  }
0x1a4: {  	v38 =	vsub.f32 $0.0e+00, v11;
	vm9 =	vge.f32 v33, $0.0e+00;
	v19 =	vsub.f32 v23, v32  }
0x1a5: {  	[tilespmem:v9+s13+$0x0] =	vst.idx.add.f32.msk $0xffff, v11;
	vm10 =	vge.f32 v36, $0.0e+00;
	v37 =	vsel vm9, v23, v32;
	v12 =	vadd.f32 v16, v12  }
0x1a6: {  	v16 =	vmul.f32 v37, v33;
	v9 =	vmul.f32 v19, v8;
	v11 =	vsub.f32 v34, v13  }
0x1a7: {  	[tilespmem:v10+s13+$0x0] =	vst.idx.add.f32.msk $0xffff, v38;
	v10 =	vsub.f32 $0.0e+00, v12;
	v13 =	vsel vm10, v34, v13  }
0x1a8: {  	s24 =	sadd.s32 $0x2, s22;
	v9 =	vadd.f32 v9, v16;
	v13 =	vmul.f32 v13, v36;
	v11 =	vmul.f32 v11, v8  }
0x1a9: {  	s17 =	smul.u32 $0x19, s24;
	[tilespmem:v60+s13+$0x0] =	vst.idx.add.f32.msk $0xffff, v12  }
0x1aa: {  	s20 =	smul.u32 $0xC80, s24;
	[tilespmem:v22+s13+$0x0] =	vst.idx.add.f32.msk $0xffff, v10;
	v10 =	vsub.f32 $0.0e+00, v9;
	v11 =	vadd.f32 v11, v13  }
0x1ab: {  	[tilespmem:v17+s13+$0x0] =	vst.idx.add.f32.msk $0xffff, v9  }
0x1ac: {  	s17 =	sadd.s32 s21, s17;
	s18 =	sadd.s32 s6, s20;
	[tilespmem:v18+s13+$0x0] =	vst.idx.add.f32.msk $0xffff, v10;
	v9 =	vsub.f32 $0.0e+00, v11  }
0x1ad: {  	s17 =	sshll.u32 s17, $0xA;
	s18 =	sshrl.u32 s18, $0x3;
	[tilespmem:v14+s13+$0x0] =	vst.idx.add.f32.msk $0xffff, v11  }
0x1ae: {  	s23 =	simm.s32 $0x0;
	s17 =	sor.u32 s19, s17;
	s22 =	sadd.s32 s2, s18;
	[tilespmem:v15+s13+$0x0] =	vst.idx.add.f32.msk $0xffff, v9  }
0x1af: {  	[tilespmem:s29], [sflag:$0x1] =	stream.linear.gather [hbm4b:s22+s23], $0xC80, $0x38;
	[tilespmem:$0x1EA80] =	vst v63  }
0x1b0: {  	s17 =	sshrl.u32 s17, $0x3;
	s18 =	sadd.s32 s3, s18  }
0x1b1: {  	[tilespmem:s30], [sflag:$0x1] =	stream.linear.gather [hbm4b:s18+s23], $0xC80, $0x38;
	[tilespmem:$0x1EA80] =	vst v63  }
0x1b2: {  	s17 =	sadd.s32 s1, s17  }
0x1b3: {  	[tilespmem:s4], [sflag:$0x1] =	stream.strided.gather [hbm4b:s17+s31], $0xC80, s0, s31, $0x38;
	[tilespmem:$0x1EA80] =	vst v63  }
0x1b4: {  	_ =	swait.ge [sflag:s14], $0xC80  }
0x1b5: {  	[sflag:s14] =	ssyncset.done $0x0  }
0x1b6: {  	[sflag:s14] =	ssyncadd.s32 $0xFFFFF380  }
0x1b7: {  	_ =	swait.ge [sflag:s14], $0xC80  }
0x1b8: {  	[sflag:s14] =	ssyncset.done $0x0  }
0x1b9: {  	[sflag:s14] =	ssyncadd.s32 $0xFFFFF380  }
0x1ba: {  	_ =	swait.ge [sflag:s14], $0xC80  }
0x1bb: {  	[sflag:s14] =	ssyncset.done $0x0  }
0x1bc: {  	s24 =	simm.s32 $0x0;
	[sflag:s14] =	ssyncadd.s32 $0xFFFFF380  }
0x1bd: {  	v9 =	vld [tilespmem:s24+$0x19380]  }
0x1be: {  	v10 =	vld [tilespmem:s24+$0x1AC80];
	_ =	sdelay $0x5  }
0x1bf: {  	v11 =	vld [tilespmem:s24+$0x1C580]  }
0x1c0: {  	v12 =	vld.idx.msk [tilespmem:v9+s5+$0x0], $0xffff  }
0x1c1: {  	v13 =	vld.idx.msk [tilespmem:v10+s5+$0x0], $0xffff;
	_ =	sdelay $0x4  }
0x1c2: {  	vm11 =	vge.f32 v11, $0.0e+00;
	v14 =	vsub.f32 v12, v13  }
0x1c3: {  	v12 =	vsel vm11, v12, v13  }
0x1c4: {  	v11 =	vmul.f32 v12, v11;
	v12 =	vmul.f32 v14, v8;
	_ =	sdelay $0x1  }
0x1c5: {  	v11 =	vadd.f32 v12, v11;
	_ =	sdelay $0x1  }
0x1c6: {  	v12 =	vsub.f32 $0.0e+00, v11  }
0x1c7: {  	[tilespmem:v9+s13+$0x0] =	vst.idx.add.f32.msk $0xffff, v11  }
0x1c8: {  	[tilespmem:v10+s13+$0x0] =	vst.idx.add.f32.msk $0xffff, v12  }
0x1c9: {  	v9 =	vld [tilespmem:s24+$0x19390]  }
0x1ca: {  	v10 =	vld [tilespmem:s24+$0x1AC90];
	_ =	sdelay $0x5  }
0x1cb: {  	v11 =	vld [tilespmem:s24+$0x1C590]  }
0x1cc: {  	v12 =	vld.idx.msk [tilespmem:v9+s5+$0x0], $0xffff  }
0x1cd: {  	v13 =	vld.idx.msk [tilespmem:v10+s5+$0x0], $0xffff;
	_ =	sdelay $0x4  }
0x1ce: {  	vm12 =	vge.f32 v11, $0.0e+00;
	v14 =	vsub.f32 v12, v13  }
0x1cf: {  	v12 =	vsel vm12, v12, v13  }
0x1d0: {  	v11 =	vmul.f32 v12, v11;
	v12 =	vmul.f32 v14, v8;
	_ =	sdelay $0x1  }
0x1d1: {  	v11 =	vadd.f32 v12, v11;
	_ =	sdelay $0x1  }
0x1d2: {  	v12 =	vsub.f32 $0.0e+00, v11  }
0x1d3: {  	[tilespmem:v9+s13+$0x0] =	vst.idx.add.f32.msk $0xffff, v11  }
0x1d4: {  	[tilespmem:v10+s13+$0x0] =	vst.idx.add.f32.msk $0xffff, v12  }
0x1d5: {  	v9 =	vld [tilespmem:s24+$0x193A0]  }
0x1d6: {  	v10 =	vld [tilespmem:s24+$0x1ACA0];
	_ =	sdelay $0x2  }
0x1d7: {  	s17 =	simm.s32 $0x80  }
0x1d8: {  	v11 =	vld [tilespmem:s17+$0x19380]  }
0x1d9: {  	v12 =	vld [tilespmem:s17+$0x1AC80]  }
0x1da: {  	v15 =	vld [tilespmem:s24+$0x1C5A0]  }
0x1db: {  	v13 =	vld.idx.msk [tilespmem:v9+s5+$0x0], $0xffff  }
0x1dc: {  	v14 =	vld.idx.msk [tilespmem:v10+s5+$0x0], $0xffff;
	_ =	sdelay $0x2  }
0x1dd: {  	v16 =	vld [tilespmem:s17+$0x1C580]  }
0x1de: {  	v17 =	vld.idx.msk [tilespmem:v11+s5+$0x0], $0xffff  }
0x1df: {  	vm13 =	vge.f32 v15, $0.0e+00;
	v19 =	vld.idx.msk [tilespmem:v12+s5+$0x0], $0xffff;
	v18 =	vsub.f32 v13, v14  }
0x1e0: {  	v13 =	vsel vm13, v13, v14  }
0x1e1: {  	v13 =	vmul.f32 v13, v15;
	v14 =	vmul.f32 v18, v8;
	_ =	sdelay $0x1  }
0x1e2: {  	v13 =	vadd.f32 v14, v13  }
0x1e3: {  	vm14 =	vge.f32 v16, $0.0e+00;
	v14 =	vsub.f32 v17, v19  }
0x1e4: {  	v17 =	vsel vm14, v17, v19;
	v15 =	vsub.f32 $0.0e+00, v13  }
0x1e5: {  	[tilespmem:v9+s13+$0x0] =	vst.idx.add.f32.msk $0xffff, v13;
	v9 =	vmul.f32 v17, v16;
	v13 =	vmul.f32 v14, v8  }
0x1e6: {  	[tilespmem:v10+s13+$0x0] =	vst.idx.add.f32.msk $0xffff, v15  }
0x1e7: {  	v9 =	vadd.f32 v13, v9;
	v10 =	vld [tilespmem:s24+$0x193B0]  }
0x1e8: {  	v13 =	vld [tilespmem:s24+$0x1ACB0]  }
0x1e9: {  	v14 =	vsub.f32 $0.0e+00, v9  }
0x1ea: {  	[tilespmem:v11+s13+$0x0] =	vst.idx.add.f32.msk $0xffff, v9  }
0x1eb: {  	[tilespmem:v12+s13+$0x0] =	vst.idx.add.f32.msk $0xffff, v14  }
0x1ec: {  	v9 =	vld [tilespmem:s17+$0x19390]  }
0x1ed: {  	v11 =	vld [tilespmem:s17+$0x1AC90]  }
0x1ee: {  	v15 =	vld [tilespmem:s24+$0x1C5B0]  }
0x1ef: {  	v12 =	vld.idx.msk [tilespmem:v10+s5+$0x0], $0xffff  }
0x1f0: {  	v14 =	vld.idx.msk [tilespmem:v13+s5+$0x0], $0xffff;
	_ =	sdelay $0x2  }
0x1f1: {  	v16 =	vld [tilespmem:s17+$0x1C590]  }
0x1f2: {  	v17 =	vld.idx.msk [tilespmem:v9+s5+$0x0], $0xffff  }
0x1f3: {  	vm15 =	vge.f32 v15, $0.0e+00;
	v19 =	vld.idx.msk [tilespmem:v11+s5+$0x0], $0xffff;
	v18 =	vsub.f32 v12, v14  }
0x1f4: {  	v12 =	vsel vm15, v12, v14  }
0x1f5: {  	v12 =	vmul.f32 v12, v15;
	v14 =	vmul.f32 v18, v8;
	_ =	sdelay $0x1  }
0x1f6: {  	v12 =	vadd.f32 v14, v12  }
0x1f7: {  	vm4 =	vge.f32 v16, $0.0e+00;
	v15 =	vsub.f32 v17, v19  }
0x1f8: {  	s18 =	simm.s32 $0x100;
	v14 =	vsub.f32 $0.0e+00, v12;
	[tilespmem:v10+s13+$0x0] =	vst.idx.add.f32.msk $0xffff, v12;
	v10 =	vsel vm4, v17, v19  }
0x1f9: {  	v12 =	vmul.f32 v15, v8;
	v15 =	vld [tilespmem:s18+$0x1AC80];
	v10 =	vmul.f32 v10, v16  }
0x1fa: {  	[tilespmem:v13+s13+$0x0] =	vst.idx.add.f32.msk $0xffff, v14  }
0x1fb: {  	v13 =	vld [tilespmem:s24+$0x193C0];
	v10 =	vadd.f32 v12, v10  }
0x1fc: {  	v14 =	vld [tilespmem:s24+$0x1ACC0]  }
0x1fd: {  	v12 =	vld [tilespmem:s18+$0x19380];
	v16 =	vsub.f32 $0.0e+00, v10  }
0x1fe: {  	[tilespmem:v9+s13+$0x0] =	vst.idx.add.f32.msk $0xffff, v10  }
0x1ff: {  	[tilespmem:v11+s13+$0x0] =	vst.idx.add.f32.msk $0xffff, v16  }
0x200: {  	v9 =	vld [tilespmem:s17+$0x193A0]  }
0x201: {  	v10 =	vld [tilespmem:s17+$0x1ACA0]  }
0x202: {  	v17 =	vld [tilespmem:s24+$0x1C5C0]  }
0x203: {  	v11 =	vld.idx.msk [tilespmem:v13+s5+$0x0], $0xffff  }
0x204: {  	v16 =	vld.idx.msk [tilespmem:v14+s5+$0x0], $0xffff  }
0x205: {  	v18 =	vld [tilespmem:s18+$0x1C580]  }
0x206: {  	v39 =	vld.idx.msk [tilespmem:v15+s5+$0x0], $0xffff  }
0x207: {  	v19 =	vld.idx.msk [tilespmem:v12+s5+$0x0], $0xffff  }
0x208: {  	v40 =	vld.idx.msk [tilespmem:v9+s5+$0x0], $0xffff  }
0x209: {  	vm5 =	vge.f32 v17, $0.0e+00;
	v41 =	vsub.f32 v11, v16;
	v42 =	vld.idx.msk [tilespmem:v10+s5+$0x0], $0xffff  }
0x20a: {  	v11 =	vsel vm5, v11, v16;
	v16 =	vld [tilespmem:s17+$0x1C5A0]  }
0x20b: {  	v11 =	vmul.f32 v11, v17;
	v17 =	vmul.f32 v41, v8  }
0x20c: {  	vm6 =	vge.f32 v18, $0.0e+00  }
0x20d: {  	v43 =	vsel vm6, v19, v39;
	v11 =	vadd.f32 v17, v11  }
0x20e: {  	v18 =	vmul.f32 v43, v18;
	v17 =	vsub.f32 v19, v39  }
0x20f: {  	vm7 =	vge.f32 v16, $0.0e+00;
	v44 =	vsub.f32 v40, v42;
	v19 =	vsub.f32 $0.0e+00, v11  }
0x210: {  	v17 =	vmul.f32 v17, v8;
	[tilespmem:v13+s13+$0x0] =	vst.idx.add.f32.msk $0xffff, v11;
	v11 =	vsel vm7, v40, v42  }
0x211: {  	v11 =	vmul.f32 v11, v16;
	v13 =	vmul.f32 v44, v8;
	[tilespmem:v14+s13+$0x0] =	vst.idx.add.f32.msk $0xffff, v19  }
0x212: {  	v14 =	vld [tilespmem:s24+$0x193D0]  }
0x213: {  	v16 =	vadd.f32 v17, v18;
	v11 =	vadd.f32 v13, v11;
	v13 =	vld [tilespmem:s24+$0x1ACD0]  }
0x214: {  	v17 =	vld [tilespmem:s24+$0x1C5D0]  }
0x215: {  	[tilespmem:v12+s13+$0x0] =	vst.idx.add.f32.msk $0xffff, v16;
	v12 =	vsub.f32 $0.0e+00, v11  }
0x216: {  	[tilespmem:v9+s13+$0x0] =	vst.idx.add.f32.msk $0xffff, v11  }
0x217: {  	[tilespmem:v10+s13+$0x0] =	vst.idx.add.f32.msk $0xffff, v12  }
0x218: {  	v12 =	vsub.f32 $0.0e+00, v16;
	v9 =	vld [tilespmem:s17+$0x193B0]  }
0x219: {  	v10 =	vld [tilespmem:s17+$0x1ACB0]  }
0x21a: {  	[tilespmem:v15+s13+$0x0] =	vst.idx.add.f32.msk $0xffff, v12  }
0x21b: {  	v11 =	vld.idx.msk [tilespmem:v14+s5+$0x0], $0xffff  }
0x21c: {  	v16 =	vld.idx.msk [tilespmem:v13+s5+$0x0], $0xffff  }
0x21d: {  	v15 =	vld [tilespmem:s18+$0x1AC90]  }
0x21e: {  	s20 =	simm.s32 $0x180;
	v12 =	vld [tilespmem:s18+$0x19390]  }
0x21f: {  	v47 =	vld [tilespmem:s20+$0x19380]  }
0x220: {  	v46 =	vld [tilespmem:s17+$0x1C5B0]  }
0x221: {  	vm8 =	vge.f32 v17, $0.0e+00;
	v18 =	vld.idx.msk [tilespmem:v9+s5+$0x0], $0xffff;
	v45 =	vsub.f32 v11, v16  }
0x222: {  	v19 =	vld.idx.msk [tilespmem:v10+s5+$0x0], $0xffff;
	v11 =	vsel vm8, v11, v16  }
0x223: {  	v48 =	vld [tilespmem:s18+$0x1C590];
	v11 =	vmul.f32 v11, v17;
	v17 =	vmul.f32 v45, v8  }
0x224: {  	v16 =	vld [tilespmem:s20+$0x1C580]  }
0x225: {  	v49 =	vld.idx.msk [tilespmem:v15+s5+$0x0], $0xffff;
	v11 =	vadd.f32 v17, v11  }
0x226: {  	vm9 =	vge.f32 v46, $0.0e+00;
	v17 =	vld.idx.msk [tilespmem:v12+s5+$0x0], $0xffff  }
0x227: {  	v50 =	vsub.f32 v18, v19;
	v18 =	vsel vm9, v18, v19;
	v19 =	vld.idx.msk [tilespmem:v47+s5+$0x0], $0xffff;
	v51 =	vsub.f32 $0.0e+00, v11  }
0x228: {  	[tilespmem:v14+s13+$0x0] =	vst.idx.add.f32.msk $0xffff, v11  }
0x229: {  	v11 =	vmul.f32 v18, v46;
	v14 =	vmul.f32 v50, v8;
	[tilespmem:v13+s13+$0x0] =	vst.idx.add.f32.msk $0xffff, v51  }
0x22a: {  	v13 =	vld [tilespmem:s24+$0x193E0]  }
0x22b: {  	v11 =	vadd.f32 v14, v11;
	v14 =	vld [tilespmem:s24+$0x1ACE0]  }
0x22c: {  	v18 =	vld [tilespmem:s20+$0x1AC80]  }
0x22d: {  	vm10 =	vge.f32 v48, $0.0e+00;
	v53 =	vsub.f32 v17, v49;
	v56 =	vld [tilespmem:s24+$0x1C5E0];
	v52 =	vsub.f32 $0.0e+00, v11  }
0x22e: {  	[tilespmem:v9+s13+$0x0] =	vst.idx.add.f32.msk $0xffff, v11;
	v9 =	vsel vm10, v17, v49  }
0x22f: {  	v9 =	vmul.f32 v9, v48;
	[tilespmem:v10+s13+$0x0] =	vst.idx.add.f32.msk $0xffff, v52;
	v10 =	vmul.f32 v53, v8  }
0x230: {  	v11 =	vld [tilespmem:s17+$0x193C0]  }
0x231: {  	v17 =	vld [tilespmem:s17+$0x1ACC0];
	v9 =	vadd.f32 v10, v9  }
0x232: {  	v10 =	vld.idx.msk [tilespmem:v13+s5+$0x0], $0xffff  }
0x233: {  	v54 =	vld.idx.msk [tilespmem:v14+s5+$0x0], $0xffff;
	v55 =	vsub.f32 $0.0e+00, v9  }
0x234: {  	[tilespmem:v12+s13+$0x0] =	vst.idx.add.f32.msk $0xffff, v9  }
0x235: {  	[tilespmem:v15+s13+$0x0] =	vst.idx.add.f32.msk $0xffff, v55  }
0x236: {  	v12 =	vld [tilespmem:s18+$0x193A0]  }
0x237: {  	v59 =	vld [tilespmem:s17+$0x1C5C0]  }
0x238: {  	v22 =	vld [tilespmem:s18+$0x1ACA0]  }
0x239: {  	vm11 =	vge.f32 v56, $0.0e+00;
	v9 =	vld.idx.msk [tilespmem:v18+s5+$0x0], $0xffff;
	v15 =	vsub.f32 v10, v54  }
0x23a: {  	v57 =	vld.idx.msk [tilespmem:v11+s5+$0x0], $0xffff;
	v10 =	vsel vm11, v10, v54  }
0x23b: {  	v58 =	vld.idx.msk [tilespmem:v17+s5+$0x0], $0xffff;
	v10 =	vmul.f32 v10, v56;
	v15 =	vmul.f32 v15, v8;
	_ =	sdelay $0x1  }
0x23c: {  	v10 =	vadd.f32 v15, v10  }
0x23d: {  	vm12 =	vge.f32 v16, $0.0e+00;
	vm13 =	vge.f32 v59, $0.0e+00;
	v15 =	vld.idx.msk [tilespmem:v12+s5+$0x0], $0xffff  }
0x23e: {  	v61 =	vsub.f32 v19, v9;
	v9 =	vsel vm12, v19, v9;
	v60 =	vsub.f32 $0.0e+00, v10;
	[tilespmem:v13+s13+$0x0] =	vst.idx.add.f32.msk $0xffff, v10  }
0x23f: {  	v10 =	vsub.f32 v57, v58;
	v13 =	vmul.f32 v9, v16;
	v16 =	vsel vm13, v57, v58;
	v62 =	vld.idx.msk [tilespmem:v22+s5+$0x0], $0xffff  }
0x240: {  	v16 =	vmul.f32 v16, v59;
	[tilespmem:v14+s13+$0x0] =	vst.idx.add.f32.msk $0xffff, v60  }
0x241: {  	v14 =	vmul.f32 v61, v8;
	v19 =	vmul.f32 v10, v8;
	v9 =	vld [tilespmem:s24+$0x193F0]  }
0x242: {  	v10 =	vld [tilespmem:s24+$0x1ACF0]  }
0x243: {  	v13 =	vadd.f32 v14, v13;
	v14 =	vld [tilespmem:s18+$0x1C5A0];
	v16 =	vadd.f32 v19, v16;
	_ =	sdelay $0x1  }
0x244: {  	[tilespmem:v47+s13+$0x0] =	vst.idx.add.f32.msk $0xffff, v13;
	v19 =	vsub.f32 $0.0e+00, v16  }
0x245: {  	[tilespmem:v11+s13+$0x0] =	vst.idx.add.f32.msk $0xffff, v16;
	v11 =	vsub.f32 v15, v62  }
0x246: {  	[tilespmem:v17+s13+$0x0] =	vst.idx.add.f32.msk $0xffff, v19  }
0x247: {  	v16 =	vmul.f32 v11, v8;
	v11 =	vld [tilespmem:s24+$0x1C5F0];
	vm14 =	vge.f32 v14, $0.0e+00  }
0x248: {  	v15 =	vsel vm14, v15, v62;
	v17 =	vld.idx.msk [tilespmem:v9+s5+$0x0], $0xffff  }
0x249: {  	v19 =	vld.idx.msk [tilespmem:v10+s5+$0x0], $0xffff;
	v14 =	vmul.f32 v15, v14  }
0x24a: {  	v13 =	vsub.f32 $0.0e+00, v13;
	v15 =	vld [tilespmem:s17+$0x193D0]  }
0x24b: {  	v63 =	vadd.f32 v16, v14;
	v14 =	vld [tilespmem:s17+$0x1ACD0]  }
0x24c: {  	[tilespmem:v18+s13+$0x0] =	vst.idx.add.f32.msk $0xffff, v13  }
0x24d: {  	v16 =	vld [tilespmem:s20+$0x19390];
	v13 =	vsub.f32 $0.0e+00, v63  }
0x24e: {  	vm15 =	vge.f32 v11, $0.0e+00;
	[tilespmem:v12+s13+$0x0] =	vst.idx.add.f32.msk $0xffff, v63;
	v12 =	vsub.f32 v17, v19  }
0x24f: {  	s22 =	simm.s32 $0x800;
	[tilespmem:v22+s13+$0x0] =	vst.idx.add.f32.msk $0xffff, v13;
	v13 =	vsel vm15, v17, v19  }
.LBB2_7:
0x250: {  	p4 =	sne.s32 s22, $0x3000;
	v17 =	vld [tilespmem:s18+$0x193B0];
	v11 =	vmul.f32 v13, v11;
	v12 =	vmul.f32 v12, v8  }
0x251: {  	v13 =	vld [tilespmem:s18+$0x1ACB0]  }
0x252: {  	v18 =	vld.idx.msk [tilespmem:v15+s5+$0x0], $0xffff;
	v11 =	vadd.f32 v12, v11  }
0x253: {  	v12 =	vld.idx.msk [tilespmem:v14+s5+$0x0], $0xffff  }
0x254: {  	v19 =	vld [tilespmem:s17+$0x1C5D0];
	v20 =	vsub.f32 $0.0e+00, v11  }
0x255: {  	[tilespmem:v9+s13+$0x0] =	vst.idx.add.f32.msk $0xffff, v11  }
0x256: {  	[tilespmem:v10+s13+$0x0] =	vst.idx.add.f32.msk $0xffff, v20  }
0x257: {  	v9 =	vld [tilespmem:s20+$0x1AC90]  }
0x258: {  	v10 =	vld.idx.msk [tilespmem:v17+s5+$0x0], $0xffff  }
0x259: {  	v20 =	vsub.f32 v18, v12;
	v11 =	vld.idx.msk [tilespmem:v13+s5+$0x0], $0xffff;
	vm0 =	vge.f32 v19, $0.0e+00  }
0x25a: {  	s23 =	sshra.s32 s22, $0x2;
	v21 =	vld [tilespmem:s18+$0x1C5B0];
	v12 =	vsel vm0, v18, v12  }
0x25b: {  	v18 =	vld [tilespmem:s23+$0x1C580];
	v12 =	vmul.f32 v12, v19;
	v19 =	vmul.f32 v20, v8  }
0x25c: {  	v20 =	vld [tilespmem:s23+$0x19380]  }
0x25d: {  	v22 =	vld [tilespmem:s20+$0x1C590];
	v12 =	vadd.f32 v19, v12  }
0x25e: {  	v19 =	vld.idx.msk [tilespmem:v16+s5+$0x0], $0xffff  }
0x25f: {  	v24 =	vsub.f32 v10, v11;
	v23 =	vld.idx.msk [tilespmem:v9+s5+$0x0], $0xffff;
	vm0 =	vge.f32 v21, $0.0e+00;
	v25 =	vsub.f32 $0.0e+00, v12  }
0x260: {  	v10 =	vsel vm0, v10, v11;
	[tilespmem:v15+s13+$0x0] =	vst.idx.add.f32.msk $0xffff, v12  }
0x261: {  	v11 =	vmul.f32 v24, v8;
	v10 =	vmul.f32 v10, v21;
	[tilespmem:v14+s13+$0x0] =	vst.idx.add.f32.msk $0xffff, v25  }
0x262: {  	v12 =	vld [tilespmem:s17+$0x193E0]  }
0x263: {  	v10 =	vadd.f32 v11, v10;
	v11 =	vld [tilespmem:s17+$0x1ACE0]  }
0x264: {  	v21 =	vld [tilespmem:s23+$0x1AC80]  }
0x265: {  	v14 =	vld.idx.msk [tilespmem:v20+s5+$0x0], $0xffff;
	v15 =	vsub.f32 $0.0e+00, v10  }
0x266: {  	vm0 =	vge.f32 v22, $0.0e+00;
	v24 =	vsub.f32 v19, v23;
	[tilespmem:v17+s13+$0x0] =	vst.idx.add.f32.msk $0xffff, v10  }
0x267: {  	v10 =	vsel vm0, v19, v23;
	[tilespmem:v13+s13+$0x0] =	vst.idx.add.f32.msk $0xffff, v15  }
0x268: {  	v10 =	vmul.f32 v10, v22;
	v13 =	vmul.f32 v24, v8;
	v15 =	vld [tilespmem:s18+$0x193C0]  }
0x269: {  	v17 =	vld [tilespmem:s18+$0x1ACC0]  }
0x26a: {  	v10 =	vadd.f32 v13, v10;
	v13 =	vld.idx.msk [tilespmem:v12+s5+$0x0], $0xffff  }
0x26b: {  	v19 =	vld.idx.msk [tilespmem:v11+s5+$0x0], $0xffff  }
0x26c: {  	v22 =	vsub.f32 $0.0e+00, v10;
	v23 =	vld [tilespmem:s17+$0x1C5E0]  }
0x26d: {  	[tilespmem:v16+s13+$0x0] =	vst.idx.add.f32.msk $0xffff, v10  }
0x26e: {  	[tilespmem:v9+s13+$0x0] =	vst.idx.add.f32.msk $0xffff, v22  }
0x26f: {  	v22 =	vld [tilespmem:s20+$0x193A0]  }
0x270: {  	v9 =	vld.idx.msk [tilespmem:v21+s5+$0x0], $0xffff  }
0x271: {  	v10 =	vsub.f32 v13, v19;
	v24 =	vld [tilespmem:s20+$0x1ACA0];
	vm0 =	vge.f32 v23, $0.0e+00  }
0x272: {  	v16 =	vld.idx.msk [tilespmem:v15+s5+$0x0], $0xffff;
	v13 =	vsel vm0, v13, v19  }
0x273: {  	v10 =	vmul.f32 v10, v8;
	v19 =	vld.idx.msk [tilespmem:v17+s5+$0x0], $0xffff;
	v13 =	vmul.f32 v13, v23  }
0x274: {  	v23 =	vld [tilespmem:s18+$0x1C5C0]  }
0x275: {  	v10 =	vadd.f32 v10, v13;
	_ =	sdelay $0x1  }
0x276: {  	v13 =	vld.idx.msk [tilespmem:v22+s5+$0x0], $0xffff;
	v25 =	vsub.f32 $0.0e+00, v10  }
0x277: {  	vm0 =	vge.f32 v18, $0.0e+00;
	v26 =	vsub.f32 v14, v9;
	[tilespmem:v12+s13+$0x0] =	vst.idx.add.f32.msk $0xffff, v10  }
0x278: {  	v9 =	vsel vm0, v14, v9;
	v10 =	vsub.f32 v16, v19;
	vm0 =	vge.f32 v23, $0.0e+00;
	[tilespmem:v11+s13+$0x0] =	vst.idx.add.f32.msk $0xffff, v25  }
0x279: {  	v12 =	vmul.f32 v26, v8;
	v11 =	vmul.f32 v9, v18;
	v14 =	vsel vm0, v16, v19;
	v9 =	vld [tilespmem:s17+$0x193F0]  }
0x27a: {  	v16 =	vmul.f32 v10, v8;
	v14 =	vmul.f32 v14, v23;
	v10 =	vld [tilespmem:s17+$0x1ACF0]  }
0x27b: {  	v18 =	vld.idx.msk [tilespmem:v24+s5+$0x0], $0xffff  }
0x27c: {  	v12 =	vadd.f32 v12, v11;
	v11 =	vld [tilespmem:s20+$0x1C5A0];
	v14 =	vadd.f32 v16, v14;
	_ =	sdelay $0x1  }
0x27d: {  	[tilespmem:v20+s13+$0x0] =	vst.idx.add.f32.msk $0xffff, v12;
	v16 =	vsub.f32 $0.0e+00, v14  }
0x27e: {  	[tilespmem:v15+s13+$0x0] =	vst.idx.add.f32.msk $0xffff, v14  }
0x27f: {  	[tilespmem:v17+s13+$0x0] =	vst.idx.add.f32.msk $0xffff, v16  }
0x280: {  	v14 =	vsub.f32 v13, v18;
	vm0 =	vge.f32 v11, $0.0e+00;
	v17 =	vld.idx.msk [tilespmem:v9+s5+$0x0], $0xffff  }
0x281: {  	v13 =	vsel vm0, v13, v18;
	v18 =	vld.idx.msk [tilespmem:v10+s5+$0x0], $0xffff  }
0x282: {  	v14 =	vmul.f32 v14, v8;
	v13 =	vmul.f32 v13, v11;
	v11 =	vld [tilespmem:s17+$0x1C5F0];
	s17 =	smov.u32 s18;
	s18 =	smov.u32 s20;
	s20 =	smov.u32 s23  }
0x283: {  	v12 =	vsub.f32 $0.0e+00, v12;
	v15 =	vld [tilespmem:s17+$0x193D0]  }
.Ltmp2:
0x284: {  	v13 =	vadd.f32 v14, v13;
	v14 =	vld [tilespmem:s17+$0x1ACD0];
	(pc) =	sbr.rel @p4 .LBB2_7-.Ltmp2, $4  }
0x285: {  	[tilespmem:v21+s13+$0x0] =	vst.idx.add.f32.msk $0xffff, v12  }
0x286: {  	v16 =	vld [tilespmem:s20+$0x19390];
	v19 =	vsub.f32 $0.0e+00, v13  }
0x287: {  	v12 =	vsub.f32 v17, v18;
	[tilespmem:v22+s13+$0x0] =	vst.idx.add.f32.msk $0xffff, v13;
	vm0 =	vge.f32 v11, $0.0e+00  }
0x288: {  	s22 =	sadd.s32 $0x200, s22;
	[tilespmem:v24+s13+$0x0] =	vst.idx.add.f32.msk $0xffff, v19;
	v13 =	vsel vm0, v17, v18  }
0x289: {  	v17 =	vld [tilespmem:s20+$0x1AC90];
	_ =	sdelay $0x5  }
0x28a: {  	v18 =	vld [tilespmem:s20+$0x1C590]  }
0x28b: {  	v19 =	vld.idx.msk [tilespmem:v16+s5+$0x0], $0xffff  }
0x28c: {  	v20 =	vld.idx.msk [tilespmem:v17+s5+$0x0], $0xffff;
	_ =	sdelay $0x4  }
0x28d: {  	vm0 =	vge.f32 v18, $0.0e+00;
	v21 =	vsub.f32 v19, v20  }
0x28e: {  	v19 =	vsel vm0, v19, v20  }
0x28f: {  	v18 =	vmul.f32 v19, v18;
	v56 =	vmul.f32 v21, v8;
	_ =	sdelay $0x1  }
0x290: {  	v18 =	vadd.f32 v56, v18;
	_ =	sdelay $0x1  }
0x291: {  	v19 =	vsub.f32 $0.0e+00, v18  }
0x292: {  	[tilespmem:v16+s13+$0x0] =	vst.idx.add.f32.msk $0xffff, v18  }
0x293: {  	[tilespmem:v17+s13+$0x0] =	vst.idx.add.f32.msk $0xffff, v19  }
0x294: {  	v16 =	vld [tilespmem:s20+$0x193A0]  }
0x295: {  	v17 =	vld [tilespmem:s20+$0x1ACA0];
	_ =	sdelay $0x3  }
0x296: {  	v60 =	vld [tilespmem:s18+$0x193B0]  }
0x297: {  	v61 =	vld [tilespmem:s18+$0x1ACB0]  }
0x298: {  	v57 =	vld [tilespmem:s20+$0x1C5A0]  }
0x299: {  	v18 =	vld.idx.msk [tilespmem:v16+s5+$0x0], $0xffff  }
0x29a: {  	v19 =	vld.idx.msk [tilespmem:v17+s5+$0x0], $0xffff;
	_ =	sdelay $0x4  }
0x29b: {  	vm14 =	vge.f32 v57, $0.0e+00;
	v58 =	vsub.f32 v18, v19  }
0x29c: {  	v22 =	vld [tilespmem:s18+$0x1C5B0];
	v18 =	vsel vm14, v18, v19  }
0x29d: {  	v63 =	vld.idx.msk [tilespmem:v60+s5+$0x0], $0xffff;
	v18 =	vmul.f32 v18, v57;
	v59 =	vmul.f32 v58, v8  }
0x29e: {  	v28 =	vld.idx.msk [tilespmem:v61+s5+$0x0], $0xffff  }
0x29f: {  	v18 =	vadd.f32 v59, v18;
	_ =	sdelay $0x1  }
0x2a0: {  	v62 =	vsub.f32 $0.0e+00, v18  }
0x2a1: {  	[tilespmem:v16+s13+$0x0] =	vst.idx.add.f32.msk $0xffff, v18  }
0x2a2: {  	vm15 =	vge.f32 v22, $0.0e+00;
	v26 =	vsub.f32 v63, v28;
	[tilespmem:v17+s13+$0x0] =	vst.idx.add.f32.msk $0xffff, v62  }
0x2a3: {  	v18 =	vsel vm15, v63, v28;
	v16 =	vld [tilespmem:s20+$0x193B0]  }
0x2a4: {  	v29 =	vmul.f32 v26, v8;
	v18 =	vmul.f32 v18, v22;
	v17 =	vld [tilespmem:s20+$0x1ACB0];
	_ =	sdelay $0x1  }
0x2a5: {  	v18 =	vadd.f32 v29, v18;
	_ =	sdelay $0x1  }
0x2a6: {  	v25 =	vld [tilespmem:s20+$0x1C5B0];
	v33 =	vsub.f32 $0.0e+00, v18  }
0x2a7: {  	[tilespmem:v60+s13+$0x0] =	vst.idx.add.f32.msk $0xffff, v18  }
0x2a8: {  	[tilespmem:v61+s13+$0x0] =	vst.idx.add.f32.msk $0xffff, v33  }
0x2a9: {  	v23 =	vld.idx.msk [tilespmem:v16+s5+$0x0], $0xffff  }
0x2aa: {  	v24 =	vld.idx.msk [tilespmem:v17+s5+$0x0], $0xffff  }
0x2ab: {  	v19 =	vld [tilespmem:s18+$0x193C0]  }
0x2ac: {  	v20 =	vld [tilespmem:s18+$0x1ACC0];
	_ =	sdelay $0x2  }
0x2ad: {  	vm4 =	vge.f32 v25, $0.0e+00;
	v30 =	vsub.f32 v23, v24  }
0x2ae: {  	v31 =	vsel vm4, v23, v24  }
0x2af: {  	v22 =	vmul.f32 v31, v25;
	v21 =	vmul.f32 v30, v8  }
0x2b0: {  	v38 =	vld [tilespmem:s18+$0x1C5C0]  }
0x2b1: {  	v37 =	vld.idx.msk [tilespmem:v19+s5+$0x0], $0xffff;
	v34 =	vadd.f32 v21, v22  }
0x2b2: {  	v24 =	vld.idx.msk [tilespmem:v20+s5+$0x0], $0xffff  }
0x2b3: {  	v21 =	vsub.f32 $0.0e+00, v34  }
0x2b4: {  	[tilespmem:v16+s13+$0x0] =	vst.idx.add.f32.msk $0xffff, v34  }
0x2b5: {  	[tilespmem:v17+s13+$0x0] =	vst.idx.add.f32.msk $0xffff, v21  }
0x2b6: {  	v16 =	vld [tilespmem:s20+$0x193C0]  }
0x2b7: {  	vm6 =	vge.f32 v38, $0.0e+00;
	v40 =	vsub.f32 v37, v24;
	v17 =	vld [tilespmem:s20+$0x1ACC0]  }
0x2b8: {  	v22 =	vsel vm6, v37, v24  }
0x2b9: {  	v22 =	vmul.f32 v22, v38;
	v23 =	vmul.f32 v40, v8;
	_ =	sdelay $0x1  }
0x2ba: {  	v32 =	vld.idx.msk [tilespmem:v15+s5+$0x0], $0xffff;
	v42 =	vadd.f32 v23, v22  }
0x2bb: {  	v29 =	vld [tilespmem:s20+$0x1C5C0]  }
0x2bc: {  	[tilespmem:v19+s13+$0x0] =	vst.idx.add.f32.msk $0xffff, v42  }
0x2bd: {  	v45 =	vsub.f32 $0.0e+00, v42;
	v39 =	vld.idx.msk [tilespmem:v16+s5+$0x0], $0xffff  }
0x2be: {  	v27 =	vld.idx.msk [tilespmem:v17+s5+$0x0], $0xffff  }
0x2bf: {  	[tilespmem:v20+s13+$0x0] =	vst.idx.add.f32.msk $0xffff, v45  }
0x2c0: {  	v19 =	vld [tilespmem:s18+$0x193D0]  }
0x2c1: {  	v20 =	vld [tilespmem:s18+$0x1ACD0]  }
0x2c2: {  	v35 =	vld.idx.msk [tilespmem:v14+s5+$0x0], $0xffff  }
0x2c3: {  	v36 =	vld [tilespmem:s17+$0x1C5D0];
	vm7 =	vge.f32 v29, $0.0e+00;
	v43 =	vsub.f32 v39, v27  }
0x2c4: {  	v44 =	vsel vm7, v39, v27  }
0x2c5: {  	v23 =	vmul.f32 v44, v29;
	v22 =	vmul.f32 v43, v8;
	_ =	sdelay $0x1  }
0x2c6: {  	v51 =	vld [tilespmem:s18+$0x1C5D0];
	v46 =	vadd.f32 v22, v23  }
0x2c7: {  	vm5 =	vge.f32 v36, $0.0e+00;
	v28 =	vsub.f32 v32, v35;
	v49 =	vld.idx.msk [tilespmem:v19+s5+$0x0], $0xffff  }
0x2c8: {  	v18 =	vsel vm5, v32, v35;
	v50 =	vld.idx.msk [tilespmem:v20+s5+$0x0], $0xffff;
	v47 =	vsub.f32 $0.0e+00, v46  }
0x2c9: {  	v41 =	vmul.f32 v28, v8;
	v18 =	vmul.f32 v18, v36;
	[tilespmem:v16+s13+$0x0] =	vst.idx.add.f32.msk $0xffff, v46  }
0x2ca: {  	[tilespmem:v17+s13+$0x0] =	vst.idx.add.f32.msk $0xffff, v47  }
0x2cb: {  	v18 =	vadd.f32 v41, v18;
	v16 =	vld [tilespmem:s20+$0x193D0]  }
0x2cc: {  	v17 =	vld [tilespmem:s20+$0x1ACD0]  }
0x2cd: {  	v48 =	vsub.f32 $0.0e+00, v18  }
0x2ce: {  	[tilespmem:v15+s13+$0x0] =	vst.idx.add.f32.msk $0xffff, v18;
	vm8 =	vge.f32 v51, $0.0e+00;
	v56 =	vsub.f32 v49, v50  }
0x2cf: {  	[tilespmem:v14+s13+$0x0] =	vst.idx.add.f32.msk $0xffff, v48;
	v15 =	vsel vm8, v49, v50  }
0x2d0: {  	v14 =	vld [tilespmem:s17+$0x193E0];
	v15 =	vmul.f32 v15, v51;
	v57 =	vmul.f32 v56, v8  }
0x2d1: {  	v52 =	vld [tilespmem:s17+$0x1ACE0]  }
0x2d2: {  	v55 =	vld [tilespmem:s20+$0x1C5D0];
	v15 =	vadd.f32 v57, v15  }
0x2d3: {  	v53 =	vld.idx.msk [tilespmem:v16+s5+$0x0], $0xffff  }
0x2d4: {  	v61 =	vsub.f32 $0.0e+00, v15;
	v54 =	vld.idx.msk [tilespmem:v17+s5+$0x0], $0xffff  }
0x2d5: {  	[tilespmem:v19+s13+$0x0] =	vst.idx.add.f32.msk $0xffff, v15  }
0x2d6: {  	[tilespmem:v20+s13+$0x0] =	vst.idx.add.f32.msk $0xffff, v61  }
0x2d7: {  	v63 =	vld [tilespmem:s18+$0x193E0];
	_ =	sdelay $0x1  }
0x2d8: {  	vm9 =	vge.f32 v55, $0.0e+00;
	v58 =	vsub.f32 v53, v54  }
0x2d9: {  	v30 =	vld [tilespmem:s17+$0x1C5E0];
	v23 =	vsel vm9, v53, v54  }
0x2da: {  	v59 =	vld.idx.msk [tilespmem:v14+s5+$0x0], $0xffff;
	v23 =	vmul.f32 v23, v55;
	v18 =	vmul.f32 v58, v8  }
0x2db: {  	v19 =	vld [tilespmem:s18+$0x1ACE0]  }
0x2dc: {  	v60 =	vld.idx.msk [tilespmem:v52+s5+$0x0], $0xffff;
	v62 =	vadd.f32 v18, v23  }
0x2dd: {  	v33 =	vld [tilespmem:s18+$0x1C5E0]  }
0x2de: {  	v31 =	vld.idx.msk [tilespmem:v63+s5+$0x0], $0xffff;
	v29 =	vsub.f32 $0.0e+00, v62  }
0x2df: {  	[tilespmem:v16+s13+$0x0] =	vst.idx.add.f32.msk $0xffff, v62  }
0x2e0: {  	[tilespmem:v17+s13+$0x0] =	vst.idx.add.f32.msk $0xffff, v29  }
0x2e1: {  	v15 =	vld [tilespmem:s20+$0x193E0]  }
0x2e2: {  	v16 =	vld [tilespmem:s20+$0x1ACE0]  }
0x2e3: {  	v32 =	vld.idx.msk [tilespmem:v19+s5+$0x0], $0xffff;
	_ =	sdelay $0x3  }
0x2e4: {  	vm10 =	vge.f32 v30, $0.0e+00;
	v34 =	vsub.f32 v59, v60  }
0x2e5: {  	v21 =	vsel vm10, v59, v60;
	vm11 =	vge.f32 v33, $0.0e+00;
	v39 =	vsub.f32 v31, v32;
	v38 =	vld [tilespmem:s20+$0x1C5E0]  }
0x2e6: {  	v36 =	vmul.f32 v34, v8;
	v20 =	vsel vm11, v31, v32;
	v17 =	vmul.f32 v21, v30;
	v35 =	vld.idx.msk [tilespmem:v15+s5+$0x0], $0xffff  }
0x2e7: {  	v20 =	vmul.f32 v20, v33;
	v21 =	vmul.f32 v39, v8;
	v37 =	vld.idx.msk [tilespmem:v16+s5+$0x0], $0xffff  }
0x2e8: {  	v17 =	vadd.f32 v36, v17  }
0x2e9: {  	v41 =	vadd.f32 v21, v20  }
0x2ea: {  	v40 =	vsub.f32 $0.0e+00, v17;
	[tilespmem:v14+s13+$0x0] =	vst.idx.add.f32.msk $0xffff, v17  }
0x2eb: {  	v45 =	vsub.f32 $0.0e+00, v41;
	[tilespmem:v63+s13+$0x0] =	vst.idx.add.f32.msk $0xffff, v41  }
0x2ec: {  	[tilespmem:v52+s13+$0x0] =	vst.idx.add.f32.msk $0xffff, v40;
	vm12 =	vge.f32 v38, $0.0e+00;
	v42 =	vsub.f32 v35, v37  }
0x2ed: {  	[tilespmem:v19+s13+$0x0] =	vst.idx.add.f32.msk $0xffff, v45;
	v44 =	vsel vm12, v35, v37  }
0x2ee: {  	v43 =	vld [tilespmem:s17+$0x193F0];
	v21 =	vmul.f32 v44, v38;
	v17 =	vmul.f32 v42, v8  }
0x2ef: {  	v22 =	vld [tilespmem:s17+$0x1ACF0]  }
0x2f0: {  	v47 =	vld [tilespmem:s18+$0x193F0];
	v46 =	vadd.f32 v17, v21  }
0x2f1: {  	v18 =	vld [tilespmem:s18+$0x1ACF0]  }
0x2f2: {  	v51 =	vld [tilespmem:s17+$0x1C5F0];
	v48 =	vsub.f32 $0.0e+00, v46  }
0x2f3: {  	[tilespmem:v15+s13+$0x0] =	vst.idx.add.f32.msk $0xffff, v46  }
0x2f4: {  	[tilespmem:v16+s13+$0x0] =	vst.idx.add.f32.msk $0xffff, v48  }
0x2f5: {  	v14 =	vld [tilespmem:s20+$0x193F0]  }
0x2f6: {  	v15 =	vld [tilespmem:s20+$0x1ACF0]  }
0x2f7: {  	v53 =	vld [tilespmem:s18+$0x1C5F0]  }
0x2f8: {  	v49 =	vld.idx.msk [tilespmem:v43+s5+$0x0], $0xffff  }
0x2f9: {  	v50 =	vld.idx.msk [tilespmem:v22+s5+$0x0], $0xffff  }
0x2fa: {  	v23 =	vld.idx.msk [tilespmem:v47+s5+$0x0], $0xffff  }
0x2fb: {  	v52 =	vld.idx.msk [tilespmem:v18+s5+$0x0], $0xffff  }
0x2fc: {  	v57 =	vld [tilespmem:s20+$0x1C5F0]  }
0x2fd: {  	v11 =	vmul.f32 v13, v11;
	v12 =	vmul.f32 v12, v8;
	v54 =	vld.idx.msk [tilespmem:v14+s5+$0x0], $0xffff  }
0x2fe: {  	v55 =	vld.idx.msk [tilespmem:v15+s5+$0x0], $0xffff  }
0x2ff: {  	v11 =	vadd.f32 v12, v11;
	vm13 =	vge.f32 v51, $0.0e+00;
	v56 =	vsub.f32 v49, v50  }
0x300: {  	vm14 =	vge.f32 v53, $0.0e+00;
	v58 =	vsel vm13, v49, v50;
	v60 =	vsub.f32 v23, v52  }
0x301: {  	v61 =	vsel vm14, v23, v52;
	v12 =	vmul.f32 v58, v51;
	v59 =	vmul.f32 v56, v8  }
0x302: {  	[tilespmem:v9+s13+$0x0] =	vst.idx.add.f32.msk $0xffff, v11;
	v63 =	vsub.f32 $0.0e+00, v11;
	v62 =	vmul.f32 v61, v53;
	v9 =	vmul.f32 v60, v8  }
0x303: {  	v12 =	vadd.f32 v59, v12;
	vm15 =	vge.f32 v57, $0.0e+00;
	v11 =	vsub.f32 v54, v55  }
0x304: {  	v9 =	vadd.f32 v9, v62;
	v13 =	vsel vm15, v54, v55  }
0x305: {  	s8 =	sadd.s32 $0x1, s8;
	[tilespmem:v10+s13+$0x0] =	vst.idx.add.f32.msk $0xffff, v63;
	v10 =	vsub.f32 $0.0e+00, v12;
	v13 =	vmul.f32 v13, v57;
	v11 =	vmul.f32 v11, v8  }
0x306: {  	p4 =	sne.s32 s8, $0x3E;
	[tilespmem:v43+s13+$0x0] =	vst.idx.add.f32.msk $0xffff, v12  }
.Ltmp3:
0x307: {  	[tilespmem:v22+s13+$0x0] =	vst.idx.add.f32.msk $0xffff, v10;
	v10 =	vsub.f32 $0.0e+00, v9;
	v11 =	vadd.f32 v11, v13;
	(pc) =	sbr.rel @p4 .LBB2_4-.Ltmp3, $4  }
0x308: {  	[tilespmem:v47+s13+$0x0] =	vst.idx.add.f32.msk $0xffff, v9  }
0x309: {  	[tilespmem:v18+s13+$0x0] =	vst.idx.add.f32.msk $0xffff, v10;
	v9 =	vsub.f32 $0.0e+00, v11  }
0x30a: {  	[tilespmem:v14+s13+$0x0] =	vst.idx.add.f32.msk $0xffff, v11  }
0x30b: {  	[tilespmem:v15+s13+$0x0] =	vst.idx.add.f32.msk $0xffff, v9  }
0x30c: {  	_ =	swait.ge [sflag:s12], $0xC80  }
0x30d: {  	[sflag:s12] =	ssyncset.done $0x0  }
0x30e: {  	[sflag:s12] =	ssyncadd.s32 $0xFFFFF380  }
0x30f: {  	_ =	swait.ge [sflag:s12], $0xC80  }
0x310: {  	[sflag:s12] =	ssyncset.done $0x0  }
0x311: {  	[sflag:s12] =	ssyncadd.s32 $0xFFFFF380  }
0x312: {  	_ =	swait.ge [sflag:s12], $0xC80  }
0x313: {  	[sflag:s12] =	ssyncset.done $0x0  }
0x314: {  	s18 =	simm.s32 $0x0;
	[sflag:s12] =	ssyncadd.s32 $0xFFFFF380  }
0x315: {  	v9 =	vld [tilespmem:s18+$0x18700]  }
0x316: {  	v10 =	vld [tilespmem:s18+$0x1A000];
	_ =	sdelay $0x5  }
0x317: {  	v11 =	vld [tilespmem:s18+$0x1B900]  }
0x318: {  	v12 =	vld.idx.msk [tilespmem:v9+s5+$0x0], $0xffff  }
0x319: {  	v13 =	vld.idx.msk [tilespmem:v10+s5+$0x0], $0xffff;
	_ =	sdelay $0x4  }
0x31a: {  	vm0 =	vge.f32 v11, $0.0e+00;
	v14 =	vsub.f32 v12, v13  }
0x31b: {  	v12 =	vsel vm0, v12, v13  }
0x31c: {  	v11 =	vmul.f32 v12, v11;
	v12 =	vmul.f32 v14, v8;
	_ =	sdelay $0x1  }
0x31d: {  	v11 =	vadd.f32 v12, v11;
	_ =	sdelay $0x1  }
0x31e: {  	v12 =	vsub.f32 $0.0e+00, v11  }
0x31f: {  	[tilespmem:v9+s13+$0x0] =	vst.idx.add.f32.msk $0xffff, v11  }
0x320: {  	[tilespmem:v10+s13+$0x0] =	vst.idx.add.f32.msk $0xffff, v12  }
0x321: {  	v9 =	vld [tilespmem:s18+$0x18710]  }
0x322: {  	v10 =	vld [tilespmem:s18+$0x1A010];
	_ =	sdelay $0x5  }
0x323: {  	v11 =	vld [tilespmem:s18+$0x1B910]  }
0x324: {  	v12 =	vld.idx.msk [tilespmem:v9+s5+$0x0], $0xffff  }
0x325: {  	v13 =	vld.idx.msk [tilespmem:v10+s5+$0x0], $0xffff;
	_ =	sdelay $0x4  }
0x326: {  	vm12 =	vge.f32 v11, $0.0e+00;
	v14 =	vsub.f32 v12, v13  }
0x327: {  	v12 =	vsel vm12, v12, v13  }
0x328: {  	v11 =	vmul.f32 v12, v11;
	v12 =	vmul.f32 v14, v8;
	_ =	sdelay $0x1  }
0x329: {  	v11 =	vadd.f32 v12, v11;
	_ =	sdelay $0x1  }
0x32a: {  	v12 =	vsub.f32 $0.0e+00, v11  }
0x32b: {  	[tilespmem:v9+s13+$0x0] =	vst.idx.add.f32.msk $0xffff, v11  }
0x32c: {  	[tilespmem:v10+s13+$0x0] =	vst.idx.add.f32.msk $0xffff, v12  }
0x32d: {  	v9 =	vld [tilespmem:s18+$0x18720]  }
0x32e: {  	v10 =	vld [tilespmem:s18+$0x1A020];
	_ =	sdelay $0x2  }
0x32f: {  	s7 =	simm.s32 $0x80  }
0x330: {  	v11 =	vld [tilespmem:s7+$0x18700]  }
0x331: {  	v12 =	vld [tilespmem:s7+$0x1A000]  }
0x332: {  	v15 =	vld [tilespmem:s18+$0x1B920]  }
0x333: {  	v13 =	vld.idx.msk [tilespmem:v9+s5+$0x0], $0xffff  }
0x334: {  	v14 =	vld.idx.msk [tilespmem:v10+s5+$0x0], $0xffff;
	_ =	sdelay $0x2  }
0x335: {  	v16 =	vld [tilespmem:s7+$0x1B900]  }
0x336: {  	v17 =	vld.idx.msk [tilespmem:v11+s5+$0x0], $0xffff  }
0x337: {  	vm13 =	vge.f32 v15, $0.0e+00;
	v19 =	vld.idx.msk [tilespmem:v12+s5+$0x0], $0xffff;
	v18 =	vsub.f32 v13, v14  }
0x338: {  	v13 =	vsel vm13, v13, v14  }
0x339: {  	v13 =	vmul.f32 v13, v15;
	v14 =	vmul.f32 v18, v8;
	_ =	sdelay $0x1  }
0x33a: {  	v13 =	vadd.f32 v14, v13  }
0x33b: {  	vm14 =	vge.f32 v16, $0.0e+00;
	v14 =	vsub.f32 v17, v19  }
0x33c: {  	v17 =	vsel vm14, v17, v19;
	v15 =	vsub.f32 $0.0e+00, v13  }
0x33d: {  	[tilespmem:v9+s13+$0x0] =	vst.idx.add.f32.msk $0xffff, v13;
	v9 =	vmul.f32 v17, v16;
	v13 =	vmul.f32 v14, v8  }
0x33e: {  	[tilespmem:v10+s13+$0x0] =	vst.idx.add.f32.msk $0xffff, v15  }
0x33f: {  	v9 =	vadd.f32 v13, v9;
	v10 =	vld [tilespmem:s18+$0x18730]  }
0x340: {  	v13 =	vld [tilespmem:s18+$0x1A030]  }
0x341: {  	v14 =	vsub.f32 $0.0e+00, v9  }
0x342: {  	[tilespmem:v11+s13+$0x0] =	vst.idx.add.f32.msk $0xffff, v9  }
0x343: {  	[tilespmem:v12+s13+$0x0] =	vst.idx.add.f32.msk $0xffff, v14  }
0x344: {  	v9 =	vld [tilespmem:s7+$0x18710]  }
0x345: {  	v11 =	vld [tilespmem:s7+$0x1A010]  }
0x346: {  	v15 =	vld [tilespmem:s18+$0x1B930]  }
0x347: {  	v12 =	vld.idx.msk [tilespmem:v10+s5+$0x0], $0xffff  }
0x348: {  	v14 =	vld.idx.msk [tilespmem:v13+s5+$0x0], $0xffff;
	_ =	sdelay $0x2  }
0x349: {  	v16 =	vld [tilespmem:s7+$0x1B910]  }
0x34a: {  	v17 =	vld.idx.msk [tilespmem:v9+s5+$0x0], $0xffff  }
0x34b: {  	vm15 =	vge.f32 v15, $0.0e+00;
	v19 =	vld.idx.msk [tilespmem:v11+s5+$0x0], $0xffff;
	v18 =	vsub.f32 v12, v14  }
0x34c: {  	v12 =	vsel vm15, v12, v14  }
0x34d: {  	v12 =	vmul.f32 v12, v15;
	v14 =	vmul.f32 v18, v8;
	_ =	sdelay $0x1  }
0x34e: {  	v12 =	vadd.f32 v14, v12  }
0x34f: {  	vm4 =	vge.f32 v16, $0.0e+00;
	v15 =	vsub.f32 v17, v19  }
0x350: {  	s8 =	simm.s32 $0x100;
	v14 =	vsub.f32 $0.0e+00, v12;
	[tilespmem:v10+s13+$0x0] =	vst.idx.add.f32.msk $0xffff, v12;
	v10 =	vsel vm4, v17, v19  }
0x351: {  	v12 =	vmul.f32 v15, v8;
	v15 =	vld [tilespmem:s8+$0x1A000];
	v10 =	vmul.f32 v10, v16  }
0x352: {  	[tilespmem:v13+s13+$0x0] =	vst.idx.add.f32.msk $0xffff, v14  }
0x353: {  	v13 =	vld [tilespmem:s18+$0x18740];
	v10 =	vadd.f32 v12, v10  }
0x354: {  	v14 =	vld [tilespmem:s18+$0x1A040]  }
0x355: {  	v12 =	vld [tilespmem:s8+$0x18700];
	v16 =	vsub.f32 $0.0e+00, v10  }
0x356: {  	[tilespmem:v9+s13+$0x0] =	vst.idx.add.f32.msk $0xffff, v10  }
0x357: {  	[tilespmem:v11+s13+$0x0] =	vst.idx.add.f32.msk $0xffff, v16  }
0x358: {  	v9 =	vld [tilespmem:s7+$0x18720]  }
0x359: {  	v10 =	vld [tilespmem:s7+$0x1A020]  }
0x35a: {  	v17 =	vld [tilespmem:s18+$0x1B940]  }
0x35b: {  	v11 =	vld.idx.msk [tilespmem:v13+s5+$0x0], $0xffff  }
0x35c: {  	v16 =	vld.idx.msk [tilespmem:v14+s5+$0x0], $0xffff  }
0x35d: {  	v18 =	vld [tilespmem:s8+$0x1B900]  }
0x35e: {  	v20 =	vld.idx.msk [tilespmem:v15+s5+$0x0], $0xffff  }
0x35f: {  	v19 =	vld.idx.msk [tilespmem:v12+s5+$0x0], $0xffff  }
0x360: {  	v21 =	vld.idx.msk [tilespmem:v9+s5+$0x0], $0xffff  }
0x361: {  	vm5 =	vge.f32 v17, $0.0e+00;
	v22 =	vsub.f32 v11, v16;
	v23 =	vld.idx.msk [tilespmem:v10+s5+$0x0], $0xffff  }
0x362: {  	v11 =	vsel vm5, v11, v16;
	v16 =	vld [tilespmem:s7+$0x1B920]  }
0x363: {  	v11 =	vmul.f32 v11, v17;
	v17 =	vmul.f32 v22, v8  }
0x364: {  	vm6 =	vge.f32 v18, $0.0e+00  }
0x365: {  	v46 =	vsel vm6, v19, v20;
	v11 =	vadd.f32 v17, v11  }
0x366: {  	v18 =	vmul.f32 v46, v18;
	v17 =	vsub.f32 v19, v20  }
0x367: {  	vm7 =	vge.f32 v16, $0.0e+00;
	v47 =	vsub.f32 v21, v23;
	v19 =	vsub.f32 $0.0e+00, v11  }
0x368: {  	v17 =	vmul.f32 v17, v8;
	[tilespmem:v13+s13+$0x0] =	vst.idx.add.f32.msk $0xffff, v11;
	v11 =	vsel vm7, v21, v23  }
0x369: {  	v11 =	vmul.f32 v11, v16;
	v13 =	vmul.f32 v47, v8;
	[tilespmem:v14+s13+$0x0] =	vst.idx.add.f32.msk $0xffff, v19  }
0x36a: {  	v14 =	vld [tilespmem:s18+$0x18750]  }
0x36b: {  	v16 =	vadd.f32 v17, v18;
	v11 =	vadd.f32 v13, v11;
	v13 =	vld [tilespmem:s18+$0x1A050]  }
0x36c: {  	v17 =	vld [tilespmem:s18+$0x1B950]  }
0x36d: {  	[tilespmem:v12+s13+$0x0] =	vst.idx.add.f32.msk $0xffff, v16;
	v12 =	vsub.f32 $0.0e+00, v11  }
0x36e: {  	[tilespmem:v9+s13+$0x0] =	vst.idx.add.f32.msk $0xffff, v11  }
0x36f: {  	[tilespmem:v10+s13+$0x0] =	vst.idx.add.f32.msk $0xffff, v12  }
0x370: {  	v12 =	vsub.f32 $0.0e+00, v16;
	v9 =	vld [tilespmem:s7+$0x18730]  }
0x371: {  	v10 =	vld [tilespmem:s7+$0x1A030]  }
0x372: {  	[tilespmem:v15+s13+$0x0] =	vst.idx.add.f32.msk $0xffff, v12  }
0x373: {  	v11 =	vld.idx.msk [tilespmem:v14+s5+$0x0], $0xffff  }
0x374: {  	v16 =	vld.idx.msk [tilespmem:v13+s5+$0x0], $0xffff  }
0x375: {  	v15 =	vld [tilespmem:s8+$0x1A010]  }
0x376: {  	s17 =	simm.s32 $0x180;
	v12 =	vld [tilespmem:s8+$0x18710]  }
0x377: {  	v50 =	vld [tilespmem:s17+$0x18700]  }
0x378: {  	v49 =	vld [tilespmem:s7+$0x1B930]  }
0x379: {  	vm8 =	vge.f32 v17, $0.0e+00;
	v18 =	vld.idx.msk [tilespmem:v9+s5+$0x0], $0xffff;
	v48 =	vsub.f32 v11, v16  }
0x37a: {  	v19 =	vld.idx.msk [tilespmem:v10+s5+$0x0], $0xffff;
	v11 =	vsel vm8, v11, v16  }
0x37b: {  	v51 =	vld [tilespmem:s8+$0x1B910];
	v11 =	vmul.f32 v11, v17;
	v17 =	vmul.f32 v48, v8  }
0x37c: {  	v16 =	vld [tilespmem:s17+$0x1B900]  }
0x37d: {  	v52 =	vld.idx.msk [tilespmem:v15+s5+$0x0], $0xffff;
	v11 =	vadd.f32 v17, v11  }
0x37e: {  	vm9 =	vge.f32 v49, $0.0e+00;
	v17 =	vld.idx.msk [tilespmem:v12+s5+$0x0], $0xffff  }
0x37f: {  	v24 =	vsub.f32 v18, v19;
	v18 =	vsel vm9, v18, v19;
	v19 =	vld.idx.msk [tilespmem:v50+s5+$0x0], $0xffff;
	v25 =	vsub.f32 $0.0e+00, v11  }
0x380: {  	[tilespmem:v14+s13+$0x0] =	vst.idx.add.f32.msk $0xffff, v11  }
0x381: {  	v11 =	vmul.f32 v18, v49;
	v14 =	vmul.f32 v24, v8;
	[tilespmem:v13+s13+$0x0] =	vst.idx.add.f32.msk $0xffff, v25  }
0x382: {  	v13 =	vld [tilespmem:s18+$0x18760]  }
0x383: {  	v11 =	vadd.f32 v14, v11;
	v14 =	vld [tilespmem:s18+$0x1A060]  }
0x384: {  	v18 =	vld [tilespmem:s17+$0x1A000]  }
0x385: {  	vm10 =	vge.f32 v51, $0.0e+00;
	v54 =	vsub.f32 v17, v52;
	v57 =	vld [tilespmem:s18+$0x1B960];
	v53 =	vsub.f32 $0.0e+00, v11  }
0x386: {  	[tilespmem:v9+s13+$0x0] =	vst.idx.add.f32.msk $0xffff, v11;
	v9 =	vsel vm10, v17, v52  }
0x387: {  	v9 =	vmul.f32 v9, v51;
	[tilespmem:v10+s13+$0x0] =	vst.idx.add.f32.msk $0xffff, v53;
	v10 =	vmul.f32 v54, v8  }
0x388: {  	v11 =	vld [tilespmem:s7+$0x18740]  }
0x389: {  	v17 =	vld [tilespmem:s7+$0x1A040];
	v9 =	vadd.f32 v10, v9  }
0x38a: {  	v10 =	vld.idx.msk [tilespmem:v13+s5+$0x0], $0xffff  }
0x38b: {  	v55 =	vld.idx.msk [tilespmem:v14+s5+$0x0], $0xffff;
	v56 =	vsub.f32 $0.0e+00, v9  }
0x38c: {  	[tilespmem:v12+s13+$0x0] =	vst.idx.add.f32.msk $0xffff, v9  }
0x38d: {  	[tilespmem:v15+s13+$0x0] =	vst.idx.add.f32.msk $0xffff, v56  }
0x38e: {  	v12 =	vld [tilespmem:s8+$0x18720]  }
0x38f: {  	v60 =	vld [tilespmem:s7+$0x1B940]  }
0x390: {  	v22 =	vld [tilespmem:s8+$0x1A020]  }
0x391: {  	vm11 =	vge.f32 v57, $0.0e+00;
	v9 =	vld.idx.msk [tilespmem:v18+s5+$0x0], $0xffff;
	v15 =	vsub.f32 v10, v55  }
0x392: {  	v58 =	vld.idx.msk [tilespmem:v11+s5+$0x0], $0xffff;
	v10 =	vsel vm11, v10, v55  }
0x393: {  	v59 =	vld.idx.msk [tilespmem:v17+s5+$0x0], $0xffff;
	v10 =	vmul.f32 v10, v57;
	v15 =	vmul.f32 v15, v8;
	_ =	sdelay $0x1  }
0x394: {  	v10 =	vadd.f32 v15, v10  }
0x395: {  	vm12 =	vge.f32 v16, $0.0e+00;
	vm13 =	vge.f32 v60, $0.0e+00;
	v15 =	vld.idx.msk [tilespmem:v12+s5+$0x0], $0xffff  }
0x396: {  	v26 =	vsub.f32 v19, v9;
	v9 =	vsel vm12, v19, v9;
	v61 =	vsub.f32 $0.0e+00, v10;
	[tilespmem:v13+s13+$0x0] =	vst.idx.add.f32.msk $0xffff, v10  }
0x397: {  	v10 =	vsub.f32 v58, v59;
	v13 =	vmul.f32 v9, v16;
	v16 =	vsel vm13, v58, v59;
	v62 =	vld.idx.msk [tilespmem:v22+s5+$0x0], $0xffff  }
0x398: {  	v16 =	vmul.f32 v16, v60;
	[tilespmem:v14+s13+$0x0] =	vst.idx.add.f32.msk $0xffff, v61  }
0x399: {  	v14 =	vmul.f32 v26, v8;
	v19 =	vmul.f32 v10, v8;
	v9 =	vld [tilespmem:s18+$0x18770]  }
0x39a: {  	v10 =	vld [tilespmem:s18+$0x1A070]  }
0x39b: {  	v13 =	vadd.f32 v14, v13;
	v14 =	vld [tilespmem:s8+$0x1B920];
	v16 =	vadd.f32 v19, v16;
	_ =	sdelay $0x1  }
0x39c: {  	[tilespmem:v50+s13+$0x0] =	vst.idx.add.f32.msk $0xffff, v13;
	v19 =	vsub.f32 $0.0e+00, v16  }
0x39d: {  	[tilespmem:v11+s13+$0x0] =	vst.idx.add.f32.msk $0xffff, v16;
	v11 =	vsub.f32 v15, v62  }
0x39e: {  	[tilespmem:v17+s13+$0x0] =	vst.idx.add.f32.msk $0xffff, v19  }
0x39f: {  	v16 =	vmul.f32 v11, v8;
	v11 =	vld [tilespmem:s18+$0x1B970];
	vm14 =	vge.f32 v14, $0.0e+00  }
0x3a0: {  	v15 =	vsel vm14, v15, v62;
	v17 =	vld.idx.msk [tilespmem:v9+s5+$0x0], $0xffff  }
0x3a1: {  	v19 =	vld.idx.msk [tilespmem:v10+s5+$0x0], $0xffff;
	v14 =	vmul.f32 v15, v14  }
0x3a2: {  	v13 =	vsub.f32 $0.0e+00, v13;
	v15 =	vld [tilespmem:s7+$0x18750]  }
0x3a3: {  	v63 =	vadd.f32 v16, v14;
	v14 =	vld [tilespmem:s7+$0x1A050]  }
0x3a4: {  	[tilespmem:v18+s13+$0x0] =	vst.idx.add.f32.msk $0xffff, v13  }
0x3a5: {  	v16 =	vld [tilespmem:s17+$0x18710];
	v13 =	vsub.f32 $0.0e+00, v63  }
0x3a6: {  	vm15 =	vge.f32 v11, $0.0e+00;
	[tilespmem:v12+s13+$0x0] =	vst.idx.add.f32.msk $0xffff, v63;
	v12 =	vsub.f32 v17, v19  }
0x3a7: {  	s18 =	simm.s32 $0x800;
	[tilespmem:v22+s13+$0x0] =	vst.idx.add.f32.msk $0xffff, v13;
	v13 =	vsel vm15, v17, v19  }
.LBB2_10:
0x3a8: {  	p4 =	sne.s32 s18, $0x3000;
	v17 =	vld [tilespmem:s8+$0x18730];
	v11 =	vmul.f32 v13, v11;
	v12 =	vmul.f32 v12, v8  }
0x3a9: {  	v13 =	vld [tilespmem:s8+$0x1A030]  }
0x3aa: {  	v18 =	vld.idx.msk [tilespmem:v15+s5+$0x0], $0xffff;
	v11 =	vadd.f32 v12, v11  }
0x3ab: {  	v12 =	vld.idx.msk [tilespmem:v14+s5+$0x0], $0xffff  }
0x3ac: {  	v19 =	vld [tilespmem:s7+$0x1B950];
	v20 =	vsub.f32 $0.0e+00, v11  }
0x3ad: {  	[tilespmem:v9+s13+$0x0] =	vst.idx.add.f32.msk $0xffff, v11  }
0x3ae: {  	[tilespmem:v10+s13+$0x0] =	vst.idx.add.f32.msk $0xffff, v20  }
0x3af: {  	v9 =	vld [tilespmem:s17+$0x1A010]  }
0x3b0: {  	v10 =	vld.idx.msk [tilespmem:v17+s5+$0x0], $0xffff  }
0x3b1: {  	v20 =	vsub.f32 v18, v12;
	v11 =	vld.idx.msk [tilespmem:v13+s5+$0x0], $0xffff;
	vm0 =	vge.f32 v19, $0.0e+00  }
0x3b2: {  	s20 =	sshra.s32 s18, $0x2;
	v21 =	vld [tilespmem:s8+$0x1B930];
	v12 =	vsel vm0, v18, v12  }
0x3b3: {  	v18 =	vld [tilespmem:s20+$0x1B900];
	v12 =	vmul.f32 v12, v19;
	v19 =	vmul.f32 v20, v8  }
0x3b4: {  	v20 =	vld [tilespmem:s20+$0x18700]  }
0x3b5: {  	v22 =	vld [tilespmem:s17+$0x1B910];
	v12 =	vadd.f32 v19, v12  }
0x3b6: {  	v19 =	vld.idx.msk [tilespmem:v16+s5+$0x0], $0xffff  }
0x3b7: {  	v24 =	vsub.f32 v10, v11;
	v23 =	vld.idx.msk [tilespmem:v9+s5+$0x0], $0xffff;
	vm0 =	vge.f32 v21, $0.0e+00;
	v25 =	vsub.f32 $0.0e+00, v12  }
0x3b8: {  	v10 =	vsel vm0, v10, v11;
	[tilespmem:v15+s13+$0x0] =	vst.idx.add.f32.msk $0xffff, v12  }
0x3b9: {  	v11 =	vmul.f32 v24, v8;
	v10 =	vmul.f32 v10, v21;
	[tilespmem:v14+s13+$0x0] =	vst.idx.add.f32.msk $0xffff, v25  }
0x3ba: {  	v12 =	vld [tilespmem:s7+$0x18760]  }
0x3bb: {  	v10 =	vadd.f32 v11, v10;
	v11 =	vld [tilespmem:s7+$0x1A060]  }
0x3bc: {  	v21 =	vld [tilespmem:s20+$0x1A000]  }
0x3bd: {  	v14 =	vld.idx.msk [tilespmem:v20+s5+$0x0], $0xffff;
	v15 =	vsub.f32 $0.0e+00, v10  }
0x3be: {  	vm0 =	vge.f32 v22, $0.0e+00;
	v24 =	vsub.f32 v19, v23;
	[tilespmem:v17+s13+$0x0] =	vst.idx.add.f32.msk $0xffff, v10  }
0x3bf: {  	v10 =	vsel vm0, v19, v23;
	[tilespmem:v13+s13+$0x0] =	vst.idx.add.f32.msk $0xffff, v15  }
0x3c0: {  	v10 =	vmul.f32 v10, v22;
	v13 =	vmul.f32 v24, v8;
	v15 =	vld [tilespmem:s8+$0x18740]  }
0x3c1: {  	v17 =	vld [tilespmem:s8+$0x1A040]  }
0x3c2: {  	v10 =	vadd.f32 v13, v10;
	v13 =	vld.idx.msk [tilespmem:v12+s5+$0x0], $0xffff  }
0x3c3: {  	v19 =	vld.idx.msk [tilespmem:v11+s5+$0x0], $0xffff  }
0x3c4: {  	v22 =	vsub.f32 $0.0e+00, v10;
	v23 =	vld [tilespmem:s7+$0x1B960]  }
0x3c5: {  	[tilespmem:v16+s13+$0x0] =	vst.idx.add.f32.msk $0xffff, v10  }
0x3c6: {  	[tilespmem:v9+s13+$0x0] =	vst.idx.add.f32.msk $0xffff, v22  }
0x3c7: {  	v22 =	vld [tilespmem:s17+$0x18720]  }
0x3c8: {  	v9 =	vld.idx.msk [tilespmem:v21+s5+$0x0], $0xffff  }
0x3c9: {  	v10 =	vsub.f32 v13, v19;
	v24 =	vld [tilespmem:s17+$0x1A020];
	vm0 =	vge.f32 v23, $0.0e+00  }
0x3ca: {  	v16 =	vld.idx.msk [tilespmem:v15+s5+$0x0], $0xffff;
	v13 =	vsel vm0, v13, v19  }
0x3cb: {  	v10 =	vmul.f32 v10, v8;
	v19 =	vld.idx.msk [tilespmem:v17+s5+$0x0], $0xffff;
	v13 =	vmul.f32 v13, v23  }
0x3cc: {  	v23 =	vld [tilespmem:s8+$0x1B940]  }
0x3cd: {  	v10 =	vadd.f32 v10, v13;
	_ =	sdelay $0x1  }
0x3ce: {  	v13 =	vld.idx.msk [tilespmem:v22+s5+$0x0], $0xffff;
	v25 =	vsub.f32 $0.0e+00, v10  }
0x3cf: {  	vm0 =	vge.f32 v18, $0.0e+00;
	v26 =	vsub.f32 v14, v9;
	[tilespmem:v12+s13+$0x0] =	vst.idx.add.f32.msk $0xffff, v10  }
0x3d0: {  	v9 =	vsel vm0, v14, v9;
	v10 =	vsub.f32 v16, v19;
	vm0 =	vge.f32 v23, $0.0e+00;
	[tilespmem:v11+s13+$0x0] =	vst.idx.add.f32.msk $0xffff, v25  }
0x3d1: {  	v12 =	vmul.f32 v26, v8;
	v11 =	vmul.f32 v9, v18;
	v14 =	vsel vm0, v16, v19;
	v9 =	vld [tilespmem:s7+$0x18770]  }
0x3d2: {  	v16 =	vmul.f32 v10, v8;
	v14 =	vmul.f32 v14, v23;
	v10 =	vld [tilespmem:s7+$0x1A070]  }
0x3d3: {  	v18 =	vld.idx.msk [tilespmem:v24+s5+$0x0], $0xffff  }
0x3d4: {  	v12 =	vadd.f32 v12, v11;
	v11 =	vld [tilespmem:s17+$0x1B920];
	v14 =	vadd.f32 v16, v14;
	_ =	sdelay $0x1  }
0x3d5: {  	[tilespmem:v20+s13+$0x0] =	vst.idx.add.f32.msk $0xffff, v12;
	v16 =	vsub.f32 $0.0e+00, v14  }
0x3d6: {  	[tilespmem:v15+s13+$0x0] =	vst.idx.add.f32.msk $0xffff, v14  }
0x3d7: {  	[tilespmem:v17+s13+$0x0] =	vst.idx.add.f32.msk $0xffff, v16  }
0x3d8: {  	v14 =	vsub.f32 v13, v18;
	vm0 =	vge.f32 v11, $0.0e+00;
	v17 =	vld.idx.msk [tilespmem:v9+s5+$0x0], $0xffff  }
0x3d9: {  	v13 =	vsel vm0, v13, v18;
	v18 =	vld.idx.msk [tilespmem:v10+s5+$0x0], $0xffff  }
0x3da: {  	v14 =	vmul.f32 v14, v8;
	v13 =	vmul.f32 v13, v11;
	v11 =	vld [tilespmem:s7+$0x1B970];
	s7 =	smov.u32 s8;
	s8 =	smov.u32 s17;
	s17 =	smov.u32 s20  }
0x3db: {  	v12 =	vsub.f32 $0.0e+00, v12;
	v15 =	vld [tilespmem:s7+$0x18750]  }
.Ltmp4:
0x3dc: {  	v13 =	vadd.f32 v14, v13;
	v14 =	vld [tilespmem:s7+$0x1A050];
	(pc) =	sbr.rel @p4 .LBB2_10-.Ltmp4, $4  }
0x3dd: {  	[tilespmem:v21+s13+$0x0] =	vst.idx.add.f32.msk $0xffff, v12  }
0x3de: {  	v16 =	vld [tilespmem:s17+$0x18710];
	v19 =	vsub.f32 $0.0e+00, v13  }
0x3df: {  	v12 =	vsub.f32 v17, v18;
	[tilespmem:v22+s13+$0x0] =	vst.idx.add.f32.msk $0xffff, v13;
	vm0 =	vge.f32 v11, $0.0e+00  }
0x3e0: {  	s18 =	sadd.s32 $0x200, s18;
	[tilespmem:v24+s13+$0x0] =	vst.idx.add.f32.msk $0xffff, v19;
	v13 =	vsel vm0, v17, v18  }
0x3e1: {  	v17 =	vld [tilespmem:s17+$0x1A010];
	_ =	sdelay $0x5  }
0x3e2: {  	v18 =	vld [tilespmem:s17+$0x1B910]  }
0x3e3: {  	v19 =	vld.idx.msk [tilespmem:v16+s5+$0x0], $0xffff  }
0x3e4: {  	v20 =	vld.idx.msk [tilespmem:v17+s5+$0x0], $0xffff;
	_ =	sdelay $0x4  }
0x3e5: {  	vm0 =	vge.f32 v18, $0.0e+00;
	v21 =	vsub.f32 v19, v20  }
0x3e6: {  	v19 =	vsel vm0, v19, v20  }
0x3e7: {  	v18 =	vmul.f32 v19, v18;
	v47 =	vmul.f32 v21, v8;
	_ =	sdelay $0x1  }
0x3e8: {  	v18 =	vadd.f32 v47, v18;
	_ =	sdelay $0x1  }
0x3e9: {  	v19 =	vsub.f32 $0.0e+00, v18  }
0x3ea: {  	[tilespmem:v16+s13+$0x0] =	vst.idx.add.f32.msk $0xffff, v18  }
0x3eb: {  	[tilespmem:v17+s13+$0x0] =	vst.idx.add.f32.msk $0xffff, v19  }
0x3ec: {  	v16 =	vld [tilespmem:s17+$0x18720]  }
0x3ed: {  	v17 =	vld [tilespmem:s17+$0x1A020];
	_ =	sdelay $0x3  }
0x3ee: {  	v51 =	vld [tilespmem:s8+$0x18730]  }
0x3ef: {  	v52 =	vld [tilespmem:s8+$0x1A030]  }
0x3f0: {  	v48 =	vld [tilespmem:s17+$0x1B920]  }
0x3f1: {  	v18 =	vld.idx.msk [tilespmem:v16+s5+$0x0], $0xffff  }
0x3f2: {  	v19 =	vld.idx.msk [tilespmem:v17+s5+$0x0], $0xffff;
	_ =	sdelay $0x4  }
0x3f3: {  	vm14 =	vge.f32 v48, $0.0e+00;
	v49 =	vsub.f32 v18, v19  }
0x3f4: {  	v22 =	vld [tilespmem:s8+$0x1B930];
	v18 =	vsel vm14, v18, v19  }
0x3f5: {  	v54 =	vld.idx.msk [tilespmem:v51+s5+$0x0], $0xffff;
	v18 =	vmul.f32 v18, v48;
	v50 =	vmul.f32 v49, v8  }
0x3f6: {  	v55 =	vld.idx.msk [tilespmem:v52+s5+$0x0], $0xffff  }
0x3f7: {  	v18 =	vadd.f32 v50, v18;
	_ =	sdelay $0x1  }
0x3f8: {  	v53 =	vsub.f32 $0.0e+00, v18  }
0x3f9: {  	[tilespmem:v16+s13+$0x0] =	vst.idx.add.f32.msk $0xffff, v18  }
0x3fa: {  	vm15 =	vge.f32 v22, $0.0e+00;
	v26 =	vsub.f32 v54, v55;
	[tilespmem:v17+s13+$0x0] =	vst.idx.add.f32.msk $0xffff, v53  }
0x3fb: {  	v18 =	vsel vm15, v54, v55;
	v16 =	vld [tilespmem:s17+$0x18730]  }
0x3fc: {  	v56 =	vmul.f32 v26, v8;
	v18 =	vmul.f32 v18, v22;
	v17 =	vld [tilespmem:s17+$0x1A030];
	_ =	sdelay $0x1  }
0x3fd: {  	v18 =	vadd.f32 v56, v18;
	_ =	sdelay $0x1  }
0x3fe: {  	v25 =	vld [tilespmem:s17+$0x1B930];
	v60 =	vsub.f32 $0.0e+00, v18  }
0x3ff: {  	[tilespmem:v51+s13+$0x0] =	vst.idx.add.f32.msk $0xffff, v18  }
0x400: {  	[tilespmem:v52+s13+$0x0] =	vst.idx.add.f32.msk $0xffff, v60  }
0x401: {  	v23 =	vld.idx.msk [tilespmem:v16+s5+$0x0], $0xffff  }
0x402: {  	v24 =	vld.idx.msk [tilespmem:v17+s5+$0x0], $0xffff  }
0x403: {  	v19 =	vld [tilespmem:s8+$0x18740]  }
0x404: {  	v20 =	vld [tilespmem:s8+$0x1A040];
	_ =	sdelay $0x2  }
0x405: {  	vm4 =	vge.f32 v25, $0.0e+00;
	v57 =	vsub.f32 v23, v24  }
0x406: {  	v58 =	vsel vm4, v23, v24  }
0x407: {  	v22 =	vmul.f32 v58, v25;
	v21 =	vmul.f32 v57, v8  }
0x408: {  	v33 =	vld [tilespmem:s8+$0x1B940]  }
0x409: {  	v32 =	vld.idx.msk [tilespmem:v19+s5+$0x0], $0xffff;
	v61 =	vadd.f32 v21, v22  }
0x40a: {  	v24 =	vld.idx.msk [tilespmem:v20+s5+$0x0], $0xffff  }
0x40b: {  	v21 =	vsub.f32 $0.0e+00, v61  }
0x40c: {  	[tilespmem:v16+s13+$0x0] =	vst.idx.add.f32.msk $0xffff, v61  }
0x40d: {  	[tilespmem:v17+s13+$0x0] =	vst.idx.add.f32.msk $0xffff, v21  }
0x40e: {  	v16 =	vld [tilespmem:s17+$0x18740]  }
0x40f: {  	vm6 =	vge.f32 v33, $0.0e+00;
	v35 =	vsub.f32 v32, v24;
	v17 =	vld [tilespmem:s17+$0x1A040]  }
0x410: {  	v22 =	vsel vm6, v32, v24  }
0x411: {  	v22 =	vmul.f32 v22, v33;
	v23 =	vmul.f32 v35, v8;
	_ =	sdelay $0x1  }
0x412: {  	v59 =	vld.idx.msk [tilespmem:v15+s5+$0x0], $0xffff;
	v37 =	vadd.f32 v23, v22  }
0x413: {  	v29 =	vld [tilespmem:s17+$0x1B940]  }
0x414: {  	[tilespmem:v19+s13+$0x0] =	vst.idx.add.f32.msk $0xffff, v37  }
0x415: {  	v40 =	vsub.f32 $0.0e+00, v37;
	v34 =	vld.idx.msk [tilespmem:v16+s5+$0x0], $0xffff  }
0x416: {  	v27 =	vld.idx.msk [tilespmem:v17+s5+$0x0], $0xffff  }
0x417: {  	[tilespmem:v20+s13+$0x0] =	vst.idx.add.f32.msk $0xffff, v40  }
0x418: {  	v19 =	vld [tilespmem:s8+$0x18750]  }
0x419: {  	v20 =	vld [tilespmem:s8+$0x1A050]  }
0x41a: {  	v62 =	vld.idx.msk [tilespmem:v14+s5+$0x0], $0xffff  }
0x41b: {  	v63 =	vld [tilespmem:s7+$0x1B950];
	vm7 =	vge.f32 v29, $0.0e+00;
	v38 =	vsub.f32 v34, v27  }
0x41c: {  	v39 =	vsel vm7, v34, v27  }
0x41d: {  	v23 =	vmul.f32 v39, v29;
	v22 =	vmul.f32 v38, v8;
	_ =	sdelay $0x1  }
0x41e: {  	v46 =	vld [tilespmem:s8+$0x1B950];
	v41 =	vadd.f32 v22, v23  }
0x41f: {  	vm5 =	vge.f32 v63, $0.0e+00;
	v28 =	vsub.f32 v59, v62;
	v44 =	vld.idx.msk [tilespmem:v19+s5+$0x0], $0xffff  }
0x420: {  	v18 =	vsel vm5, v59, v62;
	v45 =	vld.idx.msk [tilespmem:v20+s5+$0x0], $0xffff;
	v42 =	vsub.f32 $0.0e+00, v41  }
0x421: {  	v36 =	vmul.f32 v28, v8;
	v18 =	vmul.f32 v18, v63;
	[tilespmem:v16+s13+$0x0] =	vst.idx.add.f32.msk $0xffff, v41  }
0x422: {  	[tilespmem:v17+s13+$0x0] =	vst.idx.add.f32.msk $0xffff, v42  }
0x423: {  	v18 =	vadd.f32 v36, v18;
	v16 =	vld [tilespmem:s17+$0x18750]  }
0x424: {  	v17 =	vld [tilespmem:s17+$0x1A050]  }
0x425: {  	v43 =	vsub.f32 $0.0e+00, v18  }
0x426: {  	[tilespmem:v15+s13+$0x0] =	vst.idx.add.f32.msk $0xffff, v18;
	vm8 =	vge.f32 v46, $0.0e+00;
	v51 =	vsub.f32 v44, v45  }
0x427: {  	[tilespmem:v14+s13+$0x0] =	vst.idx.add.f32.msk $0xffff, v43;
	v15 =	vsel vm8, v44, v45  }
0x428: {  	v14 =	vld [tilespmem:s7+$0x18760];
	v15 =	vmul.f32 v15, v46;
	v52 =	vmul.f32 v51, v8  }
0x429: {  	v47 =	vld [tilespmem:s7+$0x1A060]  }
0x42a: {  	v50 =	vld [tilespmem:s17+$0x1B950];
	v15 =	vadd.f32 v52, v15  }
0x42b: {  	v48 =	vld.idx.msk [tilespmem:v16+s5+$0x0], $0xffff  }
0x42c: {  	v56 =	vsub.f32 $0.0e+00, v15;
	v49 =	vld.idx.msk [tilespmem:v17+s5+$0x0], $0xffff  }
0x42d: {  	[tilespmem:v19+s13+$0x0] =	vst.idx.add.f32.msk $0xffff, v15  }
0x42e: {  	[tilespmem:v20+s13+$0x0] =	vst.idx.add.f32.msk $0xffff, v56  }
0x42f: {  	v58 =	vld [tilespmem:s8+$0x18760];
	_ =	sdelay $0x1  }
0x430: {  	vm9 =	vge.f32 v50, $0.0e+00;
	v53 =	vsub.f32 v48, v49  }
0x431: {  	v60 =	vld [tilespmem:s7+$0x1B960];
	v23 =	vsel vm9, v48, v49  }
0x432: {  	v54 =	vld.idx.msk [tilespmem:v14+s5+$0x0], $0xffff;
	v23 =	vmul.f32 v23, v50;
	v18 =	vmul.f32 v53, v8  }
0x433: {  	v19 =	vld [tilespmem:s8+$0x1A060]  }
0x434: {  	v55 =	vld.idx.msk [tilespmem:v47+s5+$0x0], $0xffff;
	v57 =	vadd.f32 v18, v23  }
0x435: {  	v63 =	vld [tilespmem:s8+$0x1B960]  }
0x436: {  	v61 =	vld.idx.msk [tilespmem:v58+s5+$0x0], $0xffff;
	v59 =	vsub.f32 $0.0e+00, v57  }
0x437: {  	[tilespmem:v16+s13+$0x0] =	vst.idx.add.f32.msk $0xffff, v57  }
0x438: {  	[tilespmem:v17+s13+$0x0] =	vst.idx.add.f32.msk $0xffff, v59  }
0x439: {  	v15 =	vld [tilespmem:s17+$0x18760]  }
0x43a: {  	v16 =	vld [tilespmem:s17+$0x1A060]  }
0x43b: {  	v62 =	vld.idx.msk [tilespmem:v19+s5+$0x0], $0xffff;
	_ =	sdelay $0x3  }
0x43c: {  	vm10 =	vge.f32 v60, $0.0e+00;
	v29 =	vsub.f32 v54, v55  }
0x43d: {  	v21 =	vsel vm10, v54, v55;
	vm11 =	vge.f32 v63, $0.0e+00;
	v34 =	vsub.f32 v61, v62;
	v33 =	vld [tilespmem:s17+$0x1B960]  }
0x43e: {  	v31 =	vmul.f32 v29, v8;
	v20 =	vsel vm11, v61, v62;
	v17 =	vmul.f32 v21, v60;
	v30 =	vld.idx.msk [tilespmem:v15+s5+$0x0], $0xffff  }
0x43f: {  	v20 =	vmul.f32 v20, v63;
	v21 =	vmul.f32 v34, v8;
	v32 =	vld.idx.msk [tilespmem:v16+s5+$0x0], $0xffff  }
0x440: {  	v17 =	vadd.f32 v31, v17  }
0x441: {  	v36 =	vadd.f32 v21, v20  }
0x442: {  	v35 =	vsub.f32 $0.0e+00, v17;
	[tilespmem:v14+s13+$0x0] =	vst.idx.add.f32.msk $0xffff, v17  }
0x443: {  	v40 =	vsub.f32 $0.0e+00, v36;
	[tilespmem:v58+s13+$0x0] =	vst.idx.add.f32.msk $0xffff, v36  }
0x444: {  	[tilespmem:v47+s13+$0x0] =	vst.idx.add.f32.msk $0xffff, v35;
	vm12 =	vge.f32 v33, $0.0e+00;
	v37 =	vsub.f32 v30, v32  }
0x445: {  	[tilespmem:v19+s13+$0x0] =	vst.idx.add.f32.msk $0xffff, v40;
	v39 =	vsel vm12, v30, v32  }
0x446: {  	v38 =	vld [tilespmem:s7+$0x18770];
	v21 =	vmul.f32 v39, v33;
	v17 =	vmul.f32 v37, v8  }
0x447: {  	v22 =	vld [tilespmem:s7+$0x1A070]  }
0x448: {  	v42 =	vld [tilespmem:s8+$0x18770];
	v41 =	vadd.f32 v17, v21  }
0x449: {  	v18 =	vld [tilespmem:s8+$0x1A070]  }
0x44a: {  	v46 =	vld [tilespmem:s7+$0x1B970];
	v43 =	vsub.f32 $0.0e+00, v41  }
0x44b: {  	[tilespmem:v15+s13+$0x0] =	vst.idx.add.f32.msk $0xffff, v41  }
0x44c: {  	[tilespmem:v16+s13+$0x0] =	vst.idx.add.f32.msk $0xffff, v43  }
0x44d: {  	v14 =	vld [tilespmem:s17+$0x18770]  }
0x44e: {  	v15 =	vld [tilespmem:s17+$0x1A070]  }
0x44f: {  	v48 =	vld [tilespmem:s8+$0x1B970]  }
0x450: {  	v44 =	vld.idx.msk [tilespmem:v38+s5+$0x0], $0xffff  }
0x451: {  	v45 =	vld.idx.msk [tilespmem:v22+s5+$0x0], $0xffff  }
0x452: {  	v23 =	vld.idx.msk [tilespmem:v42+s5+$0x0], $0xffff  }
0x453: {  	v47 =	vld.idx.msk [tilespmem:v18+s5+$0x0], $0xffff  }
0x454: {  	v52 =	vld [tilespmem:s17+$0x1B970]  }
0x455: {  	v11 =	vmul.f32 v13, v11;
	v12 =	vmul.f32 v12, v8;
	v49 =	vld.idx.msk [tilespmem:v14+s5+$0x0], $0xffff  }
0x456: {  	v50 =	vld.idx.msk [tilespmem:v15+s5+$0x0], $0xffff  }
0x457: {  	v11 =	vadd.f32 v12, v11;
	vm13 =	vge.f32 v46, $0.0e+00  }
0x458: {  	vm14 =	vge.f32 v48, $0.0e+00;
	v51 =	vsub.f32 v44, v45;
	v53 =	vsel vm13, v44, v45  }
0x459: {  	v55 =	vsub.f32 v23, v47;
	v56 =	vsel vm14, v23, v47;
	v12 =	vmul.f32 v53, v46  }
0x45a: {  	v58 =	vsub.f32 $0.0e+00, v11;
	v57 =	vmul.f32 v56, v48;
	v54 =	vmul.f32 v51, v8  }
0x45b: {  	[tilespmem:v9+s13+$0x0] =	vst.idx.add.f32.msk $0xffff, v11;
	v59 =	vmul.f32 v55, v8;
	vm15 =	vge.f32 v52, $0.0e+00;
	v60 =	vsub.f32 v49, v50  }
0x45c: {  	[tilespmem:v10+s13+$0x0] =	vst.idx.add.f32.msk $0xffff, v58;
	v12 =	vadd.f32 v54, v12;
	v13 =	vsel vm15, v49, v50  }
0x45d: {  	v9 =	vadd.f32 v59, v57;
	v13 =	vmul.f32 v13, v52;
	v8 =	vmul.f32 v60, v8  }
0x45e: {  	v61 =	vsub.f32 $0.0e+00, v12;
	[tilespmem:v38+s13+$0x0] =	vst.idx.add.f32.msk $0xffff, v12  }
0x45f: {  	v62 =	vsub.f32 $0.0e+00, v9;
	[tilespmem:v42+s13+$0x0] =	vst.idx.add.f32.msk $0xffff, v9;
	v8 =	vadd.f32 v8, v13  }
0x460: {  	[tilespmem:v22+s13+$0x0] =	vst.idx.add.f32.msk $0xffff, v61  }
0x461: {  	[tilespmem:v18+s13+$0x0] =	vst.idx.add.f32.msk $0xffff, v62;
	v63 =	vsub.f32 $0.0e+00, v8  }
0x462: {  	[tilespmem:v14+s13+$0x0] =	vst.idx.add.f32.msk $0xffff, v8  }
0x463: {  	[tilespmem:v15+s13+$0x0] =	vst.idx.add.f32.msk $0xffff, v63  }
0x464: {  	s24 =	rddreg [dreg:$0x7]  }
0x465: {  	[hbm4b:s24+s5] =	stream.linear.scatter [tilespmem:s13], [sflag:$0x3], $0xC380, $0x38;
	[tilespmem:$0x1EA80] =	vst v63  }
.Ltmp5:
0x466: {  	_ =	swait.ge [sflag:s26], $0xC380;
	(pc) =	sbr.rel @p3 .LBB2_17-.Ltmp5, $3  }
0x467: {  	[sflag:s26] =	ssyncset.done $0x0  }
0x468: {  	[sflag:s26] =	ssyncadd.s32 $0xFFFF3C80  }
0x469: {  	[bflag:$0x0] =	sbarrier.arrive $0xFFFF;
	_ =	sdelay $0x1  }
0x46a: {  	s7 =	simm.s32 $0x0;
	s8 =	rddreg [dreg:$0x8]  }
0x46b: {  	[tilespmem:s15], [sflag:$0x3] =	stream.linear.gather [hbm4b:s8+s7], $0x1870, $0x38;
	[tilespmem:$0x1EA80] =	vst v63  }
0x46c: {  	_ =	swait.ge [sflag:s26], $0x1870  }
0x46d: {  	[sflag:s26] =	ssyncset.done $0x0  }
0x46e: {  	s7 =	simm.s32 $0x0;
	[sflag:s26] =	ssyncadd.s32 $0xFFFFE790  }
0x46f: {  	v8 =	vld.idx.msk [tilespmem:v1+s7+$0x0 ss:$0x1], $0xffff  }
0x470: {  	s8 =	simm.s32 $0x40;
	v9 =	vld [tilespmem:s7+$0x1D200]  }
.LBB2_13:
0x471: {  	_ = 	snop  }
0x472: {  	p4 =	sne.s32 s8, $0x6180  }
.Ltmp6:
0x473: {  	_ = 	snop;
	(pc) =	sbr.rel @p4 .LBB2_13-.Ltmp6, $4  }
0x474: {  	_ = 	snop  }
0x475: {  	s17 =	sshra.s32 s8, $0x2;
	v10 =	vadd.f32 v9, v8  }
0x476: {  	v8 =	vld.idx.msk [tilespmem:v1+s17+$0x0 ss:$0x1], $0xffff  }
0x477: {  	s8 =	sadd.s32 $0x40, s8;
	v9 =	vld [tilespmem:s17+$0x1D200];
	[tilespmem:v1+s7+$0x0 ss:$0x1] =	vst.idx.msk $0xffff, v10;
	s7 =	smov.u32 s17  }
0x478: {  	_ =	sdelay $0x3  }
0x479: {  	v8 =	vadd.f32 v9, v8;
	_ =	sdelay $0x1  }
0x47a: {  	[tilespmem:v1+s7+$0x0 ss:$0x1] =	vst.idx.msk $0xffff, v8  }
0x47b: {  	s24 =	simm.s32 $0x0;
	s8 =	rddreg [dreg:$0x9]  }
0x47c: {  	[tilespmem:s15], [sflag:$0x3] =	stream.linear.gather [hbm4b:s8+s24], $0x1870, $0x38;
	[tilespmem:$0x1EA80] =	vst v63  }
0x47d: {  	_ =	swait.ge [sflag:s26], $0x1870  }
0x47e: {  	[sflag:s26] =	ssyncset.done $0x0  }
0x47f: {  	s7 =	simm.s32 $0x0;
	[sflag:s26] =	ssyncadd.s32 $0xFFFFE790  }
0x480: {  	v8 =	vld.idx.msk [tilespmem:v2+s7+$0x0 ss:$0x1], $0xffff  }
0x481: {  	s8 =	simm.s32 $0x40;
	v9 =	vld [tilespmem:s7+$0x1D200]  }
.LBB2_15:
0x482: {  	_ = 	snop  }
0x483: {  	p4 =	sne.s32 s8, $0x6180  }
.Ltmp7:
0x484: {  	_ = 	snop;
	(pc) =	sbr.rel @p4 .LBB2_15-.Ltmp7, $4  }
0x485: {  	_ = 	snop  }
0x486: {  	s17 =	sshra.s32 s8, $0x2;
	v10 =	vadd.f32 v9, v8  }
0x487: {  	v8 =	vld.idx.msk [tilespmem:v2+s17+$0x0 ss:$0x1], $0xffff  }
0x488: {  	s8 =	sadd.s32 $0x40, s8;
	v9 =	vld [tilespmem:s17+$0x1D200];
	[tilespmem:v2+s7+$0x0 ss:$0x1] =	vst.idx.msk $0xffff, v10;
	s7 =	smov.u32 s17  }
0x489: {  	_ =	sdelay $0x3  }
0x48a: {  	v8 =	vadd.f32 v9, v8;
	_ =	sdelay $0x1  }
0x48b: {  	[tilespmem:v2+s7+$0x0 ss:$0x1] =	vst.idx.msk $0xffff, v8  }
.LBB2_17:
.Ltmp8:
0x48c: {  	(pc) =	sbr.rel @p0 .LBB2_23-.Ltmp8, $1  }
0x48d: {  	_ =	sdelay $0x3  }
0x48e: {  	s7 =	simm.s32 $0x0;
	s8 =	rddreg [dreg:$0xa]  }
0x48f: {  	[tilespmem:s15], [sflag:$0x3] =	stream.linear.gather [hbm4b:s8+s7], $0x1870, $0x38;
	[tilespmem:$0x1EA80] =	vst v63  }
0x490: {  	_ =	swait.ge [sflag:s26], $0x1870  }
0x491: {  	[sflag:s26] =	ssyncset.done $0x0  }
0x492: {  	s7 =	simm.s32 $0x0;
	[sflag:s26] =	ssyncadd.s32 $0xFFFFE790  }
0x493: {  	v8 =	vld.idx.msk [tilespmem:v1+s7+$0x0 ss:$0x1], $0xffff  }
0x494: {  	s8 =	simm.s32 $0x40;
	v9 =	vld [tilespmem:s7+$0x1D200]  }
.LBB2_19:
0x495: {  	_ = 	snop  }
0x496: {  	p4 =	sne.s32 s8, $0x6180  }
.Ltmp9:
0x497: {  	_ = 	snop;
	(pc) =	sbr.rel @p4 .LBB2_19-.Ltmp9, $4  }
0x498: {  	_ = 	snop  }
0x499: {  	s17 =	sshra.s32 s8, $0x2;
	v10 =	vadd.f32 v9, v8  }
0x49a: {  	v8 =	vld.idx.msk [tilespmem:v1+s17+$0x0 ss:$0x1], $0xffff  }
0x49b: {  	s8 =	sadd.s32 $0x40, s8;
	v9 =	vld [tilespmem:s17+$0x1D200];
	[tilespmem:v1+s7+$0x0 ss:$0x1] =	vst.idx.msk $0xffff, v10;
	s7 =	smov.u32 s17  }
0x49c: {  	_ =	sdelay $0x3  }
0x49d: {  	v8 =	vadd.f32 v9, v8;
	_ =	sdelay $0x1  }
0x49e: {  	[tilespmem:v1+s7+$0x0 ss:$0x1] =	vst.idx.msk $0xffff, v8  }
0x49f: {  	s24 =	simm.s32 $0x0;
	s8 =	rddreg [dreg:$0xb]  }
0x4a0: {  	[tilespmem:s15], [sflag:$0x3] =	stream.linear.gather [hbm4b:s8+s24], $0x1870, $0x38;
	[tilespmem:$0x1EA80] =	vst v63  }
0x4a1: {  	_ =	swait.ge [sflag:s26], $0x1870  }
0x4a2: {  	[sflag:s26] =	ssyncset.done $0x0  }
0x4a3: {  	s7 =	simm.s32 $0x0;
	[sflag:s26] =	ssyncadd.s32 $0xFFFFE790  }
0x4a4: {  	v8 =	vld.idx.msk [tilespmem:v2+s7+$0x0 ss:$0x1], $0xffff  }
0x4a5: {  	s8 =	simm.s32 $0x40;
	v9 =	vld [tilespmem:s7+$0x1D200]  }
.LBB2_21:
0x4a6: {  	_ = 	snop  }
0x4a7: {  	p4 =	sne.s32 s8, $0x6180  }
.Ltmp10:
0x4a8: {  	_ = 	snop;
	(pc) =	sbr.rel @p4 .LBB2_21-.Ltmp10, $4  }
0x4a9: {  	_ = 	snop  }
0x4aa: {  	s17 =	sshra.s32 s8, $0x2;
	v10 =	vadd.f32 v9, v8  }
0x4ab: {  	v8 =	vld.idx.msk [tilespmem:v2+s17+$0x0 ss:$0x1], $0xffff  }
0x4ac: {  	s8 =	sadd.s32 $0x40, s8;
	v9 =	vld [tilespmem:s17+$0x1D200];
	[tilespmem:v2+s7+$0x0 ss:$0x1] =	vst.idx.msk $0xffff, v10;
	s7 =	smov.u32 s17  }
0x4ad: {  	_ =	sdelay $0x3  }
0x4ae: {  	v8 =	vadd.f32 v9, v8;
	_ =	sdelay $0x1  }
0x4af: {  	[tilespmem:v2+s7+$0x0 ss:$0x1] =	vst.idx.msk $0xffff, v8  }
.LBB2_23:
.Ltmp11:
0x4b0: {  	(pc) =	sbr.rel @p1 .LBB2_29-.Ltmp11, $1  }
0x4b1: {  	_ =	sdelay $0x3  }
0x4b2: {  	s7 =	simm.s32 $0x0;
	s8 =	rddreg [dreg:$0xc]  }
0x4b3: {  	[tilespmem:s15], [sflag:$0x3] =	stream.linear.gather [hbm4b:s8+s7], $0x1870, $0x38;
	[tilespmem:$0x1EA80] =	vst v63  }
0x4b4: {  	_ =	swait.ge [sflag:s26], $0x1870  }
0x4b5: {  	[sflag:s26] =	ssyncset.done $0x0  }
0x4b6: {  	s7 =	simm.s32 $0x0;
	[sflag:s26] =	ssyncadd.s32 $0xFFFFE790  }
0x4b7: {  	v8 =	vld.idx.msk [tilespmem:v1+s7+$0x0 ss:$0x1], $0xffff  }
0x4b8: {  	s8 =	simm.s32 $0x40;
	v9 =	vld [tilespmem:s7+$0x1D200]  }
.LBB2_25:
0x4b9: {  	_ = 	snop  }
0x4ba: {  	p4 =	sne.s32 s8, $0x6180  }
.Ltmp12:
0x4bb: {  	_ = 	snop;
	(pc) =	sbr.rel @p4 .LBB2_25-.Ltmp12, $4  }
0x4bc: {  	_ = 	snop  }
0x4bd: {  	s17 =	sshra.s32 s8, $0x2;
	v10 =	vadd.f32 v9, v8  }
0x4be: {  	v8 =	vld.idx.msk [tilespmem:v1+s17+$0x0 ss:$0x1], $0xffff  }
0x4bf: {  	s8 =	sadd.s32 $0x40, s8;
	v9 =	vld [tilespmem:s17+$0x1D200];
	[tilespmem:v1+s7+$0x0 ss:$0x1] =	vst.idx.msk $0xffff, v10;
	s7 =	smov.u32 s17  }
0x4c0: {  	_ =	sdelay $0x3  }
0x4c1: {  	v8 =	vadd.f32 v9, v8;
	_ =	sdelay $0x1  }
0x4c2: {  	[tilespmem:v1+s7+$0x0 ss:$0x1] =	vst.idx.msk $0xffff, v8  }
0x4c3: {  	s24 =	simm.s32 $0x0;
	s8 =	rddreg [dreg:$0xd]  }
0x4c4: {  	[tilespmem:s15], [sflag:$0x3] =	stream.linear.gather [hbm4b:s8+s24], $0x1870, $0x38;
	[tilespmem:$0x1EA80] =	vst v63  }
0x4c5: {  	_ =	swait.ge [sflag:s26], $0x1870  }
0x4c6: {  	[sflag:s26] =	ssyncset.done $0x0  }
0x4c7: {  	s7 =	simm.s32 $0x0;
	[sflag:s26] =	ssyncadd.s32 $0xFFFFE790  }
0x4c8: {  	v8 =	vld.idx.msk [tilespmem:v2+s7+$0x0 ss:$0x1], $0xffff  }
0x4c9: {  	s8 =	simm.s32 $0x40;
	v9 =	vld [tilespmem:s7+$0x1D200]  }
.LBB2_27:
0x4ca: {  	_ = 	snop  }
0x4cb: {  	p4 =	sne.s32 s8, $0x6180  }
.Ltmp13:
0x4cc: {  	_ = 	snop;
	(pc) =	sbr.rel @p4 .LBB2_27-.Ltmp13, $4  }
0x4cd: {  	_ = 	snop  }
0x4ce: {  	s17 =	sshra.s32 s8, $0x2;
	v10 =	vadd.f32 v9, v8  }
0x4cf: {  	v8 =	vld.idx.msk [tilespmem:v2+s17+$0x0 ss:$0x1], $0xffff  }
0x4d0: {  	s8 =	sadd.s32 $0x40, s8;
	v9 =	vld [tilespmem:s17+$0x1D200];
	[tilespmem:v2+s7+$0x0 ss:$0x1] =	vst.idx.msk $0xffff, v10;
	s7 =	smov.u32 s17  }
0x4d1: {  	_ =	sdelay $0x3  }
0x4d2: {  	v8 =	vadd.f32 v9, v8;
	_ =	sdelay $0x1  }
0x4d3: {  	[tilespmem:v2+s7+$0x0 ss:$0x1] =	vst.idx.msk $0xffff, v8  }
.LBB2_29:
.Ltmp14:
0x4d4: {  	(pc) =	sbr.rel @p2 .LBB2_35-.Ltmp14, $1  }
0x4d5: {  	_ =	sdelay $0x3  }
0x4d6: {  	s7 =	simm.s32 $0x0;
	s8 =	rddreg [dreg:$0xe]  }
0x4d7: {  	[tilespmem:s15], [sflag:$0x3] =	stream.linear.gather [hbm4b:s8+s7], $0x1870, $0x38;
	[tilespmem:$0x1EA80] =	vst v63  }
0x4d8: {  	_ =	swait.ge [sflag:s26], $0x1870  }
0x4d9: {  	[sflag:s26] =	ssyncset.done $0x0  }
0x4da: {  	s7 =	simm.s32 $0x0;
	[sflag:s26] =	ssyncadd.s32 $0xFFFFE790  }
0x4db: {  	v8 =	vld.idx.msk [tilespmem:v1+s7+$0x0 ss:$0x1], $0xffff  }
0x4dc: {  	s8 =	simm.s32 $0x40;
	v9 =	vld [tilespmem:s7+$0x1D200]  }
.LBB2_31:
0x4dd: {  	_ = 	snop  }
0x4de: {  	p4 =	sne.s32 s8, $0x6180  }
.Ltmp15:
0x4df: {  	_ = 	snop;
	(pc) =	sbr.rel @p4 .LBB2_31-.Ltmp15, $4  }
0x4e0: {  	_ = 	snop  }
0x4e1: {  	s17 =	sshra.s32 s8, $0x2;
	v10 =	vadd.f32 v9, v8  }
0x4e2: {  	v8 =	vld.idx.msk [tilespmem:v1+s17+$0x0 ss:$0x1], $0xffff  }
0x4e3: {  	s8 =	sadd.s32 $0x40, s8;
	v9 =	vld [tilespmem:s17+$0x1D200];
	[tilespmem:v1+s7+$0x0 ss:$0x1] =	vst.idx.msk $0xffff, v10;
	s7 =	smov.u32 s17  }
0x4e4: {  	_ =	sdelay $0x3  }
0x4e5: {  	v8 =	vadd.f32 v9, v8;
	_ =	sdelay $0x1  }
0x4e6: {  	[tilespmem:v1+s7+$0x0 ss:$0x1] =	vst.idx.msk $0xffff, v8  }
0x4e7: {  	s24 =	simm.s32 $0x0;
	s8 =	rddreg [dreg:$0xf]  }
0x4e8: {  	[tilespmem:s15], [sflag:$0x3] =	stream.linear.gather [hbm4b:s8+s24], $0x1870, $0x38;
	[tilespmem:$0x1EA80] =	vst v63  }
0x4e9: {  	_ =	swait.ge [sflag:s26], $0x1870  }
0x4ea: {  	[sflag:s26] =	ssyncset.done $0x0  }
0x4eb: {  	s7 =	simm.s32 $0x0;
	[sflag:s26] =	ssyncadd.s32 $0xFFFFE790  }
0x4ec: {  	v8 =	vld.idx.msk [tilespmem:v2+s7+$0x0 ss:$0x1], $0xffff  }
0x4ed: {  	s8 =	simm.s32 $0x40;
	v9 =	vld [tilespmem:s7+$0x1D200]  }
.LBB2_33:
0x4ee: {  	_ = 	snop  }
0x4ef: {  	p4 =	sne.s32 s8, $0x6180  }
.Ltmp16:
0x4f0: {  	_ = 	snop;
	(pc) =	sbr.rel @p4 .LBB2_33-.Ltmp16, $4  }
0x4f1: {  	_ = 	snop  }
0x4f2: {  	s17 =	sshra.s32 s8, $0x2;
	v10 =	vadd.f32 v9, v8  }
0x4f3: {  	v8 =	vld.idx.msk [tilespmem:v2+s17+$0x0 ss:$0x1], $0xffff  }
0x4f4: {  	s8 =	sadd.s32 $0x40, s8;
	v9 =	vld [tilespmem:s17+$0x1D200];
	[tilespmem:v2+s7+$0x0 ss:$0x1] =	vst.idx.msk $0xffff, v10;
	s7 =	smov.u32 s17  }
0x4f5: {  	_ =	sdelay $0x3  }
0x4f6: {  	v8 =	vadd.f32 v9, v8;
	_ =	sdelay $0x1  }
0x4f7: {  	[tilespmem:v2+s7+$0x0 ss:$0x1] =	vst.idx.msk $0xffff, v8  }
.LBB2_35:
0x4f8: {  	_ =	sdelay $0x2  }
0x4f9: {  	s7 =	simm.s32 $0x0  }
0x4fa: {  	v8 =	vld.idx.msk [tilespmem:v1+s7+$0x0 ss:$0x1], $0xffff;
	_ =	sdelay $0x1  }
0x4fb: {  	v9 =	vld.idx.msk [tilespmem:v3+s7+$0x0 ss:$0x1], $0xffff  }
0x4fc: {  	s8 =	simm.s32 $0x40  }
.LBB2_36:
0x4fd: {  	s17 =	sshra.s32 s8, $0x2;
	p4 =	sne.s32 s8, $0x6180;
	s8 =	sadd.s32 $0x40, s8  }
.Ltmp17:
0x4fe: {  	v10 =	vmul.f32 v8, v7;
	v8 =	vld.idx.msk [tilespmem:v1+s17+$0x0 ss:$0x1], $0xffff;
	(pc) =	sbr.rel @p4 .LBB2_36-.Ltmp17, $3  }
0x4ff: {  	_ = 	snop  }
0x500: {  	v10 =	vsub.f32 v9, v10;
	v9 =	vld.idx.msk [tilespmem:v3+s17+$0x0 ss:$0x1], $0xffff;
	_ =	sdelay $0x1  }
0x501: {  	[tilespmem:s7+$0x1D200] =	vst v10;
	s7 =	smov.u32 s17  }
0x502: {  	v8 =	vmul.f32 v8, v7;
	_ =	sdelay $0x1  }
0x503: {  	v8 =	vsub.f32 v9, v8;
	_ =	sdelay $0x1  }
0x504: {  	[tilespmem:s7+$0x1D200] =	vst v8  }
0x505: {  	s24 =	simm.s32 $0x0;
	s8 =	rddreg [dreg:$0x10]  }
0x506: {  	[hbm4b:s8+s24] =	stream.linear.scatter [tilespmem:s15], [sflag:$0x3], $0x1870, $0x38;
	[tilespmem:$0x1EA80] =	vst v63  }
0x507: {  	_ =	swait.ge [sflag:s26], $0x1870  }
0x508: {  	[sflag:s26] =	ssyncset.done $0x0  }
0x509: {  	s7 =	simm.s32 $0x0;
	[sflag:s26] =	ssyncadd.s32 $0xFFFFE790  }
0x50a: {  	v8 =	vld.idx.msk [tilespmem:v2+s7+$0x0 ss:$0x1], $0xffff;
	_ =	sdelay $0x1  }
0x50b: {  	v9 =	vld.idx.msk [tilespmem:v4+s7+$0x0 ss:$0x1], $0xffff  }
0x50c: {  	s8 =	simm.s32 $0x40  }
.LBB2_38:
0x50d: {  	s17 =	sshra.s32 s8, $0x2;
	p4 =	sne.s32 s8, $0x6180;
	s8 =	sadd.s32 $0x40, s8  }
.Ltmp18:
0x50e: {  	v10 =	vmul.f32 v8, v7;
	v8 =	vld.idx.msk [tilespmem:v2+s17+$0x0 ss:$0x1], $0xffff;
	(pc) =	sbr.rel @p4 .LBB2_38-.Ltmp18, $3  }
0x50f: {  	_ = 	snop  }
0x510: {  	v10 =	vsub.f32 v9, v10;
	v9 =	vld.idx.msk [tilespmem:v4+s17+$0x0 ss:$0x1], $0xffff;
	_ =	sdelay $0x1  }
0x511: {  	[tilespmem:s7+$0x1D200] =	vst v10;
	s7 =	smov.u32 s17  }
0x512: {  	v7 =	vmul.f32 v8, v7;
	_ =	sdelay $0x1  }
0x513: {  	v7 =	vsub.f32 v9, v7  }
0x514: {  	s16 =	sadd.s32 $0x1, s16  }
0x515: {  	p4 =	sne.s32 s16, s25;
	[tilespmem:s7+$0x1D200] =	vst v7  }
.Ltmp19:
0x516: {  	s7 =	rddreg [dreg:$0x11];
	(pc) =	sbr.rel @p4 .LBB2_1-.Ltmp19, $4  }
0x517: {  	[hbm4b:s7+s5] =	stream.linear.scatter [tilespmem:s15], [sflag:$0x3], $0x1870, $0x38;
	[tilespmem:$0x1EA80] =	vst v63  }
0x518: {  	_ =	swait.ge [sflag:s26], $0x1870  }
0x519: {  	[sflag:s26] =	ssyncset.done $0x0  }
0x51a: {  	[sflag:s26] =	ssyncadd.s32 $0xFFFFE790  }
0x51b: {  	_ =	sfence.sel $0x180000  }
0x51c: {  	[bflag:$0x0] =	sbarrier.arrive $0xFFFF  }
0x51d: {  	_ =	strace $0x90000047  }
0x51e: {  	s0 =	stileid.u32;
	[bflag:$0x2] =	sbarrier.arrive $0xFFFF  }
0x51f: {  	p0 =	sne.s32 s0, $0x0;
	s0 =	rddreg [dreg:$0x5]  }
0x520: {  	s0 =	sadd.s32 @!p0 $0x100000, s0  }
0x521: {  	[sflag:s0] =	ssyncadd.tile.s32 @!p0 $0x1;
	_ =	shalt  }
.Lfunc_end2:
_tile_overlayer_lowered:
.L_overlay_start_2:
0x522: {  	(tag) =	ssettag $0x2  }
0x523: {  	s0 =	rddreg [dreg:$0x0];
	s2 =	stileid.u32  }
0x524: {  	s1 =	rddreg [dreg:$0x1];
	p0 =	sne.s32 s2, $0x0  }
0x525: {  	s3 =	rddreg [dreg:$0x2];
	[bflag:$0x3] =	sbarrier.arrive $0xFFFF;
	s2 =	simm.s32 @!p0 $0x1C03  }
0x526: {  	[timem:s3], [sflag:s2] =	dma.local @!p0 [hbm:s0], s1  }
0x527: {  	s0 =	simm.s32 @!p0 $0x3  }
0x528: {  	_ =	swait.ge @!p0 [sflag:s0], s1  }
0x529: {  	s1 =	ssub.s32 @!p0 $0x0, s1;
	[sflag:s0] =	ssyncset.done @!p0 $0x0  }
0x52a: {  	[sflag:s0] =	ssyncadd.s32 @!p0 s1  }
0x52b: {  	[bflag:$0x3] =	sbarrier.arrive $0xFFFF  }
0x52c: {  	_ =	shalt  }

</sc_bundles>
